<compile_context>
chip_gen: v7x
topology: tpu7x:2x2x1
jax: 0.10.2.dev20260603
libtpu: 0.0.44.dev20260713+nightly
codegen_flags: <defaults>
</compile_context>

<pallas_src>
import functools
import math

import jax
import jax.numpy as jnp
import numpy as np
from jax.experimental import pallas as pl
from jax.experimental.pallas import tpu as pltpu

SEQ = 2048
ENC_IN = 32
D_MODEL = 768
N_HEADS = 12
DH = D_MODEL // N_HEADS
D_FF = 3072
E_LAYERS = 2
FACTOR = 5
NUM_CLASSES = 10
U = min(FACTOR * int(np.ceil(np.log(SEQ))), SEQ)
TILE = 256
NT = SEQ // TILE

_HI = jax.lax.Precision.DEFAULT
_BF = jnp.bfloat16


def _mm_nt(a, b):
    return jax.lax.dot_general(a.astype(_BF), b.astype(_BF),
                               (((1,), (1,)), ((), ())),
                               preferred_element_type=jnp.float32, precision=_HI)


def _mm_nn(a, b):
    return jax.lax.dot_general(a.astype(_BF), b.astype(_BF),
                               (((1,), (0,)), ((), ())),
                               preferred_element_type=jnp.float32, precision=_HI)


def _mm_tn(a, b):
    return jax.lax.dot_general(a.astype(_BF), b.astype(_BF),
                               (((0,), (0,)), ((), ())),
                               preferred_element_type=jnp.float32, precision=_HI)


def _ln2d(x, g, b):
    m = jnp.mean(x, axis=1, keepdims=True)
    d = x - m
    v = jnp.mean(d * d, axis=1, keepdims=True)
    return d * jax.lax.rsqrt(v + 1e-5) * g + b


def _gelu(x):
    return 0.5 * x * (1.0 + jax.lax.erf(x * (1.0 / math.sqrt(2.0))))


def _pos_emb_np():
    pos = np.arange(SEQ)[:, None].astype(np.float32)
    div = np.exp(np.arange(0, D_MODEL, 2).astype(np.float32)
                 * (-math.log(10000.0) / D_MODEL))
    pe = np.zeros((SEQ, D_MODEL), np.float32)
    pe[:, 0::2] = np.sin(pos * div)
    pe[:, 1::2] = np.cos(pos * div)
    return pe


_POS = _pos_emb_np()



_M32 = np.uint64(0xFFFFFFFF)


def _threefry2x32(k1, k2, x0, x1):
    rots = ((13, 15, 26, 6), (17, 29, 16, 24))
    ks = [np.uint64(k1), np.uint64(k2)]
    ks.append(ks[0] ^ ks[1] ^ np.uint64(0x1BD11BDA))
    x0 = (x0 + ks[0]) & _M32
    x1 = (x1 + ks[1]) & _M32
    for i in range(5):
        for r in rots[i % 2]:
            x0 = (x0 + x1) & _M32
            x1 = ((x1 << np.uint64(r)) | (x1 >> np.uint64(32 - r))) & _M32
            x1 = x0 ^ x1
        x0 = (x0 + ks[(i + 1) % 3]) & _M32
        x1 = (x1 + ks[(i + 2) % 3] + np.uint64(i + 1)) & _M32
    return x0, x1


def _sample_idx(layer):
    a, b = _threefry2x32(0, 42, np.array([0], np.uint64),
                         np.array([layer], np.uint64))
    b1, b2 = _threefry2x32(a[0], b[0], np.array([0, 0], np.uint64),
                           np.array([0, 1], np.uint64))
    k2 = (b1[1], b2[1])
    n = SEQ * U
    lo1, lo2 = _threefry2x32(k2[0], k2[1], np.zeros(n, np.uint64),
                             np.arange(n, dtype=np.uint64))
    return ((lo1 ^ lo2) % np.uint64(SEQ)).astype(np.int64).reshape(SEQ, U)


def _build_counts():
    out = []
    for l in range(E_LAYERS):
        c = np.zeros((SEQ, SEQ), np.int8)
        np.add.at(c, (np.arange(SEQ)[:, None], _sample_idx(l)), 1)
        out.append(c)
    return out


_COUNTS = _build_counts()



def _embed_body(win_ref, tw_ref, pos_ref, out_ref):
    out_ref[...] = _mm_nt(win_ref[...], tw_ref[...]) + pos_ref[...]


def _qkv_body(h_ref, wq_ref, wk_ref, wv_ref, bq_ref, bk_ref, bv_ref,
              q_ref, k_ref, v_ref):
    ht = h_ref[...]
    for w_ref, b_ref, out_ref in ((wq_ref, bq_ref, q_ref),
                                  (wk_ref, bk_ref, k_ref),
                                  (wv_ref, bv_ref, v_ref)):
        val = (_mm_nt(ht, w_ref[0]) + b_ref[0]).astype(_BF)
        for n in range(N_HEADS):
            out_ref[n] = val[:, n * DH:(n + 1) * DH]


def _score_body(q_ref, k_ref, cnt_ref, m_ref):
    c8 = cnt_ref[...]
    cb = c8.astype(_BF)
    madd = jnp.where(cb > 0, jnp.bfloat16(0), jnp.bfloat16(-3e38))
    for h in range(N_HEADS):
        s = _mm_nt(q_ref[h], k_ref[h]).astype(_BF)
        mx = jnp.max(s + madd, axis=1).astype(jnp.float32)
        sm = jnp.sum(s * cb, axis=1).astype(jnp.float32)
        m_ref[h] = (mx - sm * (1.0 / SEQ)).reshape(1, TILE)


def _topk_body(m_ref, p_ref):
    m = m_ref[...]
    iota = jax.lax.broadcasted_iota(jnp.int32, (N_HEADS, SEQ), 1)

    def step(i, mcur):
        mx = jnp.max(mcur, axis=1, keepdims=True)
        sel = jnp.min(jnp.where(mcur == mx, iota, SEQ), axis=1, keepdims=True)
        hit = iota == sel
        p_ref[:, pl.ds(i, 1), :] = hit.astype(jnp.float32)[:, None, :]
        return jnp.where(hit, -jnp.inf, mcur)

    jax.lax.fori_loop(0, U, step, m)


def _attn_body(q_ref, k_ref, v_ref, p_ref, ctx_ref):
    p = p_ref[0]
    q_red = _mm_nn(p, q_ref[0])
    s = _mm_nt(q_red, k_ref[0]) * (1.0 / math.sqrt(DH))
    mx = jnp.max(s, axis=1, keepdims=True)
    e = jnp.exp(s - mx)
    a = e / jnp.sum(e, axis=1, keepdims=True)
    upd = _mm_nn(a, v_ref[0])
    meanv = jnp.mean(v_ref[0].astype(jnp.float32), axis=0, keepdims=True)
    selcol = _mm_tn(p, jnp.ones((U, 1), jnp.float32))
    ctx_ref[...] = ((1.0 - selcol) * meanv + _mm_tn(p, upd))[None]


def _proj_ln_body(ctx_ref, h_ref, wo_ref, bo_ref, g_ref, b_ref, out_ref):
    ctx = jnp.concatenate([ctx_ref[n] for n in range(N_HEADS)], axis=1)
    x = h_ref[...] + _mm_nt(ctx, wo_ref[0]) + bo_ref[0]
    out_ref[...] = _ln2d(x, g_ref[0], b_ref[0])


def _ffn_body(h_ref, w1_ref, b1_ref, w2_ref, b2_ref, g_ref, b_ref, out_ref):
    t1 = _gelu(_mm_nt(h_ref[...], w1_ref[0]) + b1_ref[0])
    y = _mm_nt(t1, w2_ref[0]) + b2_ref[0]
    out_ref[...] = _ln2d(h_ref[...] + y, g_ref[0], b_ref[0])


def _clf_body(h_ref, ng_ref, nb_ref, cw_ref, cb_ref, lab_ref,
              logits_ref, loss_ref, acc_ref):
    t = pl.program_id(0)

    @pl.when(t == 0)
    def _():
        acc_ref[...] = jnp.zeros_like(acc_ref)

    g = _gelu(_ln2d(h_ref[...], ng_ref[...], nb_ref[...]))
    contrib = [jnp.sum(g * cw_ref[j]) for j in range(NUM_CLASSES)]
    acc_ref[...] += jnp.stack(contrib).reshape(1, NUM_CLASSES)

    lg = acc_ref[...] + cb_ref[...]
    logits_ref[...] = lg
    m = jnp.max(lg)
    lse = m + jnp.log(jnp.sum(jnp.exp(lg - m)))
    iot = jax.lax.broadcasted_iota(jnp.int32, (1, NUM_CLASSES), 1)
    picked = jnp.sum(jnp.where(iot == lab_ref[0], lg, 0.0))
    loss_ref[...] = jnp.full((1, 1), lse - picked, jnp.float32)



def _embed(win, tw, pos):
    return pl.pallas_call(
        _embed_body,
        grid=(NT,),
        in_specs=[
            pl.BlockSpec((TILE, ENC_IN * 3), lambda t: (t, 0)),
            pl.BlockSpec((D_MODEL, ENC_IN * 3), lambda t: (0, 0)),
            pl.BlockSpec((TILE, D_MODEL), lambda t: (t, 0)),
        ],
        out_specs=pl.BlockSpec((TILE, D_MODEL), lambda t: (t, 0)),
        out_shape=jax.ShapeDtypeStruct((SEQ, D_MODEL), jnp.float32),
    )(win, tw, pos)


def _qkv(l, h, wq, wk, wv, bq, bk, bv):
    hm = jax.ShapeDtypeStruct((N_HEADS, SEQ, DH), _BF)
    hm_spec = pl.BlockSpec((N_HEADS, TILE, DH), lambda t: (0, t, 0))
    w_spec = pl.BlockSpec((1, D_MODEL, D_MODEL), lambda t: (l, 0, 0))
    b_spec = pl.BlockSpec((1, 1, D_MODEL), lambda t: (l, 0, 0))
    return pl.pallas_call(
        _qkv_body,
        grid=(NT,),
        in_specs=[
            pl.BlockSpec((TILE, D_MODEL), lambda t: (t, 0)),
            w_spec, w_spec, w_spec, b_spec, b_spec, b_spec,
        ],
        out_specs=[hm_spec, hm_spec, hm_spec],
        out_shape=[hm, hm, hm],
    )(h, wq, wk, wv, bq, bk, bv)


def _score(q3, k3, cnt):
    m = pl.pallas_call(
        _score_body,
        grid=(NT,),
        in_specs=[
            pl.BlockSpec((N_HEADS, TILE, DH), lambda t: (0, t, 0)),
            pl.BlockSpec((N_HEADS, SEQ, DH), lambda t: (0, 0, 0)),
            pl.BlockSpec((TILE, SEQ), lambda t: (t, 0)),
        ],
        out_specs=pl.BlockSpec((N_HEADS, 1, TILE), lambda t: (0, 0, t)),
        out_shape=jax.ShapeDtypeStruct((N_HEADS, 1, SEQ), jnp.float32),
    )(q3, k3, cnt)
    return m.reshape(N_HEADS, SEQ)


def _topk(m):
    return pl.pallas_call(
        _topk_body,
        out_shape=jax.ShapeDtypeStruct((N_HEADS, U, SEQ), jnp.float32),
    )(m)


def _attn(q3, k3, v3, p):
    return pl.pallas_call(
        _attn_body,
        grid=(N_HEADS,),
        in_specs=[
            pl.BlockSpec((1, SEQ, DH), lambda h: (h, 0, 0)),
            pl.BlockSpec((1, SEQ, DH), lambda h: (h, 0, 0)),
            pl.BlockSpec((1, SEQ, DH), lambda h: (h, 0, 0)),
            pl.BlockSpec((1, U, SEQ), lambda h: (h, 0, 0)),
        ],
        out_specs=pl.BlockSpec((1, SEQ, DH), lambda h: (h, 0, 0)),
        out_shape=jax.ShapeDtypeStruct((N_HEADS, SEQ, DH), jnp.float32),
    )(q3, k3, v3, p)


def _proj_ln(l, ctx, h, wo, bo, g, b):
    v_spec = pl.BlockSpec((1, 1, D_MODEL), lambda t: (l, 0, 0))
    return pl.pallas_call(
        _proj_ln_body,
        grid=(NT,),
        in_specs=[
            pl.BlockSpec((N_HEADS, TILE, DH), lambda t: (0, t, 0)),
            pl.BlockSpec((TILE, D_MODEL), lambda t: (t, 0)),
            pl.BlockSpec((1, D_MODEL, D_MODEL), lambda t: (l, 0, 0)),
            v_spec, v_spec, v_spec,
        ],
        out_specs=pl.BlockSpec((TILE, D_MODEL), lambda t: (t, 0)),
        out_shape=jax.ShapeDtypeStruct((SEQ, D_MODEL), jnp.float32),
    )(ctx, h, wo, bo, g, b)


def _ffn(l, h, w1, b1, w2, b2, g, b):
    v_spec = pl.BlockSpec((1, 1, D_MODEL), lambda t: (l, 0, 0))
    return pl.pallas_call(
        _ffn_body,
        grid=(NT,),
        in_specs=[
            pl.BlockSpec((TILE, D_MODEL), lambda t: (t, 0)),
            pl.BlockSpec((1, D_FF, D_MODEL), lambda t: (l, 0, 0)),
            pl.BlockSpec((1, 1, D_FF), lambda t: (l, 0, 0)),
            pl.BlockSpec((1, D_MODEL, D_FF), lambda t: (l, 0, 0)),
            v_spec, v_spec, v_spec,
        ],
        out_specs=pl.BlockSpec((TILE, D_MODEL), lambda t: (t, 0)),
        out_shape=jax.ShapeDtypeStruct((SEQ, D_MODEL), jnp.float32),
    )(h, w1, b1, w2, b2, g, b)


def _classifier(h, ng, nb, cw3, cb, label):
    return pl.pallas_call(
        _clf_body,
        grid=(NT,),
        in_specs=[
            pl.BlockSpec((TILE, D_MODEL), lambda t: (t, 0)),
            pl.BlockSpec((1, D_MODEL), lambda t: (0, 0)),
            pl.BlockSpec((1, D_MODEL), lambda t: (0, 0)),
            pl.BlockSpec((NUM_CLASSES, TILE, D_MODEL), lambda t: (0, t, 0)),
            pl.BlockSpec((1, NUM_CLASSES), lambda t: (0, 0)),
            pl.BlockSpec(memory_space=pltpu.SMEM),
        ],
        out_specs=[
            pl.BlockSpec((1, NUM_CLASSES), lambda t: (0, 0)),
            pl.BlockSpec((1, 1), lambda t: (0, 0)),
        ],
        out_shape=[
            jax.ShapeDtypeStruct((1, NUM_CLASSES), jnp.float32),
            jax.ShapeDtypeStruct((1, 1), jnp.float32),
        ],
        scratch_shapes=[pltpu.VMEM((1, NUM_CLASSES), jnp.float32)],
    )(h, ng, nb, cw3, cb, label)


def kernel(x_enc, label, token_w, Wq, bq, Wk, bk, Wv, bv, Wo, bo,
           conv1_w, conv1_b, conv2_w, conv2_b, ln1_g, ln1_b, ln2_g, ln2_b,
           norm_g, norm_b, clf_w, clf_b):
    x = jnp.transpose(x_enc, (0, 2, 1))[0]
    xp = jnp.concatenate([x[-1:], x, x[:1]], axis=0)
    win = jnp.stack([xp[:-2], xp[1:-1], xp[2:]], axis=-1)
    win2 = win.reshape(SEQ, ENC_IN * 3)
    tw2 = token_w.reshape(D_MODEL, ENC_IN * 3)
    h = _embed(win2, tw2, jnp.asarray(_POS))

    r3 = lambda a: a.reshape(E_LAYERS, 1, -1)
    for l in range(E_LAYERS):
        q3, k3, v3 = _qkv(l, h, Wq, Wk, Wv, r3(bq), r3(bk), r3(bv))
        m = _score(q3, k3, jnp.asarray(_COUNTS[l]))
        p = _topk(m)
        ctx3 = _attn(q3, k3, v3, p)
        h = _proj_ln(l, ctx3, h, Wo, r3(bo), r3(ln1_g), r3(ln1_b))
        h = _ffn(l, h, conv1_w, r3(conv1_b), conv2_w, r3(conv2_b),
                 r3(ln2_g), r3(ln2_b))

    cw3 = clf_w.reshape(NUM_CLASSES, SEQ, D_MODEL)
    logits, loss = _classifier(h, norm_g.reshape(1, -1), norm_b.reshape(1, -1),
                               cw3, clf_b.reshape(1, NUM_CLASSES),
                               label.astype(jnp.int32))
    return logits, loss.reshape(())

# --- scband reference (transcript-rebuilt; emitter-appended) ---
"""Pipeline reference for scband-model-33406255628764 (READ-ONLY COPY).

The authoritative reference and input builder live on the scoring server;
editing this copy changes nothing except your own understanding.
"""

import math
import jax
import jax.numpy as jnp
import numpy as np

B = 1; SEQ = 2048; ENC_IN = 32; D_MODEL = 768; N_HEADS = 12; D_FF = 3072; E_LAYERS = 2; FACTOR = 5; NUM_CLASSES = 10


def setup_inputs():
    ks = jax.random.split(jax.random.key(0), 12)
    s = 0.02
    def pw(k, shape):
        return jax.random.normal(k, shape, jnp.float32) * s
    inp = {}
    inp['x_enc'] = jax.random.normal(ks[0], (B, ENC_IN, SEQ), jnp.float32)
    inp['label'] = jax.random.randint(ks[1], (B,), 0, NUM_CLASSES)
    inp['token_w'] = pw(ks[2], (D_MODEL, ENC_IN, 3))
    inp['Wq'] = pw(ks[3], (E_LAYERS, D_MODEL, D_MODEL)); inp['bq'] = jnp.zeros((E_LAYERS, D_MODEL), jnp.float32)
    inp['Wk'] = pw(ks[4], (E_LAYERS, D_MODEL, D_MODEL)); inp['bk'] = jnp.zeros((E_LAYERS, D_MODEL), jnp.float32)
    inp['Wv'] = pw(ks[5], (E_LAYERS, D_MODEL, D_MODEL)); inp['bv'] = jnp.zeros((E_LAYERS, D_MODEL), jnp.float32)
    inp['Wo'] = pw(ks[6], (E_LAYERS, D_MODEL, D_MODEL)); inp['bo'] = jnp.zeros((E_LAYERS, D_MODEL), jnp.float32)
    inp['conv1_w'] = pw(ks[7], (E_LAYERS, D_FF, D_MODEL)); inp['conv1_b'] = jnp.zeros((E_LAYERS, D_FF), jnp.float32)
    inp['conv2_w'] = pw(ks[8], (E_LAYERS, D_MODEL, D_FF)); inp['conv2_b'] = jnp.zeros((E_LAYERS, D_MODEL), jnp.float32)
    inp['ln1_g'] = jnp.ones((E_LAYERS, D_MODEL), jnp.float32); inp['ln1_b'] = jnp.zeros((E_LAYERS, D_MODEL), jnp.float32)
    inp['ln2_g'] = jnp.ones((E_LAYERS, D_MODEL), jnp.float32); inp['ln2_b'] = jnp.zeros((E_LAYERS, D_MODEL), jnp.float32)
    inp['norm_g'] = jnp.ones((D_MODEL,), jnp.float32); inp['norm_b'] = jnp.zeros((D_MODEL,), jnp.float32)
    inp['clf_w'] = jax.random.normal(ks[9], (NUM_CLASSES, D_MODEL * SEQ), jnp.float32) * 0.001
    inp['clf_b'] = jnp.zeros((NUM_CLASSES,), jnp.float32)
    return inp


def _ln(x, g, b):
    m = x.mean(-1, keepdims=True)
    v = ((x - m) ** 2).mean(-1, keepdims=True)
    return (x - m) / jnp.sqrt(v + 1e-5) * g + b


def _pos_emb(L, d):
    pos = np.arange(L)[:, None].astype(np.float32)
    div = np.exp(np.arange(0, d, 2).astype(np.float32) * (-math.log(10000.0) / d))
    pe = np.zeros((L, d), np.float32)
    pe[:, 0::2] = np.sin(pos * div)
    pe[:, 1::2] = np.cos(pos * div)
    return jnp.asarray(pe)


def _prob_attn(Q, K, V, rkey):
    Bn, H, LQ, D = Q.shape
    LK = K.shape[2]
    U_part = min(FACTOR * int(np.ceil(np.log(LK))), LK)
    u = min(FACTOR * int(np.ceil(np.log(LQ))), LQ)
    idx = jax.random.randint(rkey, (LQ, U_part), 0, LK)
    K_s = K[:, :, idx, :]
    QKs = jnp.einsum('bhld,bhlud->bhlu', Q, K_s)
    M = QKs.max(-1) - QKs.sum(-1) / LK
    M_top = jax.lax.top_k(M, u)[1]
    Q_red = jnp.take_along_axis(Q, M_top[..., None], axis=2)
    scores = jnp.einsum('bhud,bhkd->bhuk', Q_red, K) * (1.0 / math.sqrt(D))
    attn = jax.nn.softmax(scores, axis=-1)
    ctx = jnp.broadcast_to(V.mean(axis=2, keepdims=True), (Bn, H, LQ, D))
    upd = jnp.einsum('bhuk,bhkd->bhud', attn, V)
    b_i = jnp.arange(Bn)[:, None, None]
    h_i = jnp.arange(H)[None, :, None]
    return ctx.at[b_i, h_i, M_top].set(upd)


def _forward(x_enc, label, token_w, Wq, bq, Wk, bk, Wv, bv, Wo, bo, conv1_w, conv1_b, conv2_w, conv2_b, ln1_g, ln1_b, ln2_g, ln2_b, norm_g, norm_b, clf_w, clf_b):
    x = jnp.transpose(x_enc, (0, 2, 1))
    xp = jnp.concatenate([x[:, -1:], x, x[:, :1]], axis=1)
    win = jnp.stack([xp[:, :-2], xp[:, 1:-1], xp[:, 2:]], axis=-1)
    h = jnp.einsum('blck,dck->bld', win, token_w) + _pos_emb(SEQ, D_MODEL)[None]
    Bn = h.shape[0]
    dh = D_MODEL // N_HEADS
    for l in range(E_LAYERS):
        q = (h @ Wq[l].T + bq[l]).reshape(Bn, SEQ, N_HEADS, dh).transpose(0, 2, 1, 3)
        k = (h @ Wk[l].T + bk[l]).reshape(Bn, SEQ, N_HEADS, dh).transpose(0, 2, 1, 3)
        v = (h @ Wv[l].T + bv[l]).reshape(Bn, SEQ, N_HEADS, dh).transpose(0, 2, 1, 3)
        ctx = _prob_attn(q, k, v, jax.random.fold_in(jax.random.key(42), l))
        ctx = ctx.transpose(0, 2, 1, 3).reshape(Bn, SEQ, D_MODEL)
        h = h + (ctx @ Wo[l].T + bo[l])
        h = _ln(h, ln1_g[l], ln1_b[l])
        y = jax.nn.gelu(h @ conv1_w[l].T + conv1_b[l], approximate=False)
        y = y @ conv2_w[l].T + conv2_b[l]
        h = _ln(h + y, ln2_g[l], ln2_b[l])
    h = _ln(h, norm_g, norm_b)
    out = jax.nn.gelu(h, approximate=False).reshape(Bn, -1)
    logits = out @ clf_w.T + clf_b
    logp = logits - jax.scipy.special.logsumexp(logits, axis=-1, keepdims=True)
    loss = -jnp.take_along_axis(logp, label[:, None], axis=1).mean()
    return logits, loss


def reference(x_enc, label, token_w, Wq, bq, Wk, bk, Wv, bv, Wo, bo, conv1_w, conv1_b, conv2_w, conv2_b, ln1_g, ln1_b, ln2_g, ln2_b, norm_g, norm_b, clf_w, clf_b):
    return _forward(x_enc, label, token_w, Wq, bq, Wk, bk, Wv, bv, Wo, bo, conv1_w, conv1_b, conv2_w, conv2_b, ln1_g, ln1_b, ln2_g, ln2_b, norm_g, norm_b, clf_w, clf_b)

if __name__ == "__main__":
    import jax
    _d = setup_inputs()
    print(jax.jit(kernel)(*tuple(_d.values())))

</pallas_src>

<mosaic_0001>
module attributes {stable_mosaic.version = 14 : i64} {
  func.func @_embed_body(%arg0: i32, %arg1: memref<256x96xf32, #tpu.memory_space<vmem>>, %arg2: memref<768x96xf32, #tpu.memory_space<vmem>>, %arg3: memref<256x768xf32, #tpu.memory_space<vmem>>, %arg4: memref<256x768xf32, #tpu.memory_space<vmem>>) attributes {dimension_semantics = [#tpu.dimension_semantics<arbitrary>], iteration_bounds = array<i64: 8>, scalar_prefetch = 0 : i64, scratch_operands = 0 : i64, tpu.core_type = #tpu.core_type<tc>, window_params = [{transform_indices = @transform_0, window_bounds = array<i64: 256, 96>}, {pipeline_mode = #tpu.pipeline_mode<synchronous>, transform_indices = @transform_1, window_bounds = array<i64: 768, 96>}, {transform_indices = @transform_2, window_bounds = array<i64: 256, 768>}, {transform_indices = @transform_3, window_bounds = array<i64: 256, 768>}]} {
    %get3A = arith.constant 0 : index
    %get3A_0 = arith.constant 0 : index
    %get3A_1 = vector.load %arg1[%get3A, %get3A_0] : memref<256x96xf32, #tpu.memory_space<vmem>>, vector<256x96xf32>
    %get3A_2 = arith.constant 0 : index
    %get3A_3 = arith.constant 0 : index
    %get3A_4 = vector.load %arg2[%get3A_2, %get3A_3] : memref<768x96xf32, #tpu.memory_space<vmem>>, vector<768x96xf32>
    %convert_element_type3A = arith.truncf %get3A_1 : vector<256x96xf32> to vector<256x96xbf16>
    %convert_element_type3A_5 = arith.truncf %get3A_4 : vector<768x96xf32> to vector<768x96xbf16>
    %dot_general3A = arith.constant dense<0.000000e+00> : vector<256x768xf32>
    %dot_general3A_6 = tpu.matmul %convert_element_type3A, %convert_element_type3A_5, %dot_general3A {dimension_numbers = #tpu.dot_dimension_numbers<[1], [1], [0], [0], [0, 0, 1, 0], [], []>, transpose_lhs_hint = false} : vector<256x96xbf16>, vector<768x96xbf16>, vector<256x768xf32> -> vector<256x768xf32>
    %get3A_7 = arith.constant 0 : index
    %get3A_8 = arith.constant 0 : index
    %get3A_9 = vector.load %arg3[%get3A_7, %get3A_8] : memref<256x768xf32, #tpu.memory_space<vmem>>, vector<256x768xf32>
    %add3A = arith.addf %dot_general3A_6, %get3A_9 : vector<256x768xf32>
    %swap3A = arith.constant 0 : index
    %swap3A_10 = arith.constant 0 : index
    %swap3A_11 = vector.load %arg4[%swap3A, %swap3A_10] : memref<256x768xf32, #tpu.memory_space<vmem>>, vector<256x768xf32>
    tpu.vector_store %arg4[%swap3A, %swap3A_10], %add3A {strides = array<i32>} : memref<256x768xf32, #tpu.memory_space<vmem>>, vector<256x768xf32>,
    return
  }
  func.func @transform_0(%arg0: i32) -> (i32, i32) {
    %c0_i32 = arith.constant 0 : i32
    %c0_i32_0 = arith.constant 0 : i32
    return %arg0, %c0_i32 : i32, i32
  }
  func.func @transform_1(%arg0: i32) -> (i32, i32) {
    %c0_i32 = arith.constant 0 : i32
    %c0_i32_0 = arith.constant 0 : i32
    %c0_i32_1 = arith.constant 0 : i32
    return %c0_i32, %c0_i32_0 : i32, i32
  }
  func.func @transform_2(%arg0: i32) -> (i32, i32) {
    %c0_i32 = arith.constant 0 : i32
    %c0_i32_0 = arith.constant 0 : i32
    return %arg0, %c0_i32 : i32, i32
  }
  func.func @transform_3(%arg0: i32) -> (i32, i32) {
    %c0_i32 = arith.constant 0 : i32
    %c0_i32_0 = arith.constant 0 : i32
    return %arg0, %c0_i32 : i32, i32
  }
}

module attributes {stable_mosaic.version = 14 : i64} {
  func.func @_qkv_body(%arg0: i32, %arg1: memref<256x768xf32, #tpu.memory_space<vmem>>, %arg2: memref<1x768x768xf32, #tpu.memory_space<vmem>>, %arg3: memref<1x768x768xf32, #tpu.memory_space<vmem>>, %arg4: memref<1x768x768xf32, #tpu.memory_space<vmem>>, %arg5: memref<1x1x768xf32, #tpu.memory_space<vmem>>, %arg6: memref<1x1x768xf32, #tpu.memory_space<vmem>>, %arg7: memref<1x1x768xf32, #tpu.memory_space<vmem>>, %arg8: memref<12x256x64xbf16, #tpu.memory_space<vmem>>, %arg9: memref<12x256x64xbf16, #tpu.memory_space<vmem>>, %arg10: memref<12x256x64xbf16, #tpu.memory_space<vmem>>) attributes {dimension_semantics = [#tpu.dimension_semantics<arbitrary>], iteration_bounds = array<i64: 8>, scalar_prefetch = 0 : i64, scratch_operands = 0 : i64, tpu.core_type = #tpu.core_type<tc>, window_params = [{transform_indices = @transform_0, window_bounds = array<i64: 256, 768>}, {transform_indices = @transform_1, window_bounds = array<i64: 1, 768, 768>}, {transform_indices = @transform_2, window_bounds = array<i64: 1, 768, 768>}, {transform_indices = @transform_3, window_bounds = array<i64: 1, 768, 768>}, {transform_indices = @transform_4, window_bounds = array<i64: 1, 1, 768>}, {transform_indices = @transform_5, window_bounds = array<i64: 1, 1, 768>}, {transform_indices = @transform_6, window_bounds = array<i64: 1, 1, 768>}, {transform_indices = @transform_7, window_bounds = array<i64: 12, 256, 64>}, {transform_indices = @transform_8, window_bounds = array<i64: 12, 256, 64>}, {transform_indices = @transform_9, window_bounds = array<i64: 12, 256, 64>}]} {
    %get3A = arith.constant 0 : index
    %get3A_0 = arith.constant 0 : index
    %get3A_1 = vector.load %arg1[%get3A, %get3A_0] : memref<256x768xf32, #tpu.memory_space<vmem>>, vector<256x768xf32>
    %get3A_2 = arith.constant 0 : index
    %get3A_3 = arith.constant 0 : index
    %get3A_4 = arith.constant 0 : index
    %get3A_5 = vector.load %arg2[%get3A_2, %get3A_3, %get3A_4] : memref<1x768x768xf32, #tpu.memory_space<vmem>>, vector<1x768x768xf32>
    %get3A_6 = vector.shape_cast %get3A_5 : vector<1x768x768xf32> to vector<768x768xf32>
    %convert_element_type3A = arith.truncf %get3A_1 : vector<256x768xf32> to vector<256x768xbf16>
    %convert_element_type3A_7 = arith.truncf %get3A_6 : vector<768x768xf32> to vector<768x768xbf16>
    %dot_general3A = arith.constant dense<0.000000e+00> : vector<256x768xf32>
    %dot_general3A_8 = tpu.matmul %convert_element_type3A, %convert_element_type3A_7, %dot_general3A {dimension_numbers = #tpu.dot_dimension_numbers<[1], [1], [0], [0], [0, 0, 1, 0], [], []>, transpose_lhs_hint = false} : vector<256x768xbf16>, vector<768x768xbf16>, vector<256x768xf32> -> vector<256x768xf32>
    %get3A_9 = arith.constant 0 : index
    %get3A_10 = arith.constant 0 : index
    %get3A_11 = arith.constant 0 : index
    %get3A_12 = vector.load %arg5[%get3A_9, %get3A_10, %get3A_11] : memref<1x1x768xf32, #tpu.memory_space<vmem>>, vector<1x1x768xf32>
    %get3A_13 = vector.shape_cast %get3A_12 : vector<1x1x768xf32> to vector<1x768xf32>
    %add3A = vector.broadcast %get3A_13 : vector<1x768xf32> to vector<256x768xf32>
    %add3A_14 = arith.addf %dot_general3A_8, %add3A : vector<256x768xf32>
    %convert_element_type3A_15 = arith.truncf %add3A_14 : vector<256x768xf32> to vector<256x768xbf16>
    %slice3A = vector.extract_strided_slice %convert_element_type3A_15 {offsets = [0, 0], sizes = [256, 64], strides = [1, 1]} : vector<256x768xbf16> to vector<256x64xbf16>
    %swap3A = arith.constant 0 : index
    %swap3A_16 = arith.constant 0 : index
    %swap3A_17 = arith.constant 0 : index
    %swap3A_18 = vector.load %arg8[%swap3A, %swap3A_16, %swap3A_17] : memref<12x256x64xbf16, #tpu.memory_space<vmem>>, vector<1x256x64xbf16>
    %swap3A_19 = vector.shape_cast %swap3A_18 : vector<1x256x64xbf16> to vector<256x64xbf16>
    %swap3A_20 = vector.shape_cast %slice3A : vector<256x64xbf16> to vector<1x256x64xbf16>
    tpu.vector_store %arg8[%swap3A, %swap3A_16, %swap3A_17], %swap3A_20 {strides = array<i32>} : memref<12x256x64xbf16, #tpu.memory_space<vmem>>, vector<1x256x64xbf16>,
    %slice3A_21 = vector.extract_strided_slice %convert_element_type3A_15 {offsets = [0, 64], sizes = [256, 64], strides = [1, 1]} : vector<256x768xbf16> to vector<256x64xbf16>
    %swap3A_22 = arith.constant 1 : index
    %swap3A_23 = arith.constant 0 : index
    %swap3A_24 = arith.constant 0 : index
    %swap3A_25 = vector.load %arg8[%swap3A_22, %swap3A_23, %swap3A_24] : memref<12x256x64xbf16, #tpu.memory_space<vmem>>, vector<1x256x64xbf16>
    %swap3A_26 = vector.shape_cast %swap3A_25 : vector<1x256x64xbf16> to vector<256x64xbf16>
    %swap3A_27 = vector.shape_cast %slice3A_21 : vector<256x64xbf16> to vector<1x256x64xbf16>
    tpu.vector_store %arg8[%swap3A_22, %swap3A_23, %swap3A_24], %swap3A_27 {strides = array<i32>} : memref<12x256x64xbf16, #tpu.memory_space<vmem>>, vector<1x256x64xbf16>,
    %slice3A_28 = vector.extract_strided_slice %convert_element_type3A_15 {offsets = [0, 128], sizes = [256, 64], strides = [1, 1]} : vector<256x768xbf16> to vector<256x64xbf16>
    %swap3A_29 = arith.constant 2 : index
    %swap3A_30 = arith.constant 0 : index
    %swap3A_31 = arith.constant 0 : index
    %swap3A_32 = vector.load %arg8[%swap3A_29, %swap3A_30, %swap3A_31] : memref<12x256x64xbf16, #tpu.memory_space<vmem>>, vector<1x256x64xbf16>
    %swap3A_33 = vector.shape_cast %swap3A_32 : vector<1x256x64xbf16> to vector<256x64xbf16>
    %swap3A_34 = vector.shape_cast %slice3A_28 : vector<256x64xbf16> to vector<1x256x64xbf16>
    tpu.vector_store %arg8[%swap3A_29, %swap3A_30, %swap3A_31], %swap3A_34 {strides = array<i32>} : memref<12x256x64xbf16, #tpu.memory_space<vmem>>, vector<1x256x64xbf16>,
    %slice3A_35 = vector.extract_strided_slice %convert_element_type3A_15 {offsets = [0, 192], sizes = [256, 64], strides = [1, 1]} : vector<256x768xbf16> to vector<256x64xbf16>
    %swap3A_36 = arith.constant 3 : index
    %swap3A_37 = arith.constant 0 : index
    %swap3A_38 = arith.constant 0 : index
    %swap3A_39 = vector.load %arg8[%swap3A_36, %swap3A_37, %swap3A_38] : memref<12x256x64xbf16, #tpu.memory_space<vmem>>, vector<1x256x64xbf16>
    %swap3A_40 = vector.shape_cast %swap3A_39 : vector<1x256x64xbf16> to vector<256x64xbf16>
    %swap3A_41 = vector.shape_cast %slice3A_35 : vector<256x64xbf16> to vector<1x256x64xbf16>
    tpu.vector_store %arg8[%swap3A_36, %swap3A_37, %swap3A_38], %swap3A_41 {strides = array<i32>} : memref<12x256x64xbf16, #tpu.memory_space<vmem>>, vector<1x256x64xbf16>,
    %slice3A_42 = vector.extract_strided_slice %convert_element_type3A_15 {offsets = [0, 256], sizes = [256, 64], strides = [1, 1]} : vector<256x768xbf16> to vector<256x64xbf16>
    %swap3A_43 = arith.constant 4 : index
    %swap3A_44 = arith.constant 0 : index
    %swap3A_45 = arith.constant 0 : index
    %swap3A_46 = vector.load %arg8[%swap3A_43, %swap3A_44, %swap3A_45] : memref<12x256x64xbf16, #tpu.memory_space<vmem>>, vector<1x256x64xbf16>
    %swap3A_47 = vector.shape_cast %swap3A_46 : vector<1x256x64xbf16> to vector<256x64xbf16>
    %swap3A_48 = vector.shape_cast %slice3A_42 : vector<256x64xbf16> to vector<1x256x64xbf16>
    tpu.vector_store %arg8[%swap3A_43, %swap3A_44, %swap3A_45], %swap3A_48 {strides = array<i32>} : memref<12x256x64xbf16, #tpu.memory_space<vmem>>, vector<1x256x64xbf16>,
    %slice3A_49 = vector.extract_strided_slice %convert_element_type3A_15 {offsets = [0, 320], sizes = [256, 64], strides = [1, 1]} : vector<256x768xbf16> to vector<256x64xbf16>
    %swap3A_50 = arith.constant 5 : index
    %swap3A_51 = arith.constant 0 : index
    %swap3A_52 = arith.constant 0 : index
    %swap3A_53 = vector.load %arg8[%swap3A_50, %swap3A_51, %swap3A_52] : memref<12x256x64xbf16, #tpu.memory_space<vmem>>, vector<1x256x64xbf16>
    %swap3A_54 = vector.shape_cast %swap3A_53 : vector<1x256x64xbf16> to vector<256x64xbf16>
    %swap3A_55 = vector.shape_cast %slice3A_49 : vector<256x64xbf16> to vector<1x256x64xbf16>
    tpu.vector_store %arg8[%swap3A_50, %swap3A_51, %swap3A_52], %swap3A_55 {strides = array<i32>} : memref<12x256x64xbf16, #tpu.memory_space<vmem>>, vector<1x256x64xbf16>,
    %slice3A_56 = vector.extract_strided_slice %convert_element_type3A_15 {offsets = [0, 384], sizes = [256, 64], strides = [1, 1]} : vector<256x768xbf16> to vector<256x64xbf16>
    %swap3A_57 = arith.constant 6 : index
    %swap3A_58 = arith.constant 0 : index
    %swap3A_59 = arith.constant 0 : index
    %swap3A_60 = vector.load %arg8[%swap3A_57, %swap3A_58, %swap3A_59] : memref<12x256x64xbf16, #tpu.memory_space<vmem>>, vector<1x256x64xbf16>
    %swap3A_61 = vector.shape_cast %swap3A_60 : vector<1x256x64xbf16> to vector<256x64xbf16>
    %swap3A_62 = vector.shape_cast %slice3A_56 : vector<256x64xbf16> to vector<1x256x64xbf16>
    tpu.vector_store %arg8[%swap3A_57, %swap3A_58, %swap3A_59], %swap3A_62 {strides = array<i32>} : memref<12x256x64xbf16, #tpu.memory_space<vmem>>, vector<1x256x64xbf16>,
    %slice3A_63 = vector.extract_strided_slice %convert_element_type3A_15 {offsets = [0, 448], sizes = [256, 64], strides = [1, 1]} : vector<256x768xbf16> to vector<256x64xbf16>
    %swap3A_64 = arith.constant 7 : index
    %swap3A_65 = arith.constant 0 : index
    %swap3A_66 = arith.constant 0 : index
    %swap3A_67 = vector.load %arg8[%swap3A_64, %swap3A_65, %swap3A_66] : memref<12x256x64xbf16, #tpu.memory_space<vmem>>, vector<1x256x64xbf16>
    %swap3A_68 = vector.shape_cast %swap3A_67 : vector<1x256x64xbf16> to vector<256x64xbf16>
    %swap3A_69 = vector.shape_cast %slice3A_63 : vector<256x64xbf16> to vector<1x256x64xbf16>
    tpu.vector_store %arg8[%swap3A_64, %swap3A_65, %swap3A_66], %swap3A_69 {strides = array<i32>} : memref<12x256x64xbf16, #tpu.memory_space<vmem>>, vector<1x256x64xbf16>,
    %slice3A_70 = vector.extract_strided_slice %convert_element_type3A_15 {offsets = [0, 512], sizes = [256, 64], strides = [1, 1]} : vector<256x768xbf16> to vector<256x64xbf16>
    %swap3A_71 = arith.constant 8 : index
    %swap3A_72 = arith.constant 0 : index
    %swap3A_73 = arith.constant 0 : index
    %swap3A_74 = vector.load %arg8[%swap3A_71, %swap3A_72, %swap3A_73] : memref<12x256x64xbf16, #tpu.memory_space<vmem>>, vector<1x256x64xbf16>
    %swap3A_75 = vector.shape_cast %swap3A_74 : vector<1x256x64xbf16> to vector<256x64xbf16>
    %swap3A_76 = vector.shape_cast %slice3A_70 : vector<256x64xbf16> to vector<1x256x64xbf16>
    tpu.vector_store %arg8[%swap3A_71, %swap3A_72, %swap3A_73], %swap3A_76 {strides = array<i32>} : memref<12x256x64xbf16, #tpu.memory_space<vmem>>, vector<1x256x64xbf16>,
    %slice3A_77 = vector.extract_strided_slice %convert_element_type3A_15 {offsets = [0, 576], sizes = [256, 64], strides = [1, 1]} : vector<256x768xbf16> to vector<256x64xbf16>
    %swap3A_78 = arith.constant 9 : index
    %swap3A_79 = arith.constant 0 : index
    %swap3A_80 = arith.constant 0 : index
    %swap3A_81 = vector.load %arg8[%swap3A_78, %swap3A_79, %swap3A_80] : memref<12x256x64xbf16, #tpu.memory_space<vmem>>, vector<1x256x64xbf16>
    %swap3A_82 = vector.shape_cast %swap3A_81 : vector<1x256x64xbf16> to vector<256x64xbf16>
    %swap3A_83 = vector.shape_cast %slice3A_77 : vector<256x64xbf16> to vector<1x256x64xbf16>
    tpu.vector_store %arg8[%swap3A_78, %swap3A_79, %swap3A_80], %swap3A_83 {strides = array<i32>} : memref<12x256x64xbf16, #tpu.memory_space<vmem>>, vector<1x256x64xbf16>,
    %slice3A_84 = vector.extract_strided_slice %convert_element_type3A_15 {offsets = [0, 640], sizes = [256, 64], strides = [1, 1]} : vector<256x768xbf16> to vector<256x64xbf16>
    %swap3A_85 = arith.constant 10 : index
    %swap3A_86 = arith.constant 0 : index
    %swap3A_87 = arith.constant 0 : index
    %swap3A_88 = vector.load %arg8[%swap3A_85, %swap3A_86, %swap3A_87] : memref<12x256x64xbf16, #tpu.memory_space<vmem>>, vector<1x256x64xbf16>
    %swap3A_89 = vector.shape_cast %swap3A_88 : vector<1x256x64xbf16> to vector<256x64xbf16>
    %swap3A_90 = vector.shape_cast %slice3A_84 : vector<256x64xbf16> to vector<1x256x64xbf16>
    tpu.vector_store %arg8[%swap3A_85, %swap3A_86, %swap3A_87], %swap3A_90 {strides = array<i32>} : memref<12x256x64xbf16, #tpu.memory_space<vmem>>, vector<1x256x64xbf16>,
    %slice3A_91 = vector.extract_strided_slice %convert_element_type3A_15 {offsets = [0, 704], sizes = [256, 64], strides = [1, 1]} : vector<256x768xbf16> to vector<256x64xbf16>
    %swap3A_92 = arith.constant 11 : index
    %swap3A_93 = arith.constant 0 : index
    %swap3A_94 = arith.constant 0 : index
    %swap3A_95 = vector.load %arg8[%swap3A_92, %swap3A_93, %swap3A_94] : memref<12x256x64xbf16, #tpu.memory_space<vmem>>, vector<1x256x64xbf16>
    %swap3A_96 = vector.shape_cast %swap3A_95 : vector<1x256x64xbf16> to vector<256x64xbf16>
    %swap3A_97 = vector.shape_cast %slice3A_91 : vector<256x64xbf16> to vector<1x256x64xbf16>
    tpu.vector_store %arg8[%swap3A_92, %swap3A_93, %swap3A_94], %swap3A_97 {strides = array<i32>} : memref<12x256x64xbf16, #tpu.memory_space<vmem>>, vector<1x256x64xbf16>,
    %get3A_98 = arith.constant 0 : index
    %get3A_99 = arith.constant 0 : index
    %get3A_100 = arith.constant 0 : index
    %get3A_101 = vector.load %arg3[%get3A_98, %get3A_99, %get3A_100] : memref<1x768x768xf32, #tpu.memory_space<vmem>>, vector<1x768x768xf32>
    %get3A_102 = vector.shape_cast %get3A_101 : vector<1x768x768xf32> to vector<768x768xf32>
    %convert_element_type3A_103 = arith.truncf %get3A_1 : vector<256x768xf32> to vector<256x768xbf16>
    %convert_element_type3A_104 = arith.truncf %get3A_102 : vector<768x768xf32> to vector<768x768xbf16>
    %dot_general3A_105 = arith.constant dense<0.000000e+00> : vector<256x768xf32>
    %dot_general3A_106 = tpu.matmul %convert_element_type3A_103, %convert_element_type3A_104, %dot_general3A_105 {dimension_numbers = #tpu.dot_dimension_numbers<[1], [1], [0], [0], [0, 0, 1, 0], [], []>, transpose_lhs_hint = false} : vector<256x768xbf16>, vector<768x768xbf16>, vector<256x768xf32> -> vector<256x768xf32>
    %get3A_107 = arith.constant 0 : index
    %get3A_108 = arith.constant 0 : index
    %get3A_109 = arith.constant 0 : index
    %get3A_110 = vector.load %arg6[%get3A_107, %get3A_108, %get3A_109] : memref<1x1x768xf32, #tpu.memory_space<vmem>>, vector<1x1x768xf32>
    %get3A_111 = vector.shape_cast %get3A_110 : vector<1x1x768xf32> to vector<1x768xf32>
    %add3A_112 = vector.broadcast %get3A_111 : vector<1x768xf32> to vector<256x768xf32>
    %add3A_113 = arith.addf %dot_general3A_106, %add3A_112 : vector<256x768xf32>
    %convert_element_type3A_114 = arith.truncf %add3A_113 : vector<256x768xf32> to vector<256x768xbf16>
    %slice3A_115 = vector.extract_strided_slice %convert_element_type3A_114 {offsets = [0, 0], sizes = [256, 64], strides = [1, 1]} : vector<256x768xbf16> to vector<256x64xbf16>
    %swap3A_116 = arith.constant 0 : index
    %swap3A_117 = arith.constant 0 : index
    %swap3A_118 = arith.constant 0 : index
    %swap3A_119 = vector.load %arg9[%swap3A_116, %swap3A_117, %swap3A_118] : memref<12x256x64xbf16, #tpu.memory_space<vmem>>, vector<1x256x64xbf16>
    %swap3A_120 = vector.shape_cast %swap3A_119 : vector<1x256x64xbf16> to vector<256x64xbf16>
    %swap3A_121 = vector.shape_cast %slice3A_115 : vector<256x64xbf16> to vector<1x256x64xbf16>
    tpu.vector_store %arg9[%swap3A_116, %swap3A_117, %swap3A_118], %swap3A_121 {strides = array<i32>} : memref<12x256x64xbf16, #tpu.memory_space<vmem>>, vector<1x256x64xbf16>,
    %slice3A_122 = vector.extract_strided_slice %convert_element_type3A_114 {offsets = [0, 64], sizes = [256, 64], strides = [1, 1]} : vector<256x768xbf16> to vector<256x64xbf16>
    %swap3A_123 = arith.constant 1 : index
    %swap3A_124 = arith.constant 0 : index
    %swap3A_125 = arith.constant 0 : index
    %swap3A_126 = vector.load %arg9[%swap3A_123, %swap3A_124, %swap3A_125] : memref<12x256x64xbf16, #tpu.memory_space<vmem>>, vector<1x256x64xbf16>
    %swap3A_127 = vector.shape_cast %swap3A_126 : vector<1x256x64xbf16> to vector<256x64xbf16>
    %swap3A_128 = vector.shape_cast %slice3A_122 : vector<256x64xbf16> to vector<1x256x64xbf16>
    tpu.vector_store %arg9[%swap3A_123, %swap3A_124, %swap3A_125], %swap3A_128 {strides = array<i32>} : memref<12x256x64xbf16, #tpu.memory_space<vmem>>, vector<1x256x64xbf16>,
    %slice3A_129 = vector.extract_strided_slice %convert_element_type3A_114 {offsets = [0, 128], sizes = [256, 64], strides = [1, 1]} : vector<256x768xbf16> to vector<256x64xbf16>
    %swap3A_130 = arith.constant 2 : index
    %swap3A_131 = arith.constant 0 : index
    %swap3A_132 = arith.constant 0 : index
    %swap3A_133 = vector.load %arg9[%swap3A_130, %swap3A_131, %swap3A_132] : memref<12x256x64xbf16, #tpu.memory_space<vmem>>, vector<1x256x64xbf16>
    %swap3A_134 = vector.shape_cast %swap3A_133 : vector<1x256x64xbf16> to vector<256x64xbf16>
    %swap3A_135 = vector.shape_cast %slice3A_129 : vector<256x64xbf16> to vector<1x256x64xbf16>
    tpu.vector_store %arg9[%swap3A_130, %swap3A_131, %swap3A_132], %swap3A_135 {strides = array<i32>} : memref<12x256x64xbf16, #tpu.memory_space<vmem>>, vector<1x256x64xbf16>,
    %slice3A_136 = vector.extract_strided_slice %convert_element_type3A_114 {offsets = [0, 192], sizes = [256, 64], strides = [1, 1]} : vector<256x768xbf16> to vector<256x64xbf16>
    %swap3A_137 = arith.constant 3 : index
    %swap3A_138 = arith.constant 0 : index
    %swap3A_139 = arith.constant 0 : index
    %swap3A_140 = vector.load %arg9[%swap3A_137, %swap3A_138, %swap3A_139] : memref<12x256x64xbf16, #tpu.memory_space<vmem>>, vector<1x256x64xbf16>
    %swap3A_141 = vector.shape_cast %swap3A_140 : vector<1x256x64xbf16> to vector<256x64xbf16>
    %swap3A_142 = vector.shape_cast %slice3A_136 : vector<256x64xbf16> to vector<1x256x64xbf16>
    tpu.vector_store %arg9[%swap3A_137, %swap3A_138, %swap3A_139], %swap3A_142 {strides = array<i32>} : memref<12x256x64xbf16, #tpu.memory_space<vmem>>, vector<1x256x64xbf16>,
    %slice3A_143 = vector.extract_strided_slice %convert_element_type3A_114 {offsets = [0, 256], sizes = [256, 64], strides = [1, 1]} : vector<256x768xbf16> to vector<256x64xbf16>
    %swap3A_144 = arith.constant 4 : index
    %swap3A_145 = arith.constant 0 : index
    %swap3A_146 = arith.constant 0 : index
    %swap3A_147 = vector.load %arg9[%swap3A_144, %swap3A_145, %swap3A_146] : memref<12x256x64xbf16, #tpu.memory_space<vmem>>, vector<1x256x64xbf16>
    %swap3A_148 = vector.shape_cast %swap3A_147 : vector<1x256x64xbf16> to vector<256x64xbf16>
    %swap3A_149 = vector.shape_cast %slice3A_143 : vector<256x64xbf16> to vector<1x256x64xbf16>
    tpu.vector_store %arg9[%swap3A_144, %swap3A_145, %swap3A_146], %swap3A_149 {strides = array<i32>} : memref<12x256x64xbf16, #tpu.memory_space<vmem>>, vector<1x256x64xbf16>,
    %slice3A_150 = vector.extract_strided_slice %convert_element_type3A_114 {offsets = [0, 320], sizes = [256, 64], strides = [1, 1]} : vector<256x768xbf16> to vector<256x64xbf16>
    %swap3A_151 = arith.constant 5 : index
    %swap3A_152 = arith.constant 0 : index
    %swap3A_153 = arith.constant 0 : index
    %swap3A_154 = vector.load %arg9[%swap3A_151, %swap3A_152, %swap3A_153] : memref<12x256x64xbf16, #tpu.memory_space<vmem>>, vector<1x256x64xbf16>
    %swap3A_155 = vector.shape_cast %swap3A_154 : vector<1x256x64xbf16> to vector<256x64xbf16>
    %swap3A_156 = vector.shape_cast %slice3A_150 : vector<256x64xbf16> to vector<1x256x64xbf16>
    tpu.vector_store %arg9[%swap3A_151, %swap3A_152, %swap3A_153], %swap3A_156 {strides = array<i32>} : memref<12x256x64xbf16, #tpu.memory_space<vmem>>, vector<1x256x64xbf16>,
    %slice3A_157 = vector.extract_strided_slice %convert_element_type3A_114 {offsets = [0, 384], sizes = [256, 64], strides = [1, 1]} : vector<256x768xbf16> to vector<256x64xbf16>
    %swap3A_158 = arith.constant 6 : index
    %swap3A_159 = arith.constant 0 : index
    %swap3A_160 = arith.constant 0 : index
    %swap3A_161 = vector.load %arg9[%swap3A_158, %swap3A_159, %swap3A_160] : memref<12x256x64xbf16, #tpu.memory_space<vmem>>, vector<1x256x64xbf16>
    %swap3A_162 = vector.shape_cast %swap3A_161 : vector<1x256x64xbf16> to vector<256x64xbf16>
    %swap3A_163 = vector.shape_cast %slice3A_157 : vector<256x64xbf16> to vector<1x256x64xbf16>
    tpu.vector_store %arg9[%swap3A_158, %swap3A_159, %swap3A_160], %swap3A_163 {strides = array<i32>} : memref<12x256x64xbf16, #tpu.memory_space<vmem>>, vector<1x256x64xbf16>,
    %slice3A_164 = vector.extract_strided_slice %convert_element_type3A_114 {offsets = [0, 448], sizes = [256, 64], strides = [1, 1]} : vector<256x768xbf16> to vector<256x64xbf16>
    %swap3A_165 = arith.constant 7 : index
    %swap3A_166 = arith.constant 0 : index
    %swap3A_167 = arith.constant 0 : index
    %swap3A_168 = vector.load %arg9[%swap3A_165, %swap3A_166, %swap3A_167] : memref<12x256x64xbf16, #tpu.memory_space<vmem>>, vector<1x256x64xbf16>
    %swap3A_169 = vector.shape_cast %swap3A_168 : vector<1x256x64xbf16> to vector<256x64xbf16>
    %swap3A_170 = vector.shape_cast %slice3A_164 : vector<256x64xbf16> to vector<1x256x64xbf16>
    tpu.vector_store %arg9[%swap3A_165, %swap3A_166, %swap3A_167], %swap3A_170 {strides = array<i32>} : memref<12x256x64xbf16, #tpu.memory_space<vmem>>, vector<1x256x64xbf16>,
    %slice3A_171 = vector.extract_strided_slice %convert_element_type3A_114 {offsets = [0, 512], sizes = [256, 64], strides = [1, 1]} : vector<256x768xbf16> to vector<256x64xbf16>
    %swap3A_172 = arith.constant 8 : index
    %swap3A_173 = arith.constant 0 : index
    %swap3A_174 = arith.constant 0 : index
    %swap3A_175 = vector.load %arg9[%swap3A_172, %swap3A_173, %swap3A_174] : memref<12x256x64xbf16, #tpu.memory_space<vmem>>, vector<1x256x64xbf16>
    %swap3A_176 = vector.shape_cast %swap3A_175 : vector<1x256x64xbf16> to vector<256x64xbf16>
    %swap3A_177 = vector.shape_cast %slice3A_171 : vector<256x64xbf16> to vector<1x256x64xbf16>
    tpu.vector_store %arg9[%swap3A_172, %swap3A_173, %swap3A_174], %swap3A_177 {strides = array<i32>} : memref<12x256x64xbf16, #tpu.memory_space<vmem>>, vector<1x256x64xbf16>,
    %slice3A_178 = vector.extract_strided_slice %convert_element_type3A_114 {offsets = [0, 576], sizes = [256, 64], strides = [1, 1]} : vector<256x768xbf16> to vector<256x64xbf16>
    %swap3A_179 = arith.constant 9 : index
    %swap3A_180 = arith.constant 0 : index
    %swap3A_181 = arith.constant 0 : index
    %swap3A_182 = vector.load %arg9[%swap3A_179, %swap3A_180, %swap3A_181] : memref<12x256x64xbf16, #tpu.memory_space<vmem>>, vector<1x256x64xbf16>
    %swap3A_183 = vector.shape_cast %swap3A_182 : vector<1x256x64xbf16> to vector<256x64xbf16>
    %swap3A_184 = vector.shape_cast %slice3A_178 : vector<256x64xbf16> to vector<1x256x64xbf16>
    tpu.vector_store %arg9[%swap3A_179, %swap3A_180, %swap3A_181], %swap3A_184 {strides = array<i32>} : memref<12x256x64xbf16, #tpu.memory_space<vmem>>, vector<1x256x64xbf16>,
    %slice3A_185 = vector.extract_strided_slice %convert_element_type3A_114 {offsets = [0, 640], sizes = [256, 64], strides = [1, 1]} : vector<256x768xbf16> to vector<256x64xbf16>
    %swap3A_186 = arith.constant 10 : index
    %swap3A_187 = arith.constant 0 : index
    %swap3A_188 = arith.constant 0 : index
    %swap3A_189 = vector.load %arg9[%swap3A_186, %swap3A_187, %swap3A_188] : memref<12x256x64xbf16, #tpu.memory_space<vmem>>, vector<1x256x64xbf16>
    %swap3A_190 = vector.shape_cast %swap3A_189 : vector<1x256x64xbf16> to vector<256x64xbf16>
    %swap3A_191 = vector.shape_cast %slice3A_185 : vector<256x64xbf16> to vector<1x256x64xbf16>
    tpu.vector_store %arg9[%swap3A_186, %swap3A_187, %swap3A_188], %swap3A_191 {strides = array<i32>} : memref<12x256x64xbf16, #tpu.memory_space<vmem>>, vector<1x256x64xbf16>,
    %slice3A_192 = vector.extract_strided_slice %convert_element_type3A_114 {offsets = [0, 704], sizes = [256, 64], strides = [1, 1]} : vector<256x768xbf16> to vector<256x64xbf16>
    %swap3A_193 = arith.constant 11 : index
    %swap3A_194 = arith.constant 0 : index
    %swap3A_195 = arith.constant 0 : index
    %swap3A_196 = vector.load %arg9[%swap3A_193, %swap3A_194, %swap3A_195] : memref<12x256x64xbf16, #tpu.memory_space<vmem>>, vector<1x256x64xbf16>
    %swap3A_197 = vector.shape_cast %swap3A_196 : vector<1x256x64xbf16> to vector<256x64xbf16>
    %swap3A_198 = vector.shape_cast %slice3A_192 : vector<256x64xbf16> to vector<1x256x64xbf16>
    tpu.vector_store %arg9[%swap3A_193, %swap3A_194, %swap3A_195], %swap3A_198 {strides = array<i32>} : memref<12x256x64xbf16, #tpu.memory_space<vmem>>, vector<1x256x64xbf16>,
    %get3A_199 = arith.constant 0 : index
    %get3A_200 = arith.constant 0 : index
    %get3A_201 = arith.constant 0 : index
    %get3A_202 = vector.load %arg4[%get3A_199, %get3A_200, %get3A_201] : memref<1x768x768xf32, #tpu.memory_space<vmem>>, vector<1x768x768xf32>
    %get3A_203 = vector.shape_cast %get3A_202 : vector<1x768x768xf32> to vector<768x768xf32>
    %convert_element_type3A_204 = arith.truncf %get3A_1 : vector<256x768xf32> to vector<256x768xbf16>
    %convert_element_type3A_205 = arith.truncf %get3A_203 : vector<768x768xf32> to vector<768x768xbf16>
    %dot_general3A_206 = arith.constant dense<0.000000e+00> : vector<256x768xf32>
    %dot_general3A_207 = tpu.matmul %convert_element_type3A_204, %convert_element_type3A_205, %dot_general3A_206 {dimension_numbers = #tpu.dot_dimension_numbers<[1], [1], [0], [0], [0, 0, 1, 0], [], []>, transpose_lhs_hint = false} : vector<256x768xbf16>, vector<768x768xbf16>, vector<256x768xf32> -> vector<256x768xf32>
    %get3A_208 = arith.constant 0 : index
    %get3A_209 = arith.constant 0 : index
    %get3A_210 = arith.constant 0 : index
    %get3A_211 = vector.load %arg7[%get3A_208, %get3A_209, %get3A_210] : memref<1x1x768xf32, #tpu.memory_space<vmem>>, vector<1x1x768xf32>
    %get3A_212 = vector.shape_cast %get3A_211 : vector<1x1x768xf32> to vector<1x768xf32>
    %add3A_213 = vector.broadcast %get3A_212 : vector<1x768xf32> to vector<256x768xf32>
    %add3A_214 = arith.addf %dot_general3A_207, %add3A_213 : vector<256x768xf32>
    %convert_element_type3A_215 = arith.truncf %add3A_214 : vector<256x768xf32> to vector<256x768xbf16>
    %slice3A_216 = vector.extract_strided_slice %convert_element_type3A_215 {offsets = [0, 0], sizes = [256, 64], strides = [1, 1]} : vector<256x768xbf16> to vector<256x64xbf16>
    %swap3A_217 = arith.constant 0 : index
    %swap3A_218 = arith.constant 0 : index
    %swap3A_219 = arith.constant 0 : index
    %swap3A_220 = vector.load %arg10[%swap3A_217, %swap3A_218, %swap3A_219] : memref<12x256x64xbf16, #tpu.memory_space<vmem>>, vector<1x256x64xbf16>
    %swap3A_221 = vector.shape_cast %swap3A_220 : vector<1x256x64xbf16> to vector<256x64xbf16>
    %swap3A_222 = vector.shape_cast %slice3A_216 : vector<256x64xbf16> to vector<1x256x64xbf16>
    tpu.vector_store %arg10[%swap3A_217, %swap3A_218, %swap3A_219], %swap3A_222 {strides = array<i32>} : memref<12x256x64xbf16, #tpu.memory_space<vmem>>, vector<1x256x64xbf16>,
    %slice3A_223 = vector.extract_strided_slice %convert_element_type3A_215 {offsets = [0, 64], sizes = [256, 64], strides = [1, 1]} : vector<256x768xbf16> to vector<256x64xbf16>
    %swap3A_224 = arith.constant 1 : index
    %swap3A_225 = arith.constant 0 : index
    %swap3A_226 = arith.constant 0 : index
    %swap3A_227 = vector.load %arg10[%swap3A_224, %swap3A_225, %swap3A_226] : memref<12x256x64xbf16, #tpu.memory_space<vmem>>, vector<1x256x64xbf16>
    %swap3A_228 = vector.shape_cast %swap3A_227 : vector<1x256x64xbf16> to vector<256x64xbf16>
    %swap3A_229 = vector.shape_cast %slice3A_223 : vector<256x64xbf16> to vector<1x256x64xbf16>
    tpu.vector_store %arg10[%swap3A_224, %swap3A_225, %swap3A_226], %swap3A_229 {strides = array<i32>} : memref<12x256x64xbf16, #tpu.memory_space<vmem>>, vector<1x256x64xbf16>,
    %slice3A_230 = vector.extract_strided_slice %convert_element_type3A_215 {offsets = [0, 128], sizes = [256, 64], strides = [1, 1]} : vector<256x768xbf16> to vector<256x64xbf16>
    %swap3A_231 = arith.constant 2 : index
    %swap3A_232 = arith.constant 0 : index
    %swap3A_233 = arith.constant 0 : index
    %swap3A_234 = vector.load %arg10[%swap3A_231, %swap3A_232, %swap3A_233] : memref<12x256x64xbf16, #tpu.memory_space<vmem>>, vector<1x256x64xbf16>
    %swap3A_235 = vector.shape_cast %swap3A_234 : vector<1x256x64xbf16> to vector<256x64xbf16>
    %swap3A_236 = vector.shape_cast %slice3A_230 : vector<256x64xbf16> to vector<1x256x64xbf16>
    tpu.vector_store %arg10[%swap3A_231, %swap3A_232, %swap3A_233], %swap3A_236 {strides = array<i32>} : memref<12x256x64xbf16, #tpu.memory_space<vmem>>, vector<1x256x64xbf16>,
    %slice3A_237 = vector.extract_strided_slice %convert_element_type3A_215 {offsets = [0, 192], sizes = [256, 64], strides = [1, 1]} : vector<256x768xbf16> to vector<256x64xbf16>
    %swap3A_238 = arith.constant 3 : index
    %swap3A_239 = arith.constant 0 : index
    %swap3A_240 = arith.constant 0 : index
    %swap3A_241 = vector.load %arg10[%swap3A_238, %swap3A_239, %swap3A_240] : memref<12x256x64xbf16, #tpu.memory_space<vmem>>, vector<1x256x64xbf16>
    %swap3A_242 = vector.shape_cast %swap3A_241 : vector<1x256x64xbf16> to vector<256x64xbf16>
    %swap3A_243 = vector.shape_cast %slice3A_237 : vector<256x64xbf16> to vector<1x256x64xbf16>
    tpu.vector_store %arg10[%swap3A_238, %swap3A_239, %swap3A_240], %swap3A_243 {strides = array<i32>} : memref<12x256x64xbf16, #tpu.memory_space<vmem>>, vector<1x256x64xbf16>,
    %slice3A_244 = vector.extract_strided_slice %convert_element_type3A_215 {offsets = [0, 256], sizes = [256, 64], strides = [1, 1]} : vector<256x768xbf16> to vector<256x64xbf16>
    %swap3A_245 = arith.constant 4 : index
    %swap3A_246 = arith.constant 0 : index
    %swap3A_247 = arith.constant 0 : index
    %swap3A_248 = vector.load %arg10[%swap3A_245, %swap3A_246, %swap3A_247] : memref<12x256x64xbf16, #tpu.memory_space<vmem>>, vector<1x256x64xbf16>
    %swap3A_249 = vector.shape_cast %swap3A_248 : vector<1x256x64xbf16> to vector<256x64xbf16>
    %swap3A_250 = vector.shape_cast %slice3A_244 : vector<256x64xbf16> to vector<1x256x64xbf16>
    tpu.vector_store %arg10[%swap3A_245, %swap3A_246, %swap3A_247], %swap3A_250 {strides = array<i32>} : memref<12x256x64xbf16, #tpu.memory_space<vmem>>, vector<1x256x64xbf16>,
    %slice3A_251 = vector.extract_strided_slice %convert_element_type3A_215 {offsets = [0, 320], sizes = [256, 64], strides = [1, 1]} : vector<256x768xbf16> to vector<256x64xbf16>
    %swap3A_252 = arith.constant 5 : index
    %swap3A_253 = arith.constant 0 : index
    %swap3A_254 = arith.constant 0 : index
    %swap3A_255 = vector.load %arg10[%swap3A_252, %swap3A_253, %swap3A_254] : memref<12x256x64xbf16, #tpu.memory_space<vmem>>, vector<1x256x64xbf16>
    %swap3A_256 = vector.shape_cast %swap3A_255 : vector<1x256x64xbf16> to vector<256x64xbf16>
    %swap3A_257 = vector.shape_cast %slice3A_251 : vector<256x64xbf16> to vector<1x256x64xbf16>
    tpu.vector_store %arg10[%swap3A_252, %swap3A_253, %swap3A_254], %swap3A_257 {strides = array<i32>} : memref<12x256x64xbf16, #tpu.memory_space<vmem>>, vector<1x256x64xbf16>,
    %slice3A_258 = vector.extract_strided_slice %convert_element_type3A_215 {offsets = [0, 384], sizes = [256, 64], strides = [1, 1]} : vector<256x768xbf16> to vector<256x64xbf16>
    %swap3A_259 = arith.constant 6 : index
    %swap3A_260 = arith.constant 0 : index
    %swap3A_261 = arith.constant 0 : index
    %swap3A_262 = vector.load %arg10[%swap3A_259, %swap3A_260, %swap3A_261] : memref<12x256x64xbf16, #tpu.memory_space<vmem>>, vector<1x256x64xbf16>
    %swap3A_263 = vector.shape_cast %swap3A_262 : vector<1x256x64xbf16> to vector<256x64xbf16>
    %swap3A_264 = vector.shape_cast %slice3A_258 : vector<256x64xbf16> to vector<1x256x64xbf16>
    tpu.vector_store %arg10[%swap3A_259, %swap3A_260, %swap3A_261], %swap3A_264 {strides = array<i32>} : memref<12x256x64xbf16, #tpu.memory_space<vmem>>, vector<1x256x64xbf16>,
    %slice3A_265 = vector.extract_strided_slice %convert_element_type3A_215 {offsets = [0, 448], sizes = [256, 64], strides = [1, 1]} : vector<256x768xbf16> to vector<256x64xbf16>
    %swap3A_266 = arith.constant 7 : index
    %swap3A_267 = arith.constant 0 : index
    %swap3A_268 = arith.constant 0 : index
    %swap3A_269 = vector.load %arg10[%swap3A_266, %swap3A_267, %swap3A_268] : memref<12x256x64xbf16, #tpu.memory_space<vmem>>, vector<1x256x64xbf16>
    %swap3A_270 = vector.shape_cast %swap3A_269 : vector<1x256x64xbf16> to vector<256x64xbf16>
    %swap3A_271 = vector.shape_cast %slice3A_265 : vector<256x64xbf16> to vector<1x256x64xbf16>
    tpu.vector_store %arg10[%swap3A_266, %swap3A_267, %swap3A_268], %swap3A_271 {strides = array<i32>} : memref<12x256x64xbf16, #tpu.memory_space<vmem>>, vector<1x256x64xbf16>,
    %slice3A_272 = vector.extract_strided_slice %convert_element_type3A_215 {offsets = [0, 512], sizes = [256, 64], strides = [1, 1]} : vector<256x768xbf16> to vector<256x64xbf16>
    %swap3A_273 = arith.constant 8 : index
    %swap3A_274 = arith.constant 0 : index
    %swap3A_275 = arith.constant 0 : index
    %swap3A_276 = vector.load %arg10[%swap3A_273, %swap3A_274, %swap3A_275] : memref<12x256x64xbf16, #tpu.memory_space<vmem>>, vector<1x256x64xbf16>
    %swap3A_277 = vector.shape_cast %swap3A_276 : vector<1x256x64xbf16> to vector<256x64xbf16>
    %swap3A_278 = vector.shape_cast %slice3A_272 : vector<256x64xbf16> to vector<1x256x64xbf16>
    tpu.vector_store %arg10[%swap3A_273, %swap3A_274, %swap3A_275], %swap3A_278 {strides = array<i32>} : memref<12x256x64xbf16, #tpu.memory_space<vmem>>, vector<1x256x64xbf16>,
    %slice3A_279 = vector.extract_strided_slice %convert_element_type3A_215 {offsets = [0, 576], sizes = [256, 64], strides = [1, 1]} : vector<256x768xbf16> to vector<256x64xbf16>
    %swap3A_280 = arith.constant 9 : index
    %swap3A_281 = arith.constant 0 : index
    %swap3A_282 = arith.constant 0 : index
    %swap3A_283 = vector.load %arg10[%swap3A_280, %swap3A_281, %swap3A_282] : memref<12x256x64xbf16, #tpu.memory_space<vmem>>, vector<1x256x64xbf16>
    %swap3A_284 = vector.shape_cast %swap3A_283 : vector<1x256x64xbf16> to vector<256x64xbf16>
    %swap3A_285 = vector.shape_cast %slice3A_279 : vector<256x64xbf16> to vector<1x256x64xbf16>
    tpu.vector_store %arg10[%swap3A_280, %swap3A_281, %swap3A_282], %swap3A_285 {strides = array<i32>} : memref<12x256x64xbf16, #tpu.memory_space<vmem>>, vector<1x256x64xbf16>,
    %slice3A_286 = vector.extract_strided_slice %convert_element_type3A_215 {offsets = [0, 640], sizes = [256, 64], strides = [1, 1]} : vector<256x768xbf16> to vector<256x64xbf16>
    %swap3A_287 = arith.constant 10 : index
    %swap3A_288 = arith.constant 0 : index
    %swap3A_289 = arith.constant 0 : index
    %swap3A_290 = vector.load %arg10[%swap3A_287, %swap3A_288, %swap3A_289] : memref<12x256x64xbf16, #tpu.memory_space<vmem>>, vector<1x256x64xbf16>
    %swap3A_291 = vector.shape_cast %swap3A_290 : vector<1x256x64xbf16> to vector<256x64xbf16>
    %swap3A_292 = vector.shape_cast %slice3A_286 : vector<256x64xbf16> to vector<1x256x64xbf16>
    tpu.vector_store %arg10[%swap3A_287, %swap3A_288, %swap3A_289], %swap3A_292 {strides = array<i32>} : memref<12x256x64xbf16, #tpu.memory_space<vmem>>, vector<1x256x64xbf16>,
    %slice3A_293 = vector.extract_strided_slice %convert_element_type3A_215 {offsets = [0, 704], sizes = [256, 64], strides = [1, 1]} : vector<256x768xbf16> to vector<256x64xbf16>
    %swap3A_294 = arith.constant 11 : index
    %swap3A_295 = arith.constant 0 : index
    %swap3A_296 = arith.constant 0 : index
    %swap3A_297 = vector.load %arg10[%swap3A_294, %swap3A_295, %swap3A_296] : memref<12x256x64xbf16, #tpu.memory_space<vmem>>, vector<1x256x64xbf16>
    %swap3A_298 = vector.shape_cast %swap3A_297 : vector<1x256x64xbf16> to vector<256x64xbf16>
    %swap3A_299 = vector.shape_cast %slice3A_293 : vector<256x64xbf16> to vector<1x256x64xbf16>
    tpu.vector_store %arg10[%swap3A_294, %swap3A_295, %swap3A_296], %swap3A_299 {strides = array<i32>} : memref<12x256x64xbf16, #tpu.memory_space<vmem>>, vector<1x256x64xbf16>,
    return
  }
  func.func @transform_0(%arg0: i32) -> (i32, i32) {
    %c0_i32 = arith.constant 0 : i32
    %c0_i32_0 = arith.constant 0 : i32
    return %arg0, %c0_i32 : i32, i32
  }
  func.func @transform_1(%arg0: i32) -> (i32, i32, i32) {
    %c0_i32 = arith.constant 0 : i32
    %c0_i32_0 = arith.constant 0 : i32
    %c0_i32_1 = arith.constant 0 : i32
    %c0_i32_2 = arith.constant 0 : i32
    return %c0_i32, %c0_i32_0, %c0_i32_1 : i32, i32, i32
  }
  func.func @transform_2(%arg0: i32) -> (i32, i32, i32) {
    %c0_i32 = arith.constant 0 : i32
    %c0_i32_0 = arith.constant 0 : i32
    %c0_i32_1 = arith.constant 0 : i32
    %c0_i32_2 = arith.constant 0 : i32
    return %c0_i32, %c0_i32_0, %c0_i32_1 : i32, i32, i32
  }
  func.func @transform_3(%arg0: i32) -> (i32, i32, i32) {
    %c0_i32 = arith.constant 0 : i32
    %c0_i32_0 = arith.constant 0 : i32
    %c0_i32_1 = arith.constant 0 : i32
    %c0_i32_2 = arith.constant 0 : i32
    return %c0_i32, %c0_i32_0, %c0_i32_1 : i32, i32, i32
  }
  func.func @transform_4(%arg0: i32) -> (i32, i32, i32) {
    %c0_i32 = arith.constant 0 : i32
    %c0_i32_0 = arith.constant 0 : i32
    %c0_i32_1 = arith.constant 0 : i32
    %c0_i32_2 = arith.constant 0 : i32
    return %c0_i32, %c0_i32_0, %c0_i32_1 : i32, i32, i32
  }
  func.func @transform_5(%arg0: i32) -> (i32, i32, i32) {
    %c0_i32 = arith.constant 0 : i32
    %c0_i32_0 = arith.constant 0 : i32
    %c0_i32_1 = arith.constant 0 : i32
    %c0_i32_2 = arith.constant 0 : i32
    return %c0_i32, %c0_i32_0, %c0_i32_1 : i32, i32, i32
  }
  func.func @transform_6(%arg0: i32) -> (i32, i32, i32) {
    %c0_i32 = arith.constant 0 : i32
    %c0_i32_0 = arith.constant 0 : i32
    %c0_i32_1 = arith.constant 0 : i32
    %c0_i32_2 = arith.constant 0 : i32
    return %c0_i32, %c0_i32_0, %c0_i32_1 : i32, i32, i32
  }
  func.func @transform_7(%arg0: i32) -> (i32, i32, i32) {
    %c0_i32 = arith.constant 0 : i32
    %c0_i32_0 = arith.constant 0 : i32
    %c0_i32_1 = arith.constant 0 : i32
    return %c0_i32, %arg0, %c0_i32_0 : i32, i32, i32
  }
  func.func @transform_8(%arg0: i32) -> (i32, i32, i32) {
    %c0_i32 = arith.constant 0 : i32
    %c0_i32_0 = arith.constant 0 : i32
    %c0_i32_1 = arith.constant 0 : i32
    return %c0_i32, %arg0, %c0_i32_0 : i32, i32, i32
  }
  func.func @transform_9(%arg0: i32) -> (i32, i32, i32) {
    %c0_i32 = arith.constant 0 : i32
    %c0_i32_0 = arith.constant 0 : i32
    %c0_i32_1 = arith.constant 0 : i32
    return %c0_i32, %arg0, %c0_i32_0 : i32, i32, i32
  }
}

module attributes {stable_mosaic.version = 14 : i64} {
  func.func @_score_body(%arg0: i32, %arg1: memref<12x256x64xbf16, #tpu.memory_space<vmem>>, %arg2: memref<12x2048x64xbf16, #tpu.memory_space<vmem>>, %arg3: memref<256x2048xi8, #tpu.memory_space<vmem>>, %arg4: memref<12x1x256xf32, #tpu.memory_space<vmem>>) attributes {dimension_semantics = [#tpu.dimension_semantics<arbitrary>], iteration_bounds = array<i64: 8>, scalar_prefetch = 0 : i64, scratch_operands = 0 : i64, tpu.core_type = #tpu.core_type<tc>, window_params = [{transform_indices = @transform_0, window_bounds = array<i64: 12, 256, 64>}, {pipeline_mode = #tpu.pipeline_mode<synchronous>, transform_indices = @transform_1, window_bounds = array<i64: 12, 2048, 64>}, {transform_indices = @transform_2, window_bounds = array<i64: 256, 2048>}, {transform_indices = @transform_3, window_bounds = array<i64: 12, 1, 256>}]} {
    %get3A = arith.constant 0 : index
    %get3A_0 = arith.constant 0 : index
    %get3A_1 = vector.load %arg3[%get3A, %get3A_0] : memref<256x2048xi8, #tpu.memory_space<vmem>>, vector<256x2048xi8>
    %convert_element_type3A = arith.sitofp %get3A_1 : vector<256x2048xi8> to vector<256x2048xbf16>
    %gt3A = arith.constant 0.000000e+00 : bf16
    %gt3A_2 = vector.broadcast %gt3A : bf16 to vector<256x2048xbf16>
    %gt3A_3 = arith.cmpf ogt, %convert_element_type3A, %gt3A_2 : vector<256x2048xbf16>
    %jit3A = arith.constant 0.000000e+00 : bf16
    %jit3A_4 = arith.constant -3.004060e+38 : bf16
    %broadcast_in_dim3A = vector.broadcast %jit3A : bf16 to vector<256x2048xbf16>
    %broadcast_in_dim3A_5 = vector.broadcast %jit3A_4 : bf16 to vector<256x2048xbf16>
    %select_n3A = arith.select %gt3A_3, %broadcast_in_dim3A, %broadcast_in_dim3A_5 : vector<256x2048xi1>, vector<256x2048xbf16>
    %get3A_6 = arith.constant 0 : index
    %get3A_7 = arith.constant 0 : index
    %get3A_8 = arith.constant 0 : index
    %get3A_9 = vector.load %arg1[%get3A_6, %get3A_7, %get3A_8] : memref<12x256x64xbf16, #tpu.memory_space<vmem>>, vector<1x256x64xbf16>
    %get3A_10 = vector.shape_cast %get3A_9 : vector<1x256x64xbf16> to vector<256x64xbf16>
    %get3A_11 = arith.constant 0 : index
    %get3A_12 = arith.constant 0 : index
    %get3A_13 = arith.constant 0 : index
    %get3A_14 = vector.load %arg2[%get3A_11, %get3A_12, %get3A_13] : memref<12x2048x64xbf16, #tpu.memory_space<vmem>>, vector<1x2048x64xbf16>
    %get3A_15 = vector.shape_cast %get3A_14 : vector<1x2048x64xbf16> to vector<2048x64xbf16>
    %dot_general3A = arith.constant dense<0.000000e+00> : vector<256x2048xf32>
    %dot_general3A_16 = tpu.matmul %get3A_10, %get3A_15, %dot_general3A {dimension_numbers = #tpu.dot_dimension_numbers<[1], [1], [0], [0], [0, 0, 1, 0], [], []>, transpose_lhs_hint = false} : vector<256x64xbf16>, vector<2048x64xbf16>, vector<256x2048xf32> -> vector<256x2048xf32>
    %convert_element_type3A_17 = arith.truncf %dot_general3A_16 : vector<256x2048xf32> to vector<256x2048xbf16>
    %add3A = arith.addf %convert_element_type3A_17, %select_n3A : vector<256x2048xbf16>
    %reduce_max3A = arith.constant dense<0xFF80> : vector<256xbf16>
    %reduce_max3A_18 = vector.multi_reduction <maximumf>, %add3A, %reduce_max3A [1] : vector<256x2048xbf16> to vector<256xbf16>
    %convert_element_type3A_19 = arith.extf %reduce_max3A_18 : vector<256xbf16> to vector<256xf32>
    %mul3A = arith.mulf %convert_element_type3A_17, %convert_element_type3A : vector<256x2048xbf16>
    %convert_element_type3A_20 = arith.extf %mul3A : vector<256x2048xbf16> to vector<256x2048xf32>
    %reduce_sum3A = arith.constant dense<0.000000e+00> : vector<256xf32>
    %reduce_sum3A_21 = vector.multi_reduction <add>, %convert_element_type3A_20, %reduce_sum3A [1] : vector<256x2048xf32> to vector<256xf32>
    %convert_element_type3A_22 = arith.truncf %reduce_sum3A_21 : vector<256xf32> to vector<256xbf16>
    %convert_element_type3A_23 = arith.extf %convert_element_type3A_22 : vector<256xbf16> to vector<256xf32>
    %mul3A_24 = arith.constant 4.8828125E-4 : f32
    %mul3A_25 = vector.broadcast %mul3A_24 : f32 to vector<256xf32>
    %mul3A_26 = arith.mulf %convert_element_type3A_23, %mul3A_25 : vector<256xf32>
    %sub3A = arith.subf %convert_element_type3A_19, %mul3A_26 : vector<256xf32>
    %reshape3A = vector.shape_cast %sub3A : vector<256xf32> to vector<1x256xf32>
    %swap3A = arith.constant 0 : index
    %swap3A_27 = arith.constant 0 : index
    %swap3A_28 = arith.constant 0 : index
    %swap3A_29 = vector.load %arg4[%swap3A, %swap3A_27, %swap3A_28] : memref<12x1x256xf32, #tpu.memory_space<vmem>>, vector<1x1x256xf32>
    %swap3A_30 = vector.shape_cast %swap3A_29 : vector<1x1x256xf32> to vector<1x256xf32>
    %swap3A_31 = vector.shape_cast %reshape3A : vector<1x256xf32> to vector<1x1x256xf32>
    tpu.vector_store %arg4[%swap3A, %swap3A_27, %swap3A_28], %swap3A_31 {strides = array<i32>} : memref<12x1x256xf32, #tpu.memory_space<vmem>>, vector<1x1x256xf32>,
    %get3A_32 = arith.constant 1 : index
    %get3A_33 = arith.constant 0 : index
    %get3A_34 = arith.constant 0 : index
    %get3A_35 = vector.load %arg1[%get3A_32, %get3A_33, %get3A_34] : memref<12x256x64xbf16, #tpu.memory_space<vmem>>, vector<1x256x64xbf16>
    %get3A_36 = vector.shape_cast %get3A_35 : vector<1x256x64xbf16> to vector<256x64xbf16>
    %get3A_37 = arith.constant 1 : index
    %get3A_38 = arith.constant 0 : index
    %get3A_39 = arith.constant 0 : index
    %get3A_40 = vector.load %arg2[%get3A_37, %get3A_38, %get3A_39] : memref<12x2048x64xbf16, #tpu.memory_space<vmem>>, vector<1x2048x64xbf16>
    %get3A_41 = vector.shape_cast %get3A_40 : vector<1x2048x64xbf16> to vector<2048x64xbf16>
    %dot_general3A_42 = arith.constant dense<0.000000e+00> : vector<256x2048xf32>
    %dot_general3A_43 = tpu.matmul %get3A_36, %get3A_41, %dot_general3A_42 {dimension_numbers = #tpu.dot_dimension_numbers<[1], [1], [0], [0], [0, 0, 1, 0], [], []>, transpose_lhs_hint = false} : vector<256x64xbf16>, vector<2048x64xbf16>, vector<256x2048xf32> -> vector<256x2048xf32>
    %convert_element_type3A_44 = arith.truncf %dot_general3A_43 : vector<256x2048xf32> to vector<256x2048xbf16>
    %add3A_45 = arith.addf %convert_element_type3A_44, %select_n3A : vector<256x2048xbf16>
    %reduce_max3A_46 = arith.constant dense<0xFF80> : vector<256xbf16>
    %reduce_max3A_47 = vector.multi_reduction <maximumf>, %add3A_45, %reduce_max3A_46 [1] : vector<256x2048xbf16> to vector<256xbf16>
    %convert_element_type3A_48 = arith.extf %reduce_max3A_47 : vector<256xbf16> to vector<256xf32>
    %mul3A_49 = arith.mulf %convert_element_type3A_44, %convert_element_type3A : vector<256x2048xbf16>
    %convert_element_type3A_50 = arith.extf %mul3A_49 : vector<256x2048xbf16> to vector<256x2048xf32>
    %reduce_sum3A_51 = arith.constant dense<0.000000e+00> : vector<256xf32>
    %reduce_sum3A_52 = vector.multi_reduction <add>, %convert_element_type3A_50, %reduce_sum3A_51 [1] : vector<256x2048xf32> to vector<256xf32>
    %convert_element_type3A_53 = arith.truncf %reduce_sum3A_52 : vector<256xf32> to vector<256xbf16>
    %convert_element_type3A_54 = arith.extf %convert_element_type3A_53 : vector<256xbf16> to vector<256xf32>
    %mul3A_55 = arith.constant 4.8828125E-4 : f32
    %mul3A_56 = vector.broadcast %mul3A_55 : f32 to vector<256xf32>
    %mul3A_57 = arith.mulf %convert_element_type3A_54, %mul3A_56 : vector<256xf32>
    %sub3A_58 = arith.subf %convert_element_type3A_48, %mul3A_57 : vector<256xf32>
    %reshape3A_59 = vector.shape_cast %sub3A_58 : vector<256xf32> to vector<1x256xf32>
    %swap3A_60 = arith.constant 1 : index
    %swap3A_61 = arith.constant 0 : index
    %swap3A_62 = arith.constant 0 : index
    %swap3A_63 = vector.load %arg4[%swap3A_60, %swap3A_61, %swap3A_62] : memref<12x1x256xf32, #tpu.memory_space<vmem>>, vector<1x1x256xf32>
    %swap3A_64 = vector.shape_cast %swap3A_63 : vector<1x1x256xf32> to vector<1x256xf32>
    %swap3A_65 = vector.shape_cast %reshape3A_59 : vector<1x256xf32> to vector<1x1x256xf32>
    tpu.vector_store %arg4[%swap3A_60, %swap3A_61, %swap3A_62], %swap3A_65 {strides = array<i32>} : memref<12x1x256xf32, #tpu.memory_space<vmem>>, vector<1x1x256xf32>,
    %get3A_66 = arith.constant 2 : index
    %get3A_67 = arith.constant 0 : index
    %get3A_68 = arith.constant 0 : index
    %get3A_69 = vector.load %arg1[%get3A_66, %get3A_67, %get3A_68] : memref<12x256x64xbf16, #tpu.memory_space<vmem>>, vector<1x256x64xbf16>
    %get3A_70 = vector.shape_cast %get3A_69 : vector<1x256x64xbf16> to vector<256x64xbf16>
    %get3A_71 = arith.constant 2 : index
    %get3A_72 = arith.constant 0 : index
    %get3A_73 = arith.constant 0 : index
    %get3A_74 = vector.load %arg2[%get3A_71, %get3A_72, %get3A_73] : memref<12x2048x64xbf16, #tpu.memory_space<vmem>>, vector<1x2048x64xbf16>
    %get3A_75 = vector.shape_cast %get3A_74 : vector<1x2048x64xbf16> to vector<2048x64xbf16>
    %dot_general3A_76 = arith.constant dense<0.000000e+00> : vector<256x2048xf32>
    %dot_general3A_77 = tpu.matmul %get3A_70, %get3A_75, %dot_general3A_76 {dimension_numbers = #tpu.dot_dimension_numbers<[1], [1], [0], [0], [0, 0, 1, 0], [], []>, transpose_lhs_hint = false} : vector<256x64xbf16>, vector<2048x64xbf16>, vector<256x2048xf32> -> vector<256x2048xf32>
    %convert_element_type3A_78 = arith.truncf %dot_general3A_77 : vector<256x2048xf32> to vector<256x2048xbf16>
    %add3A_79 = arith.addf %convert_element_type3A_78, %select_n3A : vector<256x2048xbf16>
    %reduce_max3A_80 = arith.constant dense<0xFF80> : vector<256xbf16>
    %reduce_max3A_81 = vector.multi_reduction <maximumf>, %add3A_79, %reduce_max3A_80 [1] : vector<256x2048xbf16> to vector<256xbf16>
    %convert_element_type3A_82 = arith.extf %reduce_max3A_81 : vector<256xbf16> to vector<256xf32>
    %mul3A_83 = arith.mulf %convert_element_type3A_78, %convert_element_type3A : vector<256x2048xbf16>
    %convert_element_type3A_84 = arith.extf %mul3A_83 : vector<256x2048xbf16> to vector<256x2048xf32>
    %reduce_sum3A_85 = arith.constant dense<0.000000e+00> : vector<256xf32>
    %reduce_sum3A_86 = vector.multi_reduction <add>, %convert_element_type3A_84, %reduce_sum3A_85 [1] : vector<256x2048xf32> to vector<256xf32>
    %convert_element_type3A_87 = arith.truncf %reduce_sum3A_86 : vector<256xf32> to vector<256xbf16>
    %convert_element_type3A_88 = arith.extf %convert_element_type3A_87 : vector<256xbf16> to vector<256xf32>
    %mul3A_89 = arith.constant 4.8828125E-4 : f32
    %mul3A_90 = vector.broadcast %mul3A_89 : f32 to vector<256xf32>
    %mul3A_91 = arith.mulf %convert_element_type3A_88, %mul3A_90 : vector<256xf32>
    %sub3A_92 = arith.subf %convert_element_type3A_82, %mul3A_91 : vector<256xf32>
    %reshape3A_93 = vector.shape_cast %sub3A_92 : vector<256xf32> to vector<1x256xf32>
    %swap3A_94 = arith.constant 2 : index
    %swap3A_95 = arith.constant 0 : index
    %swap3A_96 = arith.constant 0 : index
    %swap3A_97 = vector.load %arg4[%swap3A_94, %swap3A_95, %swap3A_96] : memref<12x1x256xf32, #tpu.memory_space<vmem>>, vector<1x1x256xf32>
    %swap3A_98 = vector.shape_cast %swap3A_97 : vector<1x1x256xf32> to vector<1x256xf32>
    %swap3A_99 = vector.shape_cast %reshape3A_93 : vector<1x256xf32> to vector<1x1x256xf32>
    tpu.vector_store %arg4[%swap3A_94, %swap3A_95, %swap3A_96], %swap3A_99 {strides = array<i32>} : memref<12x1x256xf32, #tpu.memory_space<vmem>>, vector<1x1x256xf32>,
    %get3A_100 = arith.constant 3 : index
    %get3A_101 = arith.constant 0 : index
    %get3A_102 = arith.constant 0 : index
    %get3A_103 = vector.load %arg1[%get3A_100, %get3A_101, %get3A_102] : memref<12x256x64xbf16, #tpu.memory_space<vmem>>, vector<1x256x64xbf16>
    %get3A_104 = vector.shape_cast %get3A_103 : vector<1x256x64xbf16> to vector<256x64xbf16>
    %get3A_105 = arith.constant 3 : index
    %get3A_106 = arith.constant 0 : index
    %get3A_107 = arith.constant 0 : index
    %get3A_108 = vector.load %arg2[%get3A_105, %get3A_106, %get3A_107] : memref<12x2048x64xbf16, #tpu.memory_space<vmem>>, vector<1x2048x64xbf16>
    %get3A_109 = vector.shape_cast %get3A_108 : vector<1x2048x64xbf16> to vector<2048x64xbf16>
    %dot_general3A_110 = arith.constant dense<0.000000e+00> : vector<256x2048xf32>
    %dot_general3A_111 = tpu.matmul %get3A_104, %get3A_109, %dot_general3A_110 {dimension_numbers = #tpu.dot_dimension_numbers<[1], [1], [0], [0], [0, 0, 1, 0], [], []>, transpose_lhs_hint = false} : vector<256x64xbf16>, vector<2048x64xbf16>, vector<256x2048xf32> -> vector<256x2048xf32>
    %convert_element_type3A_112 = arith.truncf %dot_general3A_111 : vector<256x2048xf32> to vector<256x2048xbf16>
    %add3A_113 = arith.addf %convert_element_type3A_112, %select_n3A : vector<256x2048xbf16>
    %reduce_max3A_114 = arith.constant dense<0xFF80> : vector<256xbf16>
    %reduce_max3A_115 = vector.multi_reduction <maximumf>, %add3A_113, %reduce_max3A_114 [1] : vector<256x2048xbf16> to vector<256xbf16>
    %convert_element_type3A_116 = arith.extf %reduce_max3A_115 : vector<256xbf16> to vector<256xf32>
    %mul3A_117 = arith.mulf %convert_element_type3A_112, %convert_element_type3A : vector<256x2048xbf16>
    %convert_element_type3A_118 = arith.extf %mul3A_117 : vector<256x2048xbf16> to vector<256x2048xf32>
    %reduce_sum3A_119 = arith.constant dense<0.000000e+00> : vector<256xf32>
    %reduce_sum3A_120 = vector.multi_reduction <add>, %convert_element_type3A_118, %reduce_sum3A_119 [1] : vector<256x2048xf32> to vector<256xf32>
    %convert_element_type3A_121 = arith.truncf %reduce_sum3A_120 : vector<256xf32> to vector<256xbf16>
    %convert_element_type3A_122 = arith.extf %convert_element_type3A_121 : vector<256xbf16> to vector<256xf32>
    %mul3A_123 = arith.constant 4.8828125E-4 : f32
    %mul3A_124 = vector.broadcast %mul3A_123 : f32 to vector<256xf32>
    %mul3A_125 = arith.mulf %convert_element_type3A_122, %mul3A_124 : vector<256xf32>
    %sub3A_126 = arith.subf %convert_element_type3A_116, %mul3A_125 : vector<256xf32>
    %reshape3A_127 = vector.shape_cast %sub3A_126 : vector<256xf32> to vector<1x256xf32>
    %swap3A_128 = arith.constant 3 : index
    %swap3A_129 = arith.constant 0 : index
    %swap3A_130 = arith.constant 0 : index
    %swap3A_131 = vector.load %arg4[%swap3A_128, %swap3A_129, %swap3A_130] : memref<12x1x256xf32, #tpu.memory_space<vmem>>, vector<1x1x256xf32>
    %swap3A_132 = vector.shape_cast %swap3A_131 : vector<1x1x256xf32> to vector<1x256xf32>
    %swap3A_133 = vector.shape_cast %reshape3A_127 : vector<1x256xf32> to vector<1x1x256xf32>
    tpu.vector_store %arg4[%swap3A_128, %swap3A_129, %swap3A_130], %swap3A_133 {strides = array<i32>} : memref<12x1x256xf32, #tpu.memory_space<vmem>>, vector<1x1x256xf32>,
    %get3A_134 = arith.constant 4 : index
    %get3A_135 = arith.constant 0 : index
    %get3A_136 = arith.constant 0 : index
    %get3A_137 = vector.load %arg1[%get3A_134, %get3A_135, %get3A_136] : memref<12x256x64xbf16, #tpu.memory_space<vmem>>, vector<1x256x64xbf16>
    %get3A_138 = vector.shape_cast %get3A_137 : vector<1x256x64xbf16> to vector<256x64xbf16>
    %get3A_139 = arith.constant 4 : index
    %get3A_140 = arith.constant 0 : index
    %get3A_141 = arith.constant 0 : index
    %get3A_142 = vector.load %arg2[%get3A_139, %get3A_140, %get3A_141] : memref<12x2048x64xbf16, #tpu.memory_space<vmem>>, vector<1x2048x64xbf16>
    %get3A_143 = vector.shape_cast %get3A_142 : vector<1x2048x64xbf16> to vector<2048x64xbf16>
    %dot_general3A_144 = arith.constant dense<0.000000e+00> : vector<256x2048xf32>
    %dot_general3A_145 = tpu.matmul %get3A_138, %get3A_143, %dot_general3A_144 {dimension_numbers = #tpu.dot_dimension_numbers<[1], [1], [0], [0], [0, 0, 1, 0], [], []>, transpose_lhs_hint = false} : vector<256x64xbf16>, vector<2048x64xbf16>, vector<256x2048xf32> -> vector<256x2048xf32>
    %convert_element_type3A_146 = arith.truncf %dot_general3A_145 : vector<256x2048xf32> to vector<256x2048xbf16>
    %add3A_147 = arith.addf %convert_element_type3A_146, %select_n3A : vector<256x2048xbf16>
    %reduce_max3A_148 = arith.constant dense<0xFF80> : vector<256xbf16>
    %reduce_max3A_149 = vector.multi_reduction <maximumf>, %add3A_147, %reduce_max3A_148 [1] : vector<256x2048xbf16> to vector<256xbf16>
    %convert_element_type3A_150 = arith.extf %reduce_max3A_149 : vector<256xbf16> to vector<256xf32>
    %mul3A_151 = arith.mulf %convert_element_type3A_146, %convert_element_type3A : vector<256x2048xbf16>
    %convert_element_type3A_152 = arith.extf %mul3A_151 : vector<256x2048xbf16> to vector<256x2048xf32>
    %reduce_sum3A_153 = arith.constant dense<0.000000e+00> : vector<256xf32>
    %reduce_sum3A_154 = vector.multi_reduction <add>, %convert_element_type3A_152, %reduce_sum3A_153 [1] : vector<256x2048xf32> to vector<256xf32>
    %convert_element_type3A_155 = arith.truncf %reduce_sum3A_154 : vector<256xf32> to vector<256xbf16>
    %convert_element_type3A_156 = arith.extf %convert_element_type3A_155 : vector<256xbf16> to vector<256xf32>
    %mul3A_157 = arith.constant 4.8828125E-4 : f32
    %mul3A_158 = vector.broadcast %mul3A_157 : f32 to vector<256xf32>
    %mul3A_159 = arith.mulf %convert_element_type3A_156, %mul3A_158 : vector<256xf32>
    %sub3A_160 = arith.subf %convert_element_type3A_150, %mul3A_159 : vector<256xf32>
    %reshape3A_161 = vector.shape_cast %sub3A_160 : vector<256xf32> to vector<1x256xf32>
    %swap3A_162 = arith.constant 4 : index
    %swap3A_163 = arith.constant 0 : index
    %swap3A_164 = arith.constant 0 : index
    %swap3A_165 = vector.load %arg4[%swap3A_162, %swap3A_163, %swap3A_164] : memref<12x1x256xf32, #tpu.memory_space<vmem>>, vector<1x1x256xf32>
    %swap3A_166 = vector.shape_cast %swap3A_165 : vector<1x1x256xf32> to vector<1x256xf32>
    %swap3A_167 = vector.shape_cast %reshape3A_161 : vector<1x256xf32> to vector<1x1x256xf32>
    tpu.vector_store %arg4[%swap3A_162, %swap3A_163, %swap3A_164], %swap3A_167 {strides = array<i32>} : memref<12x1x256xf32, #tpu.memory_space<vmem>>, vector<1x1x256xf32>,
    %get3A_168 = arith.constant 5 : index
    %get3A_169 = arith.constant 0 : index
    %get3A_170 = arith.constant 0 : index
    %get3A_171 = vector.load %arg1[%get3A_168, %get3A_169, %get3A_170] : memref<12x256x64xbf16, #tpu.memory_space<vmem>>, vector<1x256x64xbf16>
    %get3A_172 = vector.shape_cast %get3A_171 : vector<1x256x64xbf16> to vector<256x64xbf16>
    %get3A_173 = arith.constant 5 : index
    %get3A_174 = arith.constant 0 : index
    %get3A_175 = arith.constant 0 : index
    %get3A_176 = vector.load %arg2[%get3A_173, %get3A_174, %get3A_175] : memref<12x2048x64xbf16, #tpu.memory_space<vmem>>, vector<1x2048x64xbf16>
    %get3A_177 = vector.shape_cast %get3A_176 : vector<1x2048x64xbf16> to vector<2048x64xbf16>
    %dot_general3A_178 = arith.constant dense<0.000000e+00> : vector<256x2048xf32>
    %dot_general3A_179 = tpu.matmul %get3A_172, %get3A_177, %dot_general3A_178 {dimension_numbers = #tpu.dot_dimension_numbers<[1], [1], [0], [0], [0, 0, 1, 0], [], []>, transpose_lhs_hint = false} : vector<256x64xbf16>, vector<2048x64xbf16>, vector<256x2048xf32> -> vector<256x2048xf32>
    %convert_element_type3A_180 = arith.truncf %dot_general3A_179 : vector<256x2048xf32> to vector<256x2048xbf16>
    %add3A_181 = arith.addf %convert_element_type3A_180, %select_n3A : vector<256x2048xbf16>
    %reduce_max3A_182 = arith.constant dense<0xFF80> : vector<256xbf16>
    %reduce_max3A_183 = vector.multi_reduction <maximumf>, %add3A_181, %reduce_max3A_182 [1] : vector<256x2048xbf16> to vector<256xbf16>
    %convert_element_type3A_184 = arith.extf %reduce_max3A_183 : vector<256xbf16> to vector<256xf32>
    %mul3A_185 = arith.mulf %convert_element_type3A_180, %convert_element_type3A : vector<256x2048xbf16>
    %convert_element_type3A_186 = arith.extf %mul3A_185 : vector<256x2048xbf16> to vector<256x2048xf32>
    %reduce_sum3A_187 = arith.constant dense<0.000000e+00> : vector<256xf32>
    %reduce_sum3A_188 = vector.multi_reduction <add>, %convert_element_type3A_186, %reduce_sum3A_187 [1] : vector<256x2048xf32> to vector<256xf32>
    %convert_element_type3A_189 = arith.truncf %reduce_sum3A_188 : vector<256xf32> to vector<256xbf16>
    %convert_element_type3A_190 = arith.extf %convert_element_type3A_189 : vector<256xbf16> to vector<256xf32>
    %mul3A_191 = arith.constant 4.8828125E-4 : f32
    %mul3A_192 = vector.broadcast %mul3A_191 : f32 to vector<256xf32>
    %mul3A_193 = arith.mulf %convert_element_type3A_190, %mul3A_192 : vector<256xf32>
    %sub3A_194 = arith.subf %convert_element_type3A_184, %mul3A_193 : vector<256xf32>
    %reshape3A_195 = vector.shape_cast %sub3A_194 : vector<256xf32> to vector<1x256xf32>
    %swap3A_196 = arith.constant 5 : index
    %swap3A_197 = arith.constant 0 : index
    %swap3A_198 = arith.constant 0 : index
    %swap3A_199 = vector.load %arg4[%swap3A_196, %swap3A_197, %swap3A_198] : memref<12x1x256xf32, #tpu.memory_space<vmem>>, vector<1x1x256xf32>
    %swap3A_200 = vector.shape_cast %swap3A_199 : vector<1x1x256xf32> to vector<1x256xf32>
    %swap3A_201 = vector.shape_cast %reshape3A_195 : vector<1x256xf32> to vector<1x1x256xf32>
    tpu.vector_store %arg4[%swap3A_196, %swap3A_197, %swap3A_198], %swap3A_201 {strides = array<i32>} : memref<12x1x256xf32, #tpu.memory_space<vmem>>, vector<1x1x256xf32>,
    %get3A_202 = arith.constant 6 : index
    %get3A_203 = arith.constant 0 : index
    %get3A_204 = arith.constant 0 : index
    %get3A_205 = vector.load %arg1[%get3A_202, %get3A_203, %get3A_204] : memref<12x256x64xbf16, #tpu.memory_space<vmem>>, vector<1x256x64xbf16>
    %get3A_206 = vector.shape_cast %get3A_205 : vector<1x256x64xbf16> to vector<256x64xbf16>
    %get3A_207 = arith.constant 6 : index
    %get3A_208 = arith.constant 0 : index
    %get3A_209 = arith.constant 0 : index
    %get3A_210 = vector.load %arg2[%get3A_207, %get3A_208, %get3A_209] : memref<12x2048x64xbf16, #tpu.memory_space<vmem>>, vector<1x2048x64xbf16>
    %get3A_211 = vector.shape_cast %get3A_210 : vector<1x2048x64xbf16> to vector<2048x64xbf16>
    %dot_general3A_212 = arith.constant dense<0.000000e+00> : vector<256x2048xf32>
    %dot_general3A_213 = tpu.matmul %get3A_206, %get3A_211, %dot_general3A_212 {dimension_numbers = #tpu.dot_dimension_numbers<[1], [1], [0], [0], [0, 0, 1, 0], [], []>, transpose_lhs_hint = false} : vector<256x64xbf16>, vector<2048x64xbf16>, vector<256x2048xf32> -> vector<256x2048xf32>
    %convert_element_type3A_214 = arith.truncf %dot_general3A_213 : vector<256x2048xf32> to vector<256x2048xbf16>
    %add3A_215 = arith.addf %convert_element_type3A_214, %select_n3A : vector<256x2048xbf16>
    %reduce_max3A_216 = arith.constant dense<0xFF80> : vector<256xbf16>
    %reduce_max3A_217 = vector.multi_reduction <maximumf>, %add3A_215, %reduce_max3A_216 [1] : vector<256x2048xbf16> to vector<256xbf16>
    %convert_element_type3A_218 = arith.extf %reduce_max3A_217 : vector<256xbf16> to vector<256xf32>
    %mul3A_219 = arith.mulf %convert_element_type3A_214, %convert_element_type3A : vector<256x2048xbf16>
    %convert_element_type3A_220 = arith.extf %mul3A_219 : vector<256x2048xbf16> to vector<256x2048xf32>
    %reduce_sum3A_221 = arith.constant dense<0.000000e+00> : vector<256xf32>
    %reduce_sum3A_222 = vector.multi_reduction <add>, %convert_element_type3A_220, %reduce_sum3A_221 [1] : vector<256x2048xf32> to vector<256xf32>
    %convert_element_type3A_223 = arith.truncf %reduce_sum3A_222 : vector<256xf32> to vector<256xbf16>
    %convert_element_type3A_224 = arith.extf %convert_element_type3A_223 : vector<256xbf16> to vector<256xf32>
    %mul3A_225 = arith.constant 4.8828125E-4 : f32
    %mul3A_226 = vector.broadcast %mul3A_225 : f32 to vector<256xf32>
    %mul3A_227 = arith.mulf %convert_element_type3A_224, %mul3A_226 : vector<256xf32>
    %sub3A_228 = arith.subf %convert_element_type3A_218, %mul3A_227 : vector<256xf32>
    %reshape3A_229 = vector.shape_cast %sub3A_228 : vector<256xf32> to vector<1x256xf32>
    %swap3A_230 = arith.constant 6 : index
    %swap3A_231 = arith.constant 0 : index
    %swap3A_232 = arith.constant 0 : index
    %swap3A_233 = vector.load %arg4[%swap3A_230, %swap3A_231, %swap3A_232] : memref<12x1x256xf32, #tpu.memory_space<vmem>>, vector<1x1x256xf32>
    %swap3A_234 = vector.shape_cast %swap3A_233 : vector<1x1x256xf32> to vector<1x256xf32>
    %swap3A_235 = vector.shape_cast %reshape3A_229 : vector<1x256xf32> to vector<1x1x256xf32>
    tpu.vector_store %arg4[%swap3A_230, %swap3A_231, %swap3A_232], %swap3A_235 {strides = array<i32>} : memref<12x1x256xf32, #tpu.memory_space<vmem>>, vector<1x1x256xf32>,
    %get3A_236 = arith.constant 7 : index
    %get3A_237 = arith.constant 0 : index
    %get3A_238 = arith.constant 0 : index
    %get3A_239 = vector.load %arg1[%get3A_236, %get3A_237, %get3A_238] : memref<12x256x64xbf16, #tpu.memory_space<vmem>>, vector<1x256x64xbf16>
    %get3A_240 = vector.shape_cast %get3A_239 : vector<1x256x64xbf16> to vector<256x64xbf16>
    %get3A_241 = arith.constant 7 : index
    %get3A_242 = arith.constant 0 : index
    %get3A_243 = arith.constant 0 : index
    %get3A_244 = vector.load %arg2[%get3A_241, %get3A_242, %get3A_243] : memref<12x2048x64xbf16, #tpu.memory_space<vmem>>, vector<1x2048x64xbf16>
    %get3A_245 = vector.shape_cast %get3A_244 : vector<1x2048x64xbf16> to vector<2048x64xbf16>
    %dot_general3A_246 = arith.constant dense<0.000000e+00> : vector<256x2048xf32>
    %dot_general3A_247 = tpu.matmul %get3A_240, %get3A_245, %dot_general3A_246 {dimension_numbers = #tpu.dot_dimension_numbers<[1], [1], [0], [0], [0, 0, 1, 0], [], []>, transpose_lhs_hint = false} : vector<256x64xbf16>, vector<2048x64xbf16>, vector<256x2048xf32> -> vector<256x2048xf32>
    %convert_element_type3A_248 = arith.truncf %dot_general3A_247 : vector<256x2048xf32> to vector<256x2048xbf16>
    %add3A_249 = arith.addf %convert_element_type3A_248, %select_n3A : vector<256x2048xbf16>
    %reduce_max3A_250 = arith.constant dense<0xFF80> : vector<256xbf16>
    %reduce_max3A_251 = vector.multi_reduction <maximumf>, %add3A_249, %reduce_max3A_250 [1] : vector<256x2048xbf16> to vector<256xbf16>
    %convert_element_type3A_252 = arith.extf %reduce_max3A_251 : vector<256xbf16> to vector<256xf32>
    %mul3A_253 = arith.mulf %convert_element_type3A_248, %convert_element_type3A : vector<256x2048xbf16>
    %convert_element_type3A_254 = arith.extf %mul3A_253 : vector<256x2048xbf16> to vector<256x2048xf32>
    %reduce_sum3A_255 = arith.constant dense<0.000000e+00> : vector<256xf32>
    %reduce_sum3A_256 = vector.multi_reduction <add>, %convert_element_type3A_254, %reduce_sum3A_255 [1] : vector<256x2048xf32> to vector<256xf32>
    %convert_element_type3A_257 = arith.truncf %reduce_sum3A_256 : vector<256xf32> to vector<256xbf16>
    %convert_element_type3A_258 = arith.extf %convert_element_type3A_257 : vector<256xbf16> to vector<256xf32>
    %mul3A_259 = arith.constant 4.8828125E-4 : f32
    %mul3A_260 = vector.broadcast %mul3A_259 : f32 to vector<256xf32>
    %mul3A_261 = arith.mulf %convert_element_type3A_258, %mul3A_260 : vector<256xf32>
    %sub3A_262 = arith.subf %convert_element_type3A_252, %mul3A_261 : vector<256xf32>
    %reshape3A_263 = vector.shape_cast %sub3A_262 : vector<256xf32> to vector<1x256xf32>
    %swap3A_264 = arith.constant 7 : index
    %swap3A_265 = arith.constant 0 : index
    %swap3A_266 = arith.constant 0 : index
    %swap3A_267 = vector.load %arg4[%swap3A_264, %swap3A_265, %swap3A_266] : memref<12x1x256xf32, #tpu.memory_space<vmem>>, vector<1x1x256xf32>
    %swap3A_268 = vector.shape_cast %swap3A_267 : vector<1x1x256xf32> to vector<1x256xf32>
    %swap3A_269 = vector.shape_cast %reshape3A_263 : vector<1x256xf32> to vector<1x1x256xf32>
    tpu.vector_store %arg4[%swap3A_264, %swap3A_265, %swap3A_266], %swap3A_269 {strides = array<i32>} : memref<12x1x256xf32, #tpu.memory_space<vmem>>, vector<1x1x256xf32>,
    %get3A_270 = arith.constant 8 : index
    %get3A_271 = arith.constant 0 : index
    %get3A_272 = arith.constant 0 : index
    %get3A_273 = vector.load %arg1[%get3A_270, %get3A_271, %get3A_272] : memref<12x256x64xbf16, #tpu.memory_space<vmem>>, vector<1x256x64xbf16>
    %get3A_274 = vector.shape_cast %get3A_273 : vector<1x256x64xbf16> to vector<256x64xbf16>
    %get3A_275 = arith.constant 8 : index
    %get3A_276 = arith.constant 0 : index
    %get3A_277 = arith.constant 0 : index
    %get3A_278 = vector.load %arg2[%get3A_275, %get3A_276, %get3A_277] : memref<12x2048x64xbf16, #tpu.memory_space<vmem>>, vector<1x2048x64xbf16>
    %get3A_279 = vector.shape_cast %get3A_278 : vector<1x2048x64xbf16> to vector<2048x64xbf16>
    %dot_general3A_280 = arith.constant dense<0.000000e+00> : vector<256x2048xf32>
    %dot_general3A_281 = tpu.matmul %get3A_274, %get3A_279, %dot_general3A_280 {dimension_numbers = #tpu.dot_dimension_numbers<[1], [1], [0], [0], [0, 0, 1, 0], [], []>, transpose_lhs_hint = false} : vector<256x64xbf16>, vector<2048x64xbf16>, vector<256x2048xf32> -> vector<256x2048xf32>
    %convert_element_type3A_282 = arith.truncf %dot_general3A_281 : vector<256x2048xf32> to vector<256x2048xbf16>
    %add3A_283 = arith.addf %convert_element_type3A_282, %select_n3A : vector<256x2048xbf16>
    %reduce_max3A_284 = arith.constant dense<0xFF80> : vector<256xbf16>
    %reduce_max3A_285 = vector.multi_reduction <maximumf>, %add3A_283, %reduce_max3A_284 [1] : vector<256x2048xbf16> to vector<256xbf16>
    %convert_element_type3A_286 = arith.extf %reduce_max3A_285 : vector<256xbf16> to vector<256xf32>
    %mul3A_287 = arith.mulf %convert_element_type3A_282, %convert_element_type3A : vector<256x2048xbf16>
    %convert_element_type3A_288 = arith.extf %mul3A_287 : vector<256x2048xbf16> to vector<256x2048xf32>
    %reduce_sum3A_289 = arith.constant dense<0.000000e+00> : vector<256xf32>
    %reduce_sum3A_290 = vector.multi_reduction <add>, %convert_element_type3A_288, %reduce_sum3A_289 [1] : vector<256x2048xf32> to vector<256xf32>
    %convert_element_type3A_291 = arith.truncf %reduce_sum3A_290 : vector<256xf32> to vector<256xbf16>
    %convert_element_type3A_292 = arith.extf %convert_element_type3A_291 : vector<256xbf16> to vector<256xf32>
    %mul3A_293 = arith.constant 4.8828125E-4 : f32
    %mul3A_294 = vector.broadcast %mul3A_293 : f32 to vector<256xf32>
    %mul3A_295 = arith.mulf %convert_element_type3A_292, %mul3A_294 : vector<256xf32>
    %sub3A_296 = arith.subf %convert_element_type3A_286, %mul3A_295 : vector<256xf32>
    %reshape3A_297 = vector.shape_cast %sub3A_296 : vector<256xf32> to vector<1x256xf32>
    %swap3A_298 = arith.constant 8 : index
    %swap3A_299 = arith.constant 0 : index
    %swap3A_300 = arith.constant 0 : index
    %swap3A_301 = vector.load %arg4[%swap3A_298, %swap3A_299, %swap3A_300] : memref<12x1x256xf32, #tpu.memory_space<vmem>>, vector<1x1x256xf32>
    %swap3A_302 = vector.shape_cast %swap3A_301 : vector<1x1x256xf32> to vector<1x256xf32>
    %swap3A_303 = vector.shape_cast %reshape3A_297 : vector<1x256xf32> to vector<1x1x256xf32>
    tpu.vector_store %arg4[%swap3A_298, %swap3A_299, %swap3A_300], %swap3A_303 {strides = array<i32>} : memref<12x1x256xf32, #tpu.memory_space<vmem>>, vector<1x1x256xf32>,
    %get3A_304 = arith.constant 9 : index
    %get3A_305 = arith.constant 0 : index
    %get3A_306 = arith.constant 0 : index
    %get3A_307 = vector.load %arg1[%get3A_304, %get3A_305, %get3A_306] : memref<12x256x64xbf16, #tpu.memory_space<vmem>>, vector<1x256x64xbf16>
    %get3A_308 = vector.shape_cast %get3A_307 : vector<1x256x64xbf16> to vector<256x64xbf16>
    %get3A_309 = arith.constant 9 : index
    %get3A_310 = arith.constant 0 : index
    %get3A_311 = arith.constant 0 : index
    %get3A_312 = vector.load %arg2[%get3A_309, %get3A_310, %get3A_311] : memref<12x2048x64xbf16, #tpu.memory_space<vmem>>, vector<1x2048x64xbf16>
    %get3A_313 = vector.shape_cast %get3A_312 : vector<1x2048x64xbf16> to vector<2048x64xbf16>
    %dot_general3A_314 = arith.constant dense<0.000000e+00> : vector<256x2048xf32>
    %dot_general3A_315 = tpu.matmul %get3A_308, %get3A_313, %dot_general3A_314 {dimension_numbers = #tpu.dot_dimension_numbers<[1], [1], [0], [0], [0, 0, 1, 0], [], []>, transpose_lhs_hint = false} : vector<256x64xbf16>, vector<2048x64xbf16>, vector<256x2048xf32> -> vector<256x2048xf32>
    %convert_element_type3A_316 = arith.truncf %dot_general3A_315 : vector<256x2048xf32> to vector<256x2048xbf16>
    %add3A_317 = arith.addf %convert_element_type3A_316, %select_n3A : vector<256x2048xbf16>
    %reduce_max3A_318 = arith.constant dense<0xFF80> : vector<256xbf16>
    %reduce_max3A_319 = vector.multi_reduction <maximumf>, %add3A_317, %reduce_max3A_318 [1] : vector<256x2048xbf16> to vector<256xbf16>
    %convert_element_type3A_320 = arith.extf %reduce_max3A_319 : vector<256xbf16> to vector<256xf32>
    %mul3A_321 = arith.mulf %convert_element_type3A_316, %convert_element_type3A : vector<256x2048xbf16>
    %convert_element_type3A_322 = arith.extf %mul3A_321 : vector<256x2048xbf16> to vector<256x2048xf32>
    %reduce_sum3A_323 = arith.constant dense<0.000000e+00> : vector<256xf32>
    %reduce_sum3A_324 = vector.multi_reduction <add>, %convert_element_type3A_322, %reduce_sum3A_323 [1] : vector<256x2048xf32> to vector<256xf32>
    %convert_element_type3A_325 = arith.truncf %reduce_sum3A_324 : vector<256xf32> to vector<256xbf16>
    %convert_element_type3A_326 = arith.extf %convert_element_type3A_325 : vector<256xbf16> to vector<256xf32>
    %mul3A_327 = arith.constant 4.8828125E-4 : f32
    %mul3A_328 = vector.broadcast %mul3A_327 : f32 to vector<256xf32>
    %mul3A_329 = arith.mulf %convert_element_type3A_326, %mul3A_328 : vector<256xf32>
    %sub3A_330 = arith.subf %convert_element_type3A_320, %mul3A_329 : vector<256xf32>
    %reshape3A_331 = vector.shape_cast %sub3A_330 : vector<256xf32> to vector<1x256xf32>
    %swap3A_332 = arith.constant 9 : index
    %swap3A_333 = arith.constant 0 : index
    %swap3A_334 = arith.constant 0 : index
    %swap3A_335 = vector.load %arg4[%swap3A_332, %swap3A_333, %swap3A_334] : memref<12x1x256xf32, #tpu.memory_space<vmem>>, vector<1x1x256xf32>
    %swap3A_336 = vector.shape_cast %swap3A_335 : vector<1x1x256xf32> to vector<1x256xf32>
    %swap3A_337 = vector.shape_cast %reshape3A_331 : vector<1x256xf32> to vector<1x1x256xf32>
    tpu.vector_store %arg4[%swap3A_332, %swap3A_333, %swap3A_334], %swap3A_337 {strides = array<i32>} : memref<12x1x256xf32, #tpu.memory_space<vmem>>, vector<1x1x256xf32>,
    %get3A_338 = arith.constant 10 : index
    %get3A_339 = arith.constant 0 : index
    %get3A_340 = arith.constant 0 : index
    %get3A_341 = vector.load %arg1[%get3A_338, %get3A_339, %get3A_340] : memref<12x256x64xbf16, #tpu.memory_space<vmem>>, vector<1x256x64xbf16>
    %get3A_342 = vector.shape_cast %get3A_341 : vector<1x256x64xbf16> to vector<256x64xbf16>
    %get3A_343 = arith.constant 10 : index
    %get3A_344 = arith.constant 0 : index
    %get3A_345 = arith.constant 0 : index
    %get3A_346 = vector.load %arg2[%get3A_343, %get3A_344, %get3A_345] : memref<12x2048x64xbf16, #tpu.memory_space<vmem>>, vector<1x2048x64xbf16>
    %get3A_347 = vector.shape_cast %get3A_346 : vector<1x2048x64xbf16> to vector<2048x64xbf16>
    %dot_general3A_348 = arith.constant dense<0.000000e+00> : vector<256x2048xf32>
    %dot_general3A_349 = tpu.matmul %get3A_342, %get3A_347, %dot_general3A_348 {dimension_numbers = #tpu.dot_dimension_numbers<[1], [1], [0], [0], [0, 0, 1, 0], [], []>, transpose_lhs_hint = false} : vector<256x64xbf16>, vector<2048x64xbf16>, vector<256x2048xf32> -> vector<256x2048xf32>
    %convert_element_type3A_350 = arith.truncf %dot_general3A_349 : vector<256x2048xf32> to vector<256x2048xbf16>
    %add3A_351 = arith.addf %convert_element_type3A_350, %select_n3A : vector<256x2048xbf16>
    %reduce_max3A_352 = arith.constant dense<0xFF80> : vector<256xbf16>
    %reduce_max3A_353 = vector.multi_reduction <maximumf>, %add3A_351, %reduce_max3A_352 [1] : vector<256x2048xbf16> to vector<256xbf16>
    %convert_element_type3A_354 = arith.extf %reduce_max3A_353 : vector<256xbf16> to vector<256xf32>
    %mul3A_355 = arith.mulf %convert_element_type3A_350, %convert_element_type3A : vector<256x2048xbf16>
    %convert_element_type3A_356 = arith.extf %mul3A_355 : vector<256x2048xbf16> to vector<256x2048xf32>
    %reduce_sum3A_357 = arith.constant dense<0.000000e+00> : vector<256xf32>
    %reduce_sum3A_358 = vector.multi_reduction <add>, %convert_element_type3A_356, %reduce_sum3A_357 [1] : vector<256x2048xf32> to vector<256xf32>
    %convert_element_type3A_359 = arith.truncf %reduce_sum3A_358 : vector<256xf32> to vector<256xbf16>
    %convert_element_type3A_360 = arith.extf %convert_element_type3A_359 : vector<256xbf16> to vector<256xf32>
    %mul3A_361 = arith.constant 4.8828125E-4 : f32
    %mul3A_362 = vector.broadcast %mul3A_361 : f32 to vector<256xf32>
    %mul3A_363 = arith.mulf %convert_element_type3A_360, %mul3A_362 : vector<256xf32>
    %sub3A_364 = arith.subf %convert_element_type3A_354, %mul3A_363 : vector<256xf32>
    %reshape3A_365 = vector.shape_cast %sub3A_364 : vector<256xf32> to vector<1x256xf32>
    %swap3A_366 = arith.constant 10 : index
    %swap3A_367 = arith.constant 0 : index
    %swap3A_368 = arith.constant 0 : index
    %swap3A_369 = vector.load %arg4[%swap3A_366, %swap3A_367, %swap3A_368] : memref<12x1x256xf32, #tpu.memory_space<vmem>>, vector<1x1x256xf32>
    %swap3A_370 = vector.shape_cast %swap3A_369 : vector<1x1x256xf32> to vector<1x256xf32>
    %swap3A_371 = vector.shape_cast %reshape3A_365 : vector<1x256xf32> to vector<1x1x256xf32>
    tpu.vector_store %arg4[%swap3A_366, %swap3A_367, %swap3A_368], %swap3A_371 {strides = array<i32>} : memref<12x1x256xf32, #tpu.memory_space<vmem>>, vector<1x1x256xf32>,
    %get3A_372 = arith.constant 11 : index
    %get3A_373 = arith.constant 0 : index
    %get3A_374 = arith.constant 0 : index
    %get3A_375 = vector.load %arg1[%get3A_372, %get3A_373, %get3A_374] : memref<12x256x64xbf16, #tpu.memory_space<vmem>>, vector<1x256x64xbf16>
    %get3A_376 = vector.shape_cast %get3A_375 : vector<1x256x64xbf16> to vector<256x64xbf16>
    %get3A_377 = arith.constant 11 : index
    %get3A_378 = arith.constant 0 : index
    %get3A_379 = arith.constant 0 : index
    %get3A_380 = vector.load %arg2[%get3A_377, %get3A_378, %get3A_379] : memref<12x2048x64xbf16, #tpu.memory_space<vmem>>, vector<1x2048x64xbf16>
    %get3A_381 = vector.shape_cast %get3A_380 : vector<1x2048x64xbf16> to vector<2048x64xbf16>
    %dot_general3A_382 = arith.constant dense<0.000000e+00> : vector<256x2048xf32>
    %dot_general3A_383 = tpu.matmul %get3A_376, %get3A_381, %dot_general3A_382 {dimension_numbers = #tpu.dot_dimension_numbers<[1], [1], [0], [0], [0, 0, 1, 0], [], []>, transpose_lhs_hint = false} : vector<256x64xbf16>, vector<2048x64xbf16>, vector<256x2048xf32> -> vector<256x2048xf32>
    %convert_element_type3A_384 = arith.truncf %dot_general3A_383 : vector<256x2048xf32> to vector<256x2048xbf16>
    %add3A_385 = arith.addf %convert_element_type3A_384, %select_n3A : vector<256x2048xbf16>
    %reduce_max3A_386 = arith.constant dense<0xFF80> : vector<256xbf16>
    %reduce_max3A_387 = vector.multi_reduction <maximumf>, %add3A_385, %reduce_max3A_386 [1] : vector<256x2048xbf16> to vector<256xbf16>
    %convert_element_type3A_388 = arith.extf %reduce_max3A_387 : vector<256xbf16> to vector<256xf32>
    %mul3A_389 = arith.mulf %convert_element_type3A_384, %convert_element_type3A : vector<256x2048xbf16>
    %convert_element_type3A_390 = arith.extf %mul3A_389 : vector<256x2048xbf16> to vector<256x2048xf32>
    %reduce_sum3A_391 = arith.constant dense<0.000000e+00> : vector<256xf32>
    %reduce_sum3A_392 = vector.multi_reduction <add>, %convert_element_type3A_390, %reduce_sum3A_391 [1] : vector<256x2048xf32> to vector<256xf32>
    %convert_element_type3A_393 = arith.truncf %reduce_sum3A_392 : vector<256xf32> to vector<256xbf16>
    %convert_element_type3A_394 = arith.extf %convert_element_type3A_393 : vector<256xbf16> to vector<256xf32>
    %mul3A_395 = arith.constant 4.8828125E-4 : f32
    %mul3A_396 = vector.broadcast %mul3A_395 : f32 to vector<256xf32>
    %mul3A_397 = arith.mulf %convert_element_type3A_394, %mul3A_396 : vector<256xf32>
    %sub3A_398 = arith.subf %convert_element_type3A_388, %mul3A_397 : vector<256xf32>
    %reshape3A_399 = vector.shape_cast %sub3A_398 : vector<256xf32> to vector<1x256xf32>
    %swap3A_400 = arith.constant 11 : index
    %swap3A_401 = arith.constant 0 : index
    %swap3A_402 = arith.constant 0 : index
    %swap3A_403 = vector.load %arg4[%swap3A_400, %swap3A_401, %swap3A_402] : memref<12x1x256xf32, #tpu.memory_space<vmem>>, vector<1x1x256xf32>
    %swap3A_404 = vector.shape_cast %swap3A_403 : vector<1x1x256xf32> to vector<1x256xf32>
    %swap3A_405 = vector.shape_cast %reshape3A_399 : vector<1x256xf32> to vector<1x1x256xf32>
    tpu.vector_store %arg4[%swap3A_400, %swap3A_401, %swap3A_402], %swap3A_405 {strides = array<i32>} : memref<12x1x256xf32, #tpu.memory_space<vmem>>, vector<1x1x256xf32>,
    return
  }
  func.func @transform_0(%arg0: i32) -> (i32, i32, i32) {
    %c0_i32 = arith.constant 0 : i32
    %c0_i32_0 = arith.constant 0 : i32
    %c0_i32_1 = arith.constant 0 : i32
    return %c0_i32, %arg0, %c0_i32_0 : i32, i32, i32
  }
  func.func @transform_1(%arg0: i32) -> (i32, i32, i32) {
    %c0_i32 = arith.constant 0 : i32
    %c0_i32_0 = arith.constant 0 : i32
    %c0_i32_1 = arith.constant 0 : i32
    %c0_i32_2 = arith.constant 0 : i32
    return %c0_i32, %c0_i32_0, %c0_i32_1 : i32, i32, i32
  }
  func.func @transform_2(%arg0: i32) -> (i32, i32) {
    %c0_i32 = arith.constant 0 : i32
    %c0_i32_0 = arith.constant 0 : i32
    return %arg0, %c0_i32 : i32, i32
  }
  func.func @transform_3(%arg0: i32) -> (i32, i32, i32) {
    %c0_i32 = arith.constant 0 : i32
    %c0_i32_0 = arith.constant 0 : i32
    %c0_i32_1 = arith.constant 0 : i32
    return %c0_i32, %c0_i32_0, %arg0 : i32, i32, i32
  }
}

module attributes {stable_mosaic.version = 14 : i64} {
  func.func @_topk_body(%arg0: memref<12x2048xf32, #tpu.memory_space<vmem>>, %arg1: memref<12x40x2048xf32, #tpu.memory_space<vmem>>) attributes {dimension_semantics = [], scalar_prefetch = 0 : i64, scratch_operands = 0 : i64, tpu.core_type = #tpu.core_type<tc>} {
    %get3A = arith.constant 0 : index
    %get3A_0 = arith.constant 0 : index
    %get3A_1 = vector.load %arg0[%get3A, %get3A_0] : memref<12x2048xf32, #tpu.memory_space<vmem>>, vector<12x2048xf32>
    %iota3A = tpu.iota {dimensions = array<i32: 1>} : vector<12x2048xi32>
    %scan3A = arith.constant 0 : i32
    %scan3A_2 = arith.constant 40 : i32
    %scan3A_3 = arith.addi %scan3A, %scan3A_2 : i32
    %scan3A_4 = arith.constant 1 : i32
    %scan3A_5 = scf.for %scan3A_7 = %scan3A to %scan3A_3 step %scan3A_4 iter_args(%scan3A_8 = %get3A_1) -> (vector<12x2048xf32>)  : i32 {
      %reduce_max3A = arith.constant dense<0xFF800000> : vector<12xf32>
      %reduce_max3A_9 = vector.multi_reduction <maximumf>, %scan3A_8, %reduce_max3A [1] : vector<12x2048xf32> to vector<12xf32>
      %broadcast_in_dim3A = vector.shape_cast %reduce_max3A_9 : vector<12xf32> to vector<12x1xf32>
      %eq3A = vector.broadcast %broadcast_in_dim3A : vector<12x1xf32> to vector<12x2048xf32>
      %eq3A_10 = arith.cmpf oeq, %scan3A_8, %eq3A : vector<12x2048xf32>
      %jit3A = arith.constant 2048 : i32
      %broadcast_in_dim3A_11 = vector.broadcast %jit3A : i32 to vector<12x2048xi32>
      %select_n3A = arith.select %eq3A_10, %iota3A, %broadcast_in_dim3A_11 : vector<12x2048xi1>, vector<12x2048xi32>
      %reduce_min3A = arith.constant dense<2147483647> : vector<12xi32>
      %reduce_min3A_12 = vector.multi_reduction <minsi>, %select_n3A, %reduce_min3A [1] : vector<12x2048xi32> to vector<12xi32>
      %broadcast_in_dim3A_13 = vector.shape_cast %reduce_min3A_12 : vector<12xi32> to vector<12x1xi32>
      %eq3A_14 = vector.broadcast %broadcast_in_dim3A_13 : vector<12x1xi32> to vector<12x2048xi32>
      %eq3A_15 = arith.cmpi eq, %iota3A, %eq3A_14 : vector<12x2048xi32>
      %convert_element_type3A = arith.extui %eq3A_15 : vector<12x2048xi1> to vector<12x2048xi32>
      %convert_element_type3A_16 = arith.sitofp %convert_element_type3A : vector<12x2048xi32> to vector<12x2048xf32>
      %broadcast_in_dim3A_17 = vector.shape_cast %convert_element_type3A_16 : vector<12x2048xf32> to vector<12x1x2048xf32>
      %swap3A = arith.constant 0 : index
      %swap3A_18 = arith.index_cast %scan3A_7 : i32 to index
      %swap3A_19 = arith.constant 0 : index
      %swap3A_20 = vector.load %arg1[%swap3A, %swap3A_18, %swap3A_19] : memref<12x40x2048xf32, #tpu.memory_space<vmem>>, vector<12x1x2048xf32>
      tpu.vector_store %arg1[%swap3A, %swap3A_18, %swap3A_19], %broadcast_in_dim3A_17 {strides = array<i32>} : memref<12x40x2048xf32, #tpu.memory_space<vmem>>, vector<12x1x2048xf32>,
      %jit3A_21 = arith.constant 0xFF800000 : f32
      %broadcast_in_dim3A_22 = vector.broadcast %jit3A_21 : f32 to vector<12x2048xf32>
      %select_n3A_23 = arith.select %eq3A_15, %broadcast_in_dim3A_22, %scan3A_8 : vector<12x2048xi1>, vector<12x2048xf32>
      scf.yield %select_n3A_23 : vector<12x2048xf32>
    }
    %scan3A_6 = arith.constant 40 : i32
    return
  }
}

module attributes {stable_mosaic.version = 14 : i64} {
  func.func @_attn_body(%arg0: i32, %arg1: memref<1x2048x64xbf16, #tpu.memory_space<vmem>>, %arg2: memref<1x2048x64xbf16, #tpu.memory_space<vmem>>, %arg3: memref<1x2048x64xbf16, #tpu.memory_space<vmem>>, %arg4: memref<1x40x2048xf32, #tpu.memory_space<vmem>>, %arg5: memref<1x2048x64xf32, #tpu.memory_space<vmem>>) attributes {dimension_semantics = [#tpu.dimension_semantics<arbitrary>], iteration_bounds = array<i64: 12>, scalar_prefetch = 0 : i64, scratch_operands = 0 : i64, tpu.core_type = #tpu.core_type<tc>, window_params = [{transform_indices = @transform_0, window_bounds = array<i64: 1, 2048, 64>}, {transform_indices = @transform_1, window_bounds = array<i64: 1, 2048, 64>}, {transform_indices = @transform_2, window_bounds = array<i64: 1, 2048, 64>}, {transform_indices = @transform_3, window_bounds = array<i64: 1, 40, 2048>}, {transform_indices = @transform_4, window_bounds = array<i64: 1, 2048, 64>}]} {
    %get3A = arith.constant 0 : index
    %get3A_0 = arith.constant 0 : index
    %get3A_1 = arith.constant 0 : index
    %get3A_2 = vector.load %arg4[%get3A, %get3A_0, %get3A_1] : memref<1x40x2048xf32, #tpu.memory_space<vmem>>, vector<1x40x2048xf32>
    %get3A_3 = vector.shape_cast %get3A_2 : vector<1x40x2048xf32> to vector<40x2048xf32>
    %get3A_4 = arith.constant 0 : index
    %get3A_5 = arith.constant 0 : index
    %get3A_6 = arith.constant 0 : index
    %get3A_7 = vector.load %arg1[%get3A_4, %get3A_5, %get3A_6] : memref<1x2048x64xbf16, #tpu.memory_space<vmem>>, vector<1x2048x64xbf16>
    %get3A_8 = vector.shape_cast %get3A_7 : vector<1x2048x64xbf16> to vector<2048x64xbf16>
    %convert_element_type3A = arith.truncf %get3A_3 : vector<40x2048xf32> to vector<40x2048xbf16>
    %dot_general3A = arith.constant dense<0.000000e+00> : vector<40x64xf32>
    %dot_general3A_9 = tpu.matmul %convert_element_type3A, %get3A_8, %dot_general3A {dimension_numbers = #tpu.dot_dimension_numbers<[1], [0], [0], [1], [0, 0, 1, 1], [], []>, transpose_lhs_hint = false} : vector<40x2048xbf16>, vector<2048x64xbf16>, vector<40x64xf32> -> vector<40x64xf32>
    %get3A_10 = arith.constant 0 : index
    %get3A_11 = arith.constant 0 : index
    %get3A_12 = arith.constant 0 : index
    %get3A_13 = vector.load %arg2[%get3A_10, %get3A_11, %get3A_12] : memref<1x2048x64xbf16, #tpu.memory_space<vmem>>, vector<1x2048x64xbf16>
    %get3A_14 = vector.shape_cast %get3A_13 : vector<1x2048x64xbf16> to vector<2048x64xbf16>
    %convert_element_type3A_15 = arith.truncf %dot_general3A_9 : vector<40x64xf32> to vector<40x64xbf16>
    %dot_general3A_16 = arith.constant dense<0.000000e+00> : vector<40x2048xf32>
    %dot_general3A_17 = tpu.matmul %convert_element_type3A_15, %get3A_14, %dot_general3A_16 {dimension_numbers = #tpu.dot_dimension_numbers<[1], [1], [0], [0], [0, 0, 1, 0], [], []>, transpose_lhs_hint = false} : vector<40x64xbf16>, vector<2048x64xbf16>, vector<40x2048xf32> -> vector<40x2048xf32>
    %mul3A = arith.constant 1.250000e-01 : f32
    %mul3A_18 = vector.broadcast %mul3A : f32 to vector<40x2048xf32>
    %mul3A_19 = arith.mulf %dot_general3A_17, %mul3A_18 : vector<40x2048xf32>
    %reduce_max3A = arith.constant dense<0xFF800000> : vector<40xf32>
    %reduce_max3A_20 = vector.multi_reduction <maximumf>, %mul3A_19, %reduce_max3A [1] : vector<40x2048xf32> to vector<40xf32>
    %broadcast_in_dim3A = vector.shape_cast %reduce_max3A_20 : vector<40xf32> to vector<40x1xf32>
    %sub3A = vector.broadcast %broadcast_in_dim3A : vector<40x1xf32> to vector<40x2048xf32>
    %sub3A_21 = arith.subf %mul3A_19, %sub3A : vector<40x2048xf32>
    %exp3A = math.exp %sub3A_21 : vector<40x2048xf32>
    %reduce_sum3A = arith.constant dense<0.000000e+00> : vector<40xf32>
    %reduce_sum3A_22 = vector.multi_reduction <add>, %exp3A, %reduce_sum3A [1] : vector<40x2048xf32> to vector<40xf32>
    %broadcast_in_dim3A_23 = vector.shape_cast %reduce_sum3A_22 : vector<40xf32> to vector<40x1xf32>
    %div3A = vector.broadcast %broadcast_in_dim3A_23 : vector<40x1xf32> to vector<40x2048xf32>
    %div3A_24 = arith.divf %exp3A, %div3A : vector<40x2048xf32>
    %get3A_25 = arith.constant 0 : index
    %get3A_26 = arith.constant 0 : index
    %get3A_27 = arith.constant 0 : index
    %get3A_28 = vector.load %arg3[%get3A_25, %get3A_26, %get3A_27] : memref<1x2048x64xbf16, #tpu.memory_space<vmem>>, vector<1x2048x64xbf16>
    %get3A_29 = vector.shape_cast %get3A_28 : vector<1x2048x64xbf16> to vector<2048x64xbf16>
    %convert_element_type3A_30 = arith.truncf %div3A_24 : vector<40x2048xf32> to vector<40x2048xbf16>
    %dot_general3A_31 = arith.constant dense<0.000000e+00> : vector<40x64xf32>
    %dot_general3A_32 = tpu.matmul %convert_element_type3A_30, %get3A_29, %dot_general3A_31 {dimension_numbers = #tpu.dot_dimension_numbers<[1], [0], [0], [1], [0, 0, 1, 1], [], []>, transpose_lhs_hint = false} : vector<40x2048xbf16>, vector<2048x64xbf16>, vector<40x64xf32> -> vector<40x64xf32>
    %get3A_33 = arith.constant 0 : index
    %get3A_34 = arith.constant 0 : index
    %get3A_35 = arith.constant 0 : index
    %get3A_36 = vector.load %arg3[%get3A_33, %get3A_34, %get3A_35] : memref<1x2048x64xbf16, #tpu.memory_space<vmem>>, vector<1x2048x64xbf16>
    %get3A_37 = vector.shape_cast %get3A_36 : vector<1x2048x64xbf16> to vector<2048x64xbf16>
    %convert_element_type3A_38 = arith.extf %get3A_37 : vector<2048x64xbf16> to vector<2048x64xf32>
    %reduce_sum3A_39 = arith.constant dense<0.000000e+00> : vector<64xf32>
    %reduce_sum3A_40 = vector.multi_reduction <add>, %convert_element_type3A_38, %reduce_sum3A_39 [0] : vector<2048x64xf32> to vector<64xf32>
    %broadcast_in_dim3A_41 = vector.shape_cast %reduce_sum3A_40 : vector<64xf32> to vector<1x64xf32>
    %div3A_42 = arith.constant 2.048000e+03 : f32
    %div3A_43 = vector.broadcast %div3A_42 : f32 to vector<1x64xf32>
    %div3A_44 = arith.divf %broadcast_in_dim3A_41, %div3A_43 : vector<1x64xf32>
    %broadcast_in_dim3A_45 = arith.constant 1.000000e+00 : f32
    %broadcast_in_dim3A_46 = vector.broadcast %broadcast_in_dim3A_45 : f32 to vector<40x1xf32>
    %convert_element_type3A_47 = arith.truncf %get3A_3 : vector<40x2048xf32> to vector<40x2048xbf16>
    %convert_element_type3A_48 = arith.truncf %broadcast_in_dim3A_46 : vector<40x1xf32> to vector<40x1xbf16>
    %dot_general3A_49 = arith.constant dense<0.000000e+00> : vector<2048x1xf32>
    %dot_general3A_50 = tpu.matmul %convert_element_type3A_47, %convert_element_type3A_48, %dot_general3A_49 {dimension_numbers = #tpu.dot_dimension_numbers<[0], [0], [1], [1], [0, 1, 1, 1], [], []>, transpose_lhs_hint = false} : vector<40x2048xbf16>, vector<40x1xbf16>, vector<2048x1xf32> -> vector<2048x1xf32>
    %sub3A_51 = arith.constant 1.000000e+00 : f32
    %sub3A_52 = vector.broadcast %sub3A_51 : f32 to vector<2048x1xf32>
    %sub3A_53 = arith.subf %sub3A_52, %dot_general3A_50 : vector<2048x1xf32>
    %mul3A_54 = vector.broadcast %sub3A_53 : vector<2048x1xf32> to vector<2048x64xf32>
    %mul3A_55 = vector.broadcast %div3A_44 : vector<1x64xf32> to vector<2048x64xf32>
    %mul3A_56 = arith.mulf %mul3A_54, %mul3A_55 : vector<2048x64xf32>
    %convert_element_type3A_57 = arith.truncf %get3A_3 : vector<40x2048xf32> to vector<40x2048xbf16>
    %convert_element_type3A_58 = arith.truncf %dot_general3A_32 : vector<40x64xf32> to vector<40x64xbf16>
    %dot_general3A_59 = arith.constant dense<0.000000e+00> : vector<2048x64xf32>
    %dot_general3A_60 = tpu.matmul %convert_element_type3A_57, %convert_element_type3A_58, %dot_general3A_59 {dimension_numbers = #tpu.dot_dimension_numbers<[0], [0], [1], [1], [0, 1, 1, 1], [], []>, transpose_lhs_hint = false} : vector<40x2048xbf16>, vector<40x64xbf16>, vector<2048x64xf32> -> vector<2048x64xf32>
    %add3A = arith.addf %mul3A_56, %dot_general3A_60 : vector<2048x64xf32>
    %broadcast_in_dim3A_61 = vector.shape_cast %add3A : vector<2048x64xf32> to vector<1x2048x64xf32>
    %swap3A = arith.constant 0 : index
    %swap3A_62 = arith.constant 0 : index
    %swap3A_63 = arith.constant 0 : index
    %swap3A_64 = vector.load %arg5[%swap3A, %swap3A_62, %swap3A_63] : memref<1x2048x64xf32, #tpu.memory_space<vmem>>, vector<1x2048x64xf32>
    tpu.vector_store %arg5[%swap3A, %swap3A_62, %swap3A_63], %broadcast_in_dim3A_61 {strides = array<i32>} : memref<1x2048x64xf32, #tpu.memory_space<vmem>>, vector<1x2048x64xf32>,
    return
  }
  func.func @transform_0(%arg0: i32) -> (i32, i32, i32) {
    %c0_i32 = arith.constant 0 : i32
    %c0_i32_0 = arith.constant 0 : i32
    %c0_i32_1 = arith.constant 0 : i32
    return %arg0, %c0_i32, %c0_i32_0 : i32, i32, i32
  }
  func.func @transform_1(%arg0: i32) -> (i32, i32, i32) {
    %c0_i32 = arith.constant 0 : i32
    %c0_i32_0 = arith.constant 0 : i32
    %c0_i32_1 = arith.constant 0 : i32
    return %arg0, %c0_i32, %c0_i32_0 : i32, i32, i32
  }
  func.func @transform_2(%arg0: i32) -> (i32, i32, i32) {
    %c0_i32 = arith.constant 0 : i32
    %c0_i32_0 = arith.constant 0 : i32
    %c0_i32_1 = arith.constant 0 : i32
    return %arg0, %c0_i32, %c0_i32_0 : i32, i32, i32
  }
  func.func @transform_3(%arg0: i32) -> (i32, i32, i32) {
    %c0_i32 = arith.constant 0 : i32
    %c0_i32_0 = arith.constant 0 : i32
    %c0_i32_1 = arith.constant 0 : i32
    return %arg0, %c0_i32, %c0_i32_0 : i32, i32, i32
  }
  func.func @transform_4(%arg0: i32) -> (i32, i32, i32) {
    %c0_i32 = arith.constant 0 : i32
    %c0_i32_0 = arith.constant 0 : i32
    %c0_i32_1 = arith.constant 0 : i32
    return %arg0, %c0_i32, %c0_i32_0 : i32, i32, i32
  }
}

module attributes {stable_mosaic.version = 14 : i64} {
  func.func @_proj_ln_body(%arg0: i32, %arg1: memref<12x256x64xf32, #tpu.memory_space<vmem>>, %arg2: memref<256x768xf32, #tpu.memory_space<vmem>>, %arg3: memref<1x768x768xf32, #tpu.memory_space<vmem>>, %arg4: memref<1x1x768xf32, #tpu.memory_space<vmem>>, %arg5: memref<1x1x768xf32, #tpu.memory_space<vmem>>, %arg6: memref<1x1x768xf32, #tpu.memory_space<vmem>>, %arg7: memref<256x768xf32, #tpu.memory_space<vmem>>) attributes {dimension_semantics = [#tpu.dimension_semantics<arbitrary>], iteration_bounds = array<i64: 8>, scalar_prefetch = 0 : i64, scratch_operands = 0 : i64, tpu.core_type = #tpu.core_type<tc>, window_params = [{transform_indices = @transform_0, window_bounds = array<i64: 12, 256, 64>}, {transform_indices = @transform_1, window_bounds = array<i64: 256, 768>}, {transform_indices = @transform_2, window_bounds = array<i64: 1, 768, 768>}, {transform_indices = @transform_3, window_bounds = array<i64: 1, 1, 768>}, {transform_indices = @transform_4, window_bounds = array<i64: 1, 1, 768>}, {transform_indices = @transform_5, window_bounds = array<i64: 1, 1, 768>}, {transform_indices = @transform_6, window_bounds = array<i64: 256, 768>}]} {
    %get3A = arith.constant 0 : index
    %get3A_0 = arith.constant 0 : index
    %get3A_1 = arith.constant 0 : index
    %get3A_2 = vector.load %arg1[%get3A, %get3A_0, %get3A_1] : memref<12x256x64xf32, #tpu.memory_space<vmem>>, vector<1x256x64xf32>
    %get3A_3 = vector.shape_cast %get3A_2 : vector<1x256x64xf32> to vector<256x64xf32>
    %get3A_4 = arith.constant 1 : index
    %get3A_5 = arith.constant 0 : index
    %get3A_6 = arith.constant 0 : index
    %get3A_7 = vector.load %arg1[%get3A_4, %get3A_5, %get3A_6] : memref<12x256x64xf32, #tpu.memory_space<vmem>>, vector<1x256x64xf32>
    %get3A_8 = vector.shape_cast %get3A_7 : vector<1x256x64xf32> to vector<256x64xf32>
    %get3A_9 = arith.constant 2 : index
    %get3A_10 = arith.constant 0 : index
    %get3A_11 = arith.constant 0 : index
    %get3A_12 = vector.load %arg1[%get3A_9, %get3A_10, %get3A_11] : memref<12x256x64xf32, #tpu.memory_space<vmem>>, vector<1x256x64xf32>
    %get3A_13 = vector.shape_cast %get3A_12 : vector<1x256x64xf32> to vector<256x64xf32>
    %get3A_14 = arith.constant 3 : index
    %get3A_15 = arith.constant 0 : index
    %get3A_16 = arith.constant 0 : index
    %get3A_17 = vector.load %arg1[%get3A_14, %get3A_15, %get3A_16] : memref<12x256x64xf32, #tpu.memory_space<vmem>>, vector<1x256x64xf32>
    %get3A_18 = vector.shape_cast %get3A_17 : vector<1x256x64xf32> to vector<256x64xf32>
    %get3A_19 = arith.constant 4 : index
    %get3A_20 = arith.constant 0 : index
    %get3A_21 = arith.constant 0 : index
    %get3A_22 = vector.load %arg1[%get3A_19, %get3A_20, %get3A_21] : memref<12x256x64xf32, #tpu.memory_space<vmem>>, vector<1x256x64xf32>
    %get3A_23 = vector.shape_cast %get3A_22 : vector<1x256x64xf32> to vector<256x64xf32>
    %get3A_24 = arith.constant 5 : index
    %get3A_25 = arith.constant 0 : index
    %get3A_26 = arith.constant 0 : index
    %get3A_27 = vector.load %arg1[%get3A_24, %get3A_25, %get3A_26] : memref<12x256x64xf32, #tpu.memory_space<vmem>>, vector<1x256x64xf32>
    %get3A_28 = vector.shape_cast %get3A_27 : vector<1x256x64xf32> to vector<256x64xf32>
    %get3A_29 = arith.constant 6 : index
    %get3A_30 = arith.constant 0 : index
    %get3A_31 = arith.constant 0 : index
    %get3A_32 = vector.load %arg1[%get3A_29, %get3A_30, %get3A_31] : memref<12x256x64xf32, #tpu.memory_space<vmem>>, vector<1x256x64xf32>
    %get3A_33 = vector.shape_cast %get3A_32 : vector<1x256x64xf32> to vector<256x64xf32>
    %get3A_34 = arith.constant 7 : index
    %get3A_35 = arith.constant 0 : index
    %get3A_36 = arith.constant 0 : index
    %get3A_37 = vector.load %arg1[%get3A_34, %get3A_35, %get3A_36] : memref<12x256x64xf32, #tpu.memory_space<vmem>>, vector<1x256x64xf32>
    %get3A_38 = vector.shape_cast %get3A_37 : vector<1x256x64xf32> to vector<256x64xf32>
    %get3A_39 = arith.constant 8 : index
    %get3A_40 = arith.constant 0 : index
    %get3A_41 = arith.constant 0 : index
    %get3A_42 = vector.load %arg1[%get3A_39, %get3A_40, %get3A_41] : memref<12x256x64xf32, #tpu.memory_space<vmem>>, vector<1x256x64xf32>
    %get3A_43 = vector.shape_cast %get3A_42 : vector<1x256x64xf32> to vector<256x64xf32>
    %get3A_44 = arith.constant 9 : index
    %get3A_45 = arith.constant 0 : index
    %get3A_46 = arith.constant 0 : index
    %get3A_47 = vector.load %arg1[%get3A_44, %get3A_45, %get3A_46] : memref<12x256x64xf32, #tpu.memory_space<vmem>>, vector<1x256x64xf32>
    %get3A_48 = vector.shape_cast %get3A_47 : vector<1x256x64xf32> to vector<256x64xf32>
    %get3A_49 = arith.constant 10 : index
    %get3A_50 = arith.constant 0 : index
    %get3A_51 = arith.constant 0 : index
    %get3A_52 = vector.load %arg1[%get3A_49, %get3A_50, %get3A_51] : memref<12x256x64xf32, #tpu.memory_space<vmem>>, vector<1x256x64xf32>
    %get3A_53 = vector.shape_cast %get3A_52 : vector<1x256x64xf32> to vector<256x64xf32>
    %get3A_54 = arith.constant 11 : index
    %get3A_55 = arith.constant 0 : index
    %get3A_56 = arith.constant 0 : index
    %get3A_57 = vector.load %arg1[%get3A_54, %get3A_55, %get3A_56] : memref<12x256x64xf32, #tpu.memory_space<vmem>>, vector<1x256x64xf32>
    %get3A_58 = vector.shape_cast %get3A_57 : vector<1x256x64xf32> to vector<256x64xf32>
    %concatenate3A = tpu.concatenate %get3A_3, %get3A_8, %get3A_13, %get3A_18, %get3A_23, %get3A_28, %get3A_33, %get3A_38, %get3A_43, %get3A_48, %get3A_53, %get3A_58 in 1 : vector<256x64xf32>, vector<256x64xf32>, vector<256x64xf32>, vector<256x64xf32>, vector<256x64xf32>, vector<256x64xf32>, vector<256x64xf32>, vector<256x64xf32>, vector<256x64xf32>, vector<256x64xf32>, vector<256x64xf32>, vector<256x64xf32> -> vector<256x768xf32>
    %get3A_59 = arith.constant 0 : index
    %get3A_60 = arith.constant 0 : index
    %get3A_61 = vector.load %arg2[%get3A_59, %get3A_60] : memref<256x768xf32, #tpu.memory_space<vmem>>, vector<256x768xf32>
    %get3A_62 = arith.constant 0 : index
    %get3A_63 = arith.constant 0 : index
    %get3A_64 = arith.constant 0 : index
    %get3A_65 = vector.load %arg3[%get3A_62, %get3A_63, %get3A_64] : memref<1x768x768xf32, #tpu.memory_space<vmem>>, vector<1x768x768xf32>
    %get3A_66 = vector.shape_cast %get3A_65 : vector<1x768x768xf32> to vector<768x768xf32>
    %convert_element_type3A = arith.truncf %concatenate3A : vector<256x768xf32> to vector<256x768xbf16>
    %convert_element_type3A_67 = arith.truncf %get3A_66 : vector<768x768xf32> to vector<768x768xbf16>
    %dot_general3A = arith.constant dense<0.000000e+00> : vector<256x768xf32>
    %dot_general3A_68 = tpu.matmul %convert_element_type3A, %convert_element_type3A_67, %dot_general3A {dimension_numbers = #tpu.dot_dimension_numbers<[1], [1], [0], [0], [0, 0, 1, 0], [], []>, transpose_lhs_hint = false} : vector<256x768xbf16>, vector<768x768xbf16>, vector<256x768xf32> -> vector<256x768xf32>
    %add3A = arith.addf %get3A_61, %dot_general3A_68 : vector<256x768xf32>
    %get3A_69 = arith.constant 0 : index
    %get3A_70 = arith.constant 0 : index
    %get3A_71 = arith.constant 0 : index
    %get3A_72 = vector.load %arg4[%get3A_69, %get3A_70, %get3A_71] : memref<1x1x768xf32, #tpu.memory_space<vmem>>, vector<1x1x768xf32>
    %get3A_73 = vector.shape_cast %get3A_72 : vector<1x1x768xf32> to vector<1x768xf32>
    %add3A_74 = vector.broadcast %get3A_73 : vector<1x768xf32> to vector<256x768xf32>
    %add3A_75 = arith.addf %add3A, %add3A_74 : vector<256x768xf32>
    %get3A_76 = arith.constant 0 : index
    %get3A_77 = arith.constant 0 : index
    %get3A_78 = arith.constant 0 : index
    %get3A_79 = vector.load %arg5[%get3A_76, %get3A_77, %get3A_78] : memref<1x1x768xf32, #tpu.memory_space<vmem>>, vector<1x1x768xf32>
    %get3A_80 = vector.shape_cast %get3A_79 : vector<1x1x768xf32> to vector<1x768xf32>
    %get3A_81 = arith.constant 0 : index
    %get3A_82 = arith.constant 0 : index
    %get3A_83 = arith.constant 0 : index
    %get3A_84 = vector.load %arg6[%get3A_81, %get3A_82, %get3A_83] : memref<1x1x768xf32, #tpu.memory_space<vmem>>, vector<1x1x768xf32>
    %get3A_85 = vector.shape_cast %get3A_84 : vector<1x1x768xf32> to vector<1x768xf32>
    %reduce_sum3A = arith.constant dense<0.000000e+00> : vector<256xf32>
    %reduce_sum3A_86 = vector.multi_reduction <add>, %add3A_75, %reduce_sum3A [1] : vector<256x768xf32> to vector<256xf32>
    %broadcast_in_dim3A = vector.shape_cast %reduce_sum3A_86 : vector<256xf32> to vector<256x1xf32>
    %div3A = arith.constant 7.680000e+02 : f32
    %div3A_87 = vector.broadcast %div3A : f32 to vector<256x1xf32>
    %div3A_88 = arith.divf %broadcast_in_dim3A, %div3A_87 : vector<256x1xf32>
    %sub3A = vector.broadcast %div3A_88 : vector<256x1xf32> to vector<256x768xf32>
    %sub3A_89 = arith.subf %add3A_75, %sub3A : vector<256x768xf32>
    %mul3A = arith.mulf %sub3A_89, %sub3A_89 : vector<256x768xf32>
    %reduce_sum3A_90 = arith.constant dense<0.000000e+00> : vector<256xf32>
    %reduce_sum3A_91 = vector.multi_reduction <add>, %mul3A, %reduce_sum3A_90 [1] : vector<256x768xf32> to vector<256xf32>
    %broadcast_in_dim3A_92 = vector.shape_cast %reduce_sum3A_91 : vector<256xf32> to vector<256x1xf32>
    %div3A_93 = arith.constant 7.680000e+02 : f32
    %div3A_94 = vector.broadcast %div3A_93 : f32 to vector<256x1xf32>
    %div3A_95 = arith.divf %broadcast_in_dim3A_92, %div3A_94 : vector<256x1xf32>
    %add3A_96 = arith.constant 9.99999974E-6 : f32
    %add3A_97 = vector.broadcast %add3A_96 : f32 to vector<256x1xf32>
    %add3A_98 = arith.addf %div3A_95, %add3A_97 : vector<256x1xf32>
    %rsqrt3A = math.rsqrt %add3A_98 : vector<256x1xf32>
    %mul3A_99 = vector.broadcast %rsqrt3A : vector<256x1xf32> to vector<256x768xf32>
    %mul3A_100 = arith.mulf %sub3A_89, %mul3A_99 : vector<256x768xf32>
    %mul3A_101 = vector.broadcast %get3A_80 : vector<1x768xf32> to vector<256x768xf32>
    %mul3A_102 = arith.mulf %mul3A_100, %mul3A_101 : vector<256x768xf32>
    %add3A_103 = vector.broadcast %get3A_85 : vector<1x768xf32> to vector<256x768xf32>
    %add3A_104 = arith.addf %mul3A_102, %add3A_103 : vector<256x768xf32>
    %swap3A = arith.constant 0 : index
    %swap3A_105 = arith.constant 0 : index
    %swap3A_106 = vector.load %arg7[%swap3A, %swap3A_105] : memref<256x768xf32, #tpu.memory_space<vmem>>, vector<256x768xf32>
    tpu.vector_store %arg7[%swap3A, %swap3A_105], %add3A_104 {strides = array<i32>} : memref<256x768xf32, #tpu.memory_space<vmem>>, vector<256x768xf32>,
    return
  }
  func.func @transform_0(%arg0: i32) -> (i32, i32, i32) {
    %c0_i32 = arith.constant 0 : i32
    %c0_i32_0 = arith.constant 0 : i32
    %c0_i32_1 = arith.constant 0 : i32
    return %c0_i32, %arg0, %c0_i32_0 : i32, i32, i32
  }
  func.func @transform_1(%arg0: i32) -> (i32, i32) {
    %c0_i32 = arith.constant 0 : i32
    %c0_i32_0 = arith.constant 0 : i32
    return %arg0, %c0_i32 : i32, i32
  }
  func.func @transform_2(%arg0: i32) -> (i32, i32, i32) {
    %c0_i32 = arith.constant 0 : i32
    %c0_i32_0 = arith.constant 0 : i32
    %c0_i32_1 = arith.constant 0 : i32
    %c0_i32_2 = arith.constant 0 : i32
    return %c0_i32, %c0_i32_0, %c0_i32_1 : i32, i32, i32
  }
  func.func @transform_3(%arg0: i32) -> (i32, i32, i32) {
    %c0_i32 = arith.constant 0 : i32
    %c0_i32_0 = arith.constant 0 : i32
    %c0_i32_1 = arith.constant 0 : i32
    %c0_i32_2 = arith.constant 0 : i32
    return %c0_i32, %c0_i32_0, %c0_i32_1 : i32, i32, i32
  }
  func.func @transform_4(%arg0: i32) -> (i32, i32, i32) {
    %c0_i32 = arith.constant 0 : i32
    %c0_i32_0 = arith.constant 0 : i32
    %c0_i32_1 = arith.constant 0 : i32
    %c0_i32_2 = arith.constant 0 : i32
    return %c0_i32, %c0_i32_0, %c0_i32_1 : i32, i32, i32
  }
  func.func @transform_5(%arg0: i32) -> (i32, i32, i32) {
    %c0_i32 = arith.constant 0 : i32
    %c0_i32_0 = arith.constant 0 : i32
    %c0_i32_1 = arith.constant 0 : i32
    %c0_i32_2 = arith.constant 0 : i32
    return %c0_i32, %c0_i32_0, %c0_i32_1 : i32, i32, i32
  }
  func.func @transform_6(%arg0: i32) -> (i32, i32) {
    %c0_i32 = arith.constant 0 : i32
    %c0_i32_0 = arith.constant 0 : i32
    return %arg0, %c0_i32 : i32, i32
  }
}

module attributes {stable_mosaic.version = 14 : i64} {
  func.func @_ffn_body(%arg0: i32, %arg1: memref<256x768xf32, #tpu.memory_space<vmem>>, %arg2: memref<1x3072x768xf32, #tpu.memory_space<vmem>>, %arg3: memref<1x1x3072xf32, #tpu.memory_space<vmem>>, %arg4: memref<1x768x3072xf32, #tpu.memory_space<vmem>>, %arg5: memref<1x1x768xf32, #tpu.memory_space<vmem>>, %arg6: memref<1x1x768xf32, #tpu.memory_space<vmem>>, %arg7: memref<1x1x768xf32, #tpu.memory_space<vmem>>, %arg8: memref<256x768xf32, #tpu.memory_space<vmem>>) attributes {dimension_semantics = [#tpu.dimension_semantics<arbitrary>], iteration_bounds = array<i64: 8>, scalar_prefetch = 0 : i64, scratch_operands = 0 : i64, tpu.core_type = #tpu.core_type<tc>, window_params = [{transform_indices = @transform_0, window_bounds = array<i64: 256, 768>}, {transform_indices = @transform_1, window_bounds = array<i64: 1, 3072, 768>}, {transform_indices = @transform_2, window_bounds = array<i64: 1, 1, 3072>}, {transform_indices = @transform_3, window_bounds = array<i64: 1, 768, 3072>}, {transform_indices = @transform_4, window_bounds = array<i64: 1, 1, 768>}, {transform_indices = @transform_5, window_bounds = array<i64: 1, 1, 768>}, {transform_indices = @transform_6, window_bounds = array<i64: 1, 1, 768>}, {transform_indices = @transform_7, window_bounds = array<i64: 256, 768>}]} {
    %get3A = arith.constant 0 : index
    %get3A_0 = arith.constant 0 : index
    %get3A_1 = vector.load %arg1[%get3A, %get3A_0] : memref<256x768xf32, #tpu.memory_space<vmem>>, vector<256x768xf32>
    %get3A_2 = arith.constant 0 : index
    %get3A_3 = arith.constant 0 : index
    %get3A_4 = arith.constant 0 : index
    %get3A_5 = vector.load %arg2[%get3A_2, %get3A_3, %get3A_4] : memref<1x3072x768xf32, #tpu.memory_space<vmem>>, vector<1x3072x768xf32>
    %get3A_6 = vector.shape_cast %get3A_5 : vector<1x3072x768xf32> to vector<3072x768xf32>
    %convert_element_type3A = arith.truncf %get3A_1 : vector<256x768xf32> to vector<256x768xbf16>
    %convert_element_type3A_7 = arith.truncf %get3A_6 : vector<3072x768xf32> to vector<3072x768xbf16>
    %dot_general3A = arith.constant dense<0.000000e+00> : vector<256x3072xf32>
    %dot_general3A_8 = tpu.matmul %convert_element_type3A, %convert_element_type3A_7, %dot_general3A {dimension_numbers = #tpu.dot_dimension_numbers<[1], [1], [0], [0], [0, 0, 1, 0], [], []>, transpose_lhs_hint = false} : vector<256x768xbf16>, vector<3072x768xbf16>, vector<256x3072xf32> -> vector<256x3072xf32>
    %get3A_9 = arith.constant 0 : index
    %get3A_10 = arith.constant 0 : index
    %get3A_11 = arith.constant 0 : index
    %get3A_12 = vector.load %arg3[%get3A_9, %get3A_10, %get3A_11] : memref<1x1x3072xf32, #tpu.memory_space<vmem>>, vector<1x1x3072xf32>
    %get3A_13 = vector.shape_cast %get3A_12 : vector<1x1x3072xf32> to vector<1x3072xf32>
    %add3A = vector.broadcast %get3A_13 : vector<1x3072xf32> to vector<256x3072xf32>
    %add3A_14 = arith.addf %dot_general3A_8, %add3A : vector<256x3072xf32>
    %mul3A = arith.constant 5.000000e-01 : f32
    %mul3A_15 = vector.broadcast %mul3A : f32 to vector<256x3072xf32>
    %mul3A_16 = arith.mulf %mul3A_15, %add3A_14 : vector<256x3072xf32>
    %mul3A_17 = arith.constant 0.707106769 : f32
    %mul3A_18 = vector.broadcast %mul3A_17 : f32 to vector<256x3072xf32>
    %mul3A_19 = arith.mulf %add3A_14, %mul3A_18 : vector<256x3072xf32>
    %erf3A = math.erf %mul3A_19 : vector<256x3072xf32>
    %add3A_20 = arith.constant 1.000000e+00 : f32
    %add3A_21 = vector.broadcast %add3A_20 : f32 to vector<256x3072xf32>
    %add3A_22 = arith.addf %add3A_21, %erf3A : vector<256x3072xf32>
    %mul3A_23 = arith.mulf %mul3A_16, %add3A_22 : vector<256x3072xf32>
    %get3A_24 = arith.constant 0 : index
    %get3A_25 = arith.constant 0 : index
    %get3A_26 = arith.constant 0 : index
    %get3A_27 = vector.load %arg4[%get3A_24, %get3A_25, %get3A_26] : memref<1x768x3072xf32, #tpu.memory_space<vmem>>, vector<1x768x3072xf32>
    %get3A_28 = vector.shape_cast %get3A_27 : vector<1x768x3072xf32> to vector<768x3072xf32>
    %convert_element_type3A_29 = arith.truncf %mul3A_23 : vector<256x3072xf32> to vector<256x3072xbf16>
    %convert_element_type3A_30 = arith.truncf %get3A_28 : vector<768x3072xf32> to vector<768x3072xbf16>
    %dot_general3A_31 = arith.constant dense<0.000000e+00> : vector<256x768xf32>
    %dot_general3A_32 = tpu.matmul %convert_element_type3A_29, %convert_element_type3A_30, %dot_general3A_31 {dimension_numbers = #tpu.dot_dimension_numbers<[1], [1], [0], [0], [0, 0, 1, 0], [], []>, transpose_lhs_hint = false} : vector<256x3072xbf16>, vector<768x3072xbf16>, vector<256x768xf32> -> vector<256x768xf32>
    %get3A_33 = arith.constant 0 : index
    %get3A_34 = arith.constant 0 : index
    %get3A_35 = arith.constant 0 : index
    %get3A_36 = vector.load %arg5[%get3A_33, %get3A_34, %get3A_35] : memref<1x1x768xf32, #tpu.memory_space<vmem>>, vector<1x1x768xf32>
    %get3A_37 = vector.shape_cast %get3A_36 : vector<1x1x768xf32> to vector<1x768xf32>
    %add3A_38 = vector.broadcast %get3A_37 : vector<1x768xf32> to vector<256x768xf32>
    %add3A_39 = arith.addf %dot_general3A_32, %add3A_38 : vector<256x768xf32>
    %get3A_40 = arith.constant 0 : index
    %get3A_41 = arith.constant 0 : index
    %get3A_42 = vector.load %arg1[%get3A_40, %get3A_41] : memref<256x768xf32, #tpu.memory_space<vmem>>, vector<256x768xf32>
    %add3A_43 = arith.addf %get3A_42, %add3A_39 : vector<256x768xf32>
    %get3A_44 = arith.constant 0 : index
    %get3A_45 = arith.constant 0 : index
    %get3A_46 = arith.constant 0 : index
    %get3A_47 = vector.load %arg6[%get3A_44, %get3A_45, %get3A_46] : memref<1x1x768xf32, #tpu.memory_space<vmem>>, vector<1x1x768xf32>
    %get3A_48 = vector.shape_cast %get3A_47 : vector<1x1x768xf32> to vector<1x768xf32>
    %get3A_49 = arith.constant 0 : index
    %get3A_50 = arith.constant 0 : index
    %get3A_51 = arith.constant 0 : index
    %get3A_52 = vector.load %arg7[%get3A_49, %get3A_50, %get3A_51] : memref<1x1x768xf32, #tpu.memory_space<vmem>>, vector<1x1x768xf32>
    %get3A_53 = vector.shape_cast %get3A_52 : vector<1x1x768xf32> to vector<1x768xf32>
    %reduce_sum3A = arith.constant dense<0.000000e+00> : vector<256xf32>
    %reduce_sum3A_54 = vector.multi_reduction <add>, %add3A_43, %reduce_sum3A [1] : vector<256x768xf32> to vector<256xf32>
    %broadcast_in_dim3A = vector.shape_cast %reduce_sum3A_54 : vector<256xf32> to vector<256x1xf32>
    %div3A = arith.constant 7.680000e+02 : f32
    %div3A_55 = vector.broadcast %div3A : f32 to vector<256x1xf32>
    %div3A_56 = arith.divf %broadcast_in_dim3A, %div3A_55 : vector<256x1xf32>
    %sub3A = vector.broadcast %div3A_56 : vector<256x1xf32> to vector<256x768xf32>
    %sub3A_57 = arith.subf %add3A_43, %sub3A : vector<256x768xf32>
    %mul3A_58 = arith.mulf %sub3A_57, %sub3A_57 : vector<256x768xf32>
    %reduce_sum3A_59 = arith.constant dense<0.000000e+00> : vector<256xf32>
    %reduce_sum3A_60 = vector.multi_reduction <add>, %mul3A_58, %reduce_sum3A_59 [1] : vector<256x768xf32> to vector<256xf32>
    %broadcast_in_dim3A_61 = vector.shape_cast %reduce_sum3A_60 : vector<256xf32> to vector<256x1xf32>
    %div3A_62 = arith.constant 7.680000e+02 : f32
    %div3A_63 = vector.broadcast %div3A_62 : f32 to vector<256x1xf32>
    %div3A_64 = arith.divf %broadcast_in_dim3A_61, %div3A_63 : vector<256x1xf32>
    %add3A_65 = arith.constant 9.99999974E-6 : f32
    %add3A_66 = vector.broadcast %add3A_65 : f32 to vector<256x1xf32>
    %add3A_67 = arith.addf %div3A_64, %add3A_66 : vector<256x1xf32>
    %rsqrt3A = math.rsqrt %add3A_67 : vector<256x1xf32>
    %mul3A_68 = vector.broadcast %rsqrt3A : vector<256x1xf32> to vector<256x768xf32>
    %mul3A_69 = arith.mulf %sub3A_57, %mul3A_68 : vector<256x768xf32>
    %mul3A_70 = vector.broadcast %get3A_48 : vector<1x768xf32> to vector<256x768xf32>
    %mul3A_71 = arith.mulf %mul3A_69, %mul3A_70 : vector<256x768xf32>
    %add3A_72 = vector.broadcast %get3A_53 : vector<1x768xf32> to vector<256x768xf32>
    %add3A_73 = arith.addf %mul3A_71, %add3A_72 : vector<256x768xf32>
    %swap3A = arith.constant 0 : index
    %swap3A_74 = arith.constant 0 : index
    %swap3A_75 = vector.load %arg8[%swap3A, %swap3A_74] : memref<256x768xf32, #tpu.memory_space<vmem>>, vector<256x768xf32>
    tpu.vector_store %arg8[%swap3A, %swap3A_74], %add3A_73 {strides = array<i32>} : memref<256x768xf32, #tpu.memory_space<vmem>>, vector<256x768xf32>,
    return
  }
  func.func @transform_0(%arg0: i32) -> (i32, i32) {
    %c0_i32 = arith.constant 0 : i32
    %c0_i32_0 = arith.constant 0 : i32
    return %arg0, %c0_i32 : i32, i32
  }
  func.func @transform_1(%arg0: i32) -> (i32, i32, i32) {
    %c0_i32 = arith.constant 0 : i32
    %c0_i32_0 = arith.constant 0 : i32
    %c0_i32_1 = arith.constant 0 : i32
    %c0_i32_2 = arith.constant 0 : i32
    return %c0_i32, %c0_i32_0, %c0_i32_1 : i32, i32, i32
  }
  func.func @transform_2(%arg0: i32) -> (i32, i32, i32) {
    %c0_i32 = arith.constant 0 : i32
    %c0_i32_0 = arith.constant 0 : i32
    %c0_i32_1 = arith.constant 0 : i32
    %c0_i32_2 = arith.constant 0 : i32
    return %c0_i32, %c0_i32_0, %c0_i32_1 : i32, i32, i32
  }
  func.func @transform_3(%arg0: i32) -> (i32, i32, i32) {
    %c0_i32 = arith.constant 0 : i32
    %c0_i32_0 = arith.constant 0 : i32
    %c0_i32_1 = arith.constant 0 : i32
    %c0_i32_2 = arith.constant 0 : i32
    return %c0_i32, %c0_i32_0, %c0_i32_1 : i32, i32, i32
  }
  func.func @transform_4(%arg0: i32) -> (i32, i32, i32) {
    %c0_i32 = arith.constant 0 : i32
    %c0_i32_0 = arith.constant 0 : i32
    %c0_i32_1 = arith.constant 0 : i32
    %c0_i32_2 = arith.constant 0 : i32
    return %c0_i32, %c0_i32_0, %c0_i32_1 : i32, i32, i32
  }
  func.func @transform_5(%arg0: i32) -> (i32, i32, i32) {
    %c0_i32 = arith.constant 0 : i32
    %c0_i32_0 = arith.constant 0 : i32
    %c0_i32_1 = arith.constant 0 : i32
    %c0_i32_2 = arith.constant 0 : i32
    return %c0_i32, %c0_i32_0, %c0_i32_1 : i32, i32, i32
  }
  func.func @transform_6(%arg0: i32) -> (i32, i32, i32) {
    %c0_i32 = arith.constant 0 : i32
    %c0_i32_0 = arith.constant 0 : i32
    %c0_i32_1 = arith.constant 0 : i32
    %c0_i32_2 = arith.constant 0 : i32
    return %c0_i32, %c0_i32_0, %c0_i32_1 : i32, i32, i32
  }
  func.func @transform_7(%arg0: i32) -> (i32, i32) {
    %c0_i32 = arith.constant 0 : i32
    %c0_i32_0 = arith.constant 0 : i32
    return %arg0, %c0_i32 : i32, i32
  }
}

module attributes {stable_mosaic.version = 14 : i64} {
  func.func @_qkv_body(%arg0: i32, %arg1: memref<256x768xf32, #tpu.memory_space<vmem>>, %arg2: memref<1x768x768xf32, #tpu.memory_space<vmem>>, %arg3: memref<1x768x768xf32, #tpu.memory_space<vmem>>, %arg4: memref<1x768x768xf32, #tpu.memory_space<vmem>>, %arg5: memref<1x1x768xf32, #tpu.memory_space<vmem>>, %arg6: memref<1x1x768xf32, #tpu.memory_space<vmem>>, %arg7: memref<1x1x768xf32, #tpu.memory_space<vmem>>, %arg8: memref<12x256x64xbf16, #tpu.memory_space<vmem>>, %arg9: memref<12x256x64xbf16, #tpu.memory_space<vmem>>, %arg10: memref<12x256x64xbf16, #tpu.memory_space<vmem>>) attributes {dimension_semantics = [#tpu.dimension_semantics<arbitrary>], iteration_bounds = array<i64: 8>, scalar_prefetch = 0 : i64, scratch_operands = 0 : i64, tpu.core_type = #tpu.core_type<tc>, window_params = [{transform_indices = @transform_0, window_bounds = array<i64: 256, 768>}, {transform_indices = @transform_1, window_bounds = array<i64: 1, 768, 768>}, {transform_indices = @transform_2, window_bounds = array<i64: 1, 768, 768>}, {transform_indices = @transform_3, window_bounds = array<i64: 1, 768, 768>}, {transform_indices = @transform_4, window_bounds = array<i64: 1, 1, 768>}, {transform_indices = @transform_5, window_bounds = array<i64: 1, 1, 768>}, {transform_indices = @transform_6, window_bounds = array<i64: 1, 1, 768>}, {transform_indices = @transform_7, window_bounds = array<i64: 12, 256, 64>}, {transform_indices = @transform_8, window_bounds = array<i64: 12, 256, 64>}, {transform_indices = @transform_9, window_bounds = array<i64: 12, 256, 64>}]} {
    %get3A = arith.constant 0 : index
    %get3A_0 = arith.constant 0 : index
    %get3A_1 = vector.load %arg1[%get3A, %get3A_0] : memref<256x768xf32, #tpu.memory_space<vmem>>, vector<256x768xf32>
    %get3A_2 = arith.constant 0 : index
    %get3A_3 = arith.constant 0 : index
    %get3A_4 = arith.constant 0 : index
    %get3A_5 = vector.load %arg2[%get3A_2, %get3A_3, %get3A_4] : memref<1x768x768xf32, #tpu.memory_space<vmem>>, vector<1x768x768xf32>
    %get3A_6 = vector.shape_cast %get3A_5 : vector<1x768x768xf32> to vector<768x768xf32>
    %convert_element_type3A = arith.truncf %get3A_1 : vector<256x768xf32> to vector<256x768xbf16>
    %convert_element_type3A_7 = arith.truncf %get3A_6 : vector<768x768xf32> to vector<768x768xbf16>
    %dot_general3A = arith.constant dense<0.000000e+00> : vector<256x768xf32>
    %dot_general3A_8 = tpu.matmul %convert_element_type3A, %convert_element_type3A_7, %dot_general3A {dimension_numbers = #tpu.dot_dimension_numbers<[1], [1], [0], [0], [0, 0, 1, 0], [], []>, transpose_lhs_hint = false} : vector<256x768xbf16>, vector<768x768xbf16>, vector<256x768xf32> -> vector<256x768xf32>
    %get3A_9 = arith.constant 0 : index
    %get3A_10 = arith.constant 0 : index
    %get3A_11 = arith.constant 0 : index
    %get3A_12 = vector.load %arg5[%get3A_9, %get3A_10, %get3A_11] : memref<1x1x768xf32, #tpu.memory_space<vmem>>, vector<1x1x768xf32>
    %get3A_13 = vector.shape_cast %get3A_12 : vector<1x1x768xf32> to vector<1x768xf32>
    %add3A = vector.broadcast %get3A_13 : vector<1x768xf32> to vector<256x768xf32>
    %add3A_14 = arith.addf %dot_general3A_8, %add3A : vector<256x768xf32>
    %convert_element_type3A_15 = arith.truncf %add3A_14 : vector<256x768xf32> to vector<256x768xbf16>
    %slice3A = vector.extract_strided_slice %convert_element_type3A_15 {offsets = [0, 0], sizes = [256, 64], strides = [1, 1]} : vector<256x768xbf16> to vector<256x64xbf16>
    %swap3A = arith.constant 0 : index
    %swap3A_16 = arith.constant 0 : index
    %swap3A_17 = arith.constant 0 : index
    %swap3A_18 = vector.load %arg8[%swap3A, %swap3A_16, %swap3A_17] : memref<12x256x64xbf16, #tpu.memory_space<vmem>>, vector<1x256x64xbf16>
    %swap3A_19 = vector.shape_cast %swap3A_18 : vector<1x256x64xbf16> to vector<256x64xbf16>
    %swap3A_20 = vector.shape_cast %slice3A : vector<256x64xbf16> to vector<1x256x64xbf16>
    tpu.vector_store %arg8[%swap3A, %swap3A_16, %swap3A_17], %swap3A_20 {strides = array<i32>} : memref<12x256x64xbf16, #tpu.memory_space<vmem>>, vector<1x256x64xbf16>,
    %slice3A_21 = vector.extract_strided_slice %convert_element_type3A_15 {offsets = [0, 64], sizes = [256, 64], strides = [1, 1]} : vector<256x768xbf16> to vector<256x64xbf16>
    %swap3A_22 = arith.constant 1 : index
    %swap3A_23 = arith.constant 0 : index
    %swap3A_24 = arith.constant 0 : index
    %swap3A_25 = vector.load %arg8[%swap3A_22, %swap3A_23, %swap3A_24] : memref<12x256x64xbf16, #tpu.memory_space<vmem>>, vector<1x256x64xbf16>
    %swap3A_26 = vector.shape_cast %swap3A_25 : vector<1x256x64xbf16> to vector<256x64xbf16>
    %swap3A_27 = vector.shape_cast %slice3A_21 : vector<256x64xbf16> to vector<1x256x64xbf16>
    tpu.vector_store %arg8[%swap3A_22, %swap3A_23, %swap3A_24], %swap3A_27 {strides = array<i32>} : memref<12x256x64xbf16, #tpu.memory_space<vmem>>, vector<1x256x64xbf16>,
    %slice3A_28 = vector.extract_strided_slice %convert_element_type3A_15 {offsets = [0, 128], sizes = [256, 64], strides = [1, 1]} : vector<256x768xbf16> to vector<256x64xbf16>
    %swap3A_29 = arith.constant 2 : index
    %swap3A_30 = arith.constant 0 : index
    %swap3A_31 = arith.constant 0 : index
    %swap3A_32 = vector.load %arg8[%swap3A_29, %swap3A_30, %swap3A_31] : memref<12x256x64xbf16, #tpu.memory_space<vmem>>, vector<1x256x64xbf16>
    %swap3A_33 = vector.shape_cast %swap3A_32 : vector<1x256x64xbf16> to vector<256x64xbf16>
    %swap3A_34 = vector.shape_cast %slice3A_28 : vector<256x64xbf16> to vector<1x256x64xbf16>
    tpu.vector_store %arg8[%swap3A_29, %swap3A_30, %swap3A_31], %swap3A_34 {strides = array<i32>} : memref<12x256x64xbf16, #tpu.memory_space<vmem>>, vector<1x256x64xbf16>,
    %slice3A_35 = vector.extract_strided_slice %convert_element_type3A_15 {offsets = [0, 192], sizes = [256, 64], strides = [1, 1]} : vector<256x768xbf16> to vector<256x64xbf16>
    %swap3A_36 = arith.constant 3 : index
    %swap3A_37 = arith.constant 0 : index
    %swap3A_38 = arith.constant 0 : index
    %swap3A_39 = vector.load %arg8[%swap3A_36, %swap3A_37, %swap3A_38] : memref<12x256x64xbf16, #tpu.memory_space<vmem>>, vector<1x256x64xbf16>
    %swap3A_40 = vector.shape_cast %swap3A_39 : vector<1x256x64xbf16> to vector<256x64xbf16>
    %swap3A_41 = vector.shape_cast %slice3A_35 : vector<256x64xbf16> to vector<1x256x64xbf16>
    tpu.vector_store %arg8[%swap3A_36, %swap3A_37, %swap3A_38], %swap3A_41 {strides = array<i32>} : memref<12x256x64xbf16, #tpu.memory_space<vmem>>, vector<1x256x64xbf16>,
    %slice3A_42 = vector.extract_strided_slice %convert_element_type3A_15 {offsets = [0, 256], sizes = [256, 64], strides = [1, 1]} : vector<256x768xbf16> to vector<256x64xbf16>
    %swap3A_43 = arith.constant 4 : index
    %swap3A_44 = arith.constant 0 : index
    %swap3A_45 = arith.constant 0 : index
    %swap3A_46 = vector.load %arg8[%swap3A_43, %swap3A_44, %swap3A_45] : memref<12x256x64xbf16, #tpu.memory_space<vmem>>, vector<1x256x64xbf16>
    %swap3A_47 = vector.shape_cast %swap3A_46 : vector<1x256x64xbf16> to vector<256x64xbf16>
    %swap3A_48 = vector.shape_cast %slice3A_42 : vector<256x64xbf16> to vector<1x256x64xbf16>
    tpu.vector_store %arg8[%swap3A_43, %swap3A_44, %swap3A_45], %swap3A_48 {strides = array<i32>} : memref<12x256x64xbf16, #tpu.memory_space<vmem>>, vector<1x256x64xbf16>,
    %slice3A_49 = vector.extract_strided_slice %convert_element_type3A_15 {offsets = [0, 320], sizes = [256, 64], strides = [1, 1]} : vector<256x768xbf16> to vector<256x64xbf16>
    %swap3A_50 = arith.constant 5 : index
    %swap3A_51 = arith.constant 0 : index
    %swap3A_52 = arith.constant 0 : index
    %swap3A_53 = vector.load %arg8[%swap3A_50, %swap3A_51, %swap3A_52] : memref<12x256x64xbf16, #tpu.memory_space<vmem>>, vector<1x256x64xbf16>
    %swap3A_54 = vector.shape_cast %swap3A_53 : vector<1x256x64xbf16> to vector<256x64xbf16>
    %swap3A_55 = vector.shape_cast %slice3A_49 : vector<256x64xbf16> to vector<1x256x64xbf16>
    tpu.vector_store %arg8[%swap3A_50, %swap3A_51, %swap3A_52], %swap3A_55 {strides = array<i32>} : memref<12x256x64xbf16, #tpu.memory_space<vmem>>, vector<1x256x64xbf16>,
    %slice3A_56 = vector.extract_strided_slice %convert_element_type3A_15 {offsets = [0, 384], sizes = [256, 64], strides = [1, 1]} : vector<256x768xbf16> to vector<256x64xbf16>
    %swap3A_57 = arith.constant 6 : index
    %swap3A_58 = arith.constant 0 : index
    %swap3A_59 = arith.constant 0 : index
    %swap3A_60 = vector.load %arg8[%swap3A_57, %swap3A_58, %swap3A_59] : memref<12x256x64xbf16, #tpu.memory_space<vmem>>, vector<1x256x64xbf16>
    %swap3A_61 = vector.shape_cast %swap3A_60 : vector<1x256x64xbf16> to vector<256x64xbf16>
    %swap3A_62 = vector.shape_cast %slice3A_56 : vector<256x64xbf16> to vector<1x256x64xbf16>
    tpu.vector_store %arg8[%swap3A_57, %swap3A_58, %swap3A_59], %swap3A_62 {strides = array<i32>} : memref<12x256x64xbf16, #tpu.memory_space<vmem>>, vector<1x256x64xbf16>,
    %slice3A_63 = vector.extract_strided_slice %convert_element_type3A_15 {offsets = [0, 448], sizes = [256, 64], strides = [1, 1]} : vector<256x768xbf16> to vector<256x64xbf16>
    %swap3A_64 = arith.constant 7 : index
    %swap3A_65 = arith.constant 0 : index
    %swap3A_66 = arith.constant 0 : index
    %swap3A_67 = vector.load %arg8[%swap3A_64, %swap3A_65, %swap3A_66] : memref<12x256x64xbf16, #tpu.memory_space<vmem>>, vector<1x256x64xbf16>
    %swap3A_68 = vector.shape_cast %swap3A_67 : vector<1x256x64xbf16> to vector<256x64xbf16>
    %swap3A_69 = vector.shape_cast %slice3A_63 : vector<256x64xbf16> to vector<1x256x64xbf16>
    tpu.vector_store %arg8[%swap3A_64, %swap3A_65, %swap3A_66], %swap3A_69 {strides = array<i32>} : memref<12x256x64xbf16, #tpu.memory_space<vmem>>, vector<1x256x64xbf16>,
    %slice3A_70 = vector.extract_strided_slice %convert_element_type3A_15 {offsets = [0, 512], sizes = [256, 64], strides = [1, 1]} : vector<256x768xbf16> to vector<256x64xbf16>
    %swap3A_71 = arith.constant 8 : index
    %swap3A_72 = arith.constant 0 : index
    %swap3A_73 = arith.constant 0 : index
    %swap3A_74 = vector.load %arg8[%swap3A_71, %swap3A_72, %swap3A_73] : memref<12x256x64xbf16, #tpu.memory_space<vmem>>, vector<1x256x64xbf16>
    %swap3A_75 = vector.shape_cast %swap3A_74 : vector<1x256x64xbf16> to vector<256x64xbf16>
    %swap3A_76 = vector.shape_cast %slice3A_70 : vector<256x64xbf16> to vector<1x256x64xbf16>
    tpu.vector_store %arg8[%swap3A_71, %swap3A_72, %swap3A_73], %swap3A_76 {strides = array<i32>} : memref<12x256x64xbf16, #tpu.memory_space<vmem>>, vector<1x256x64xbf16>,
    %slice3A_77 = vector.extract_strided_slice %convert_element_type3A_15 {offsets = [0, 576], sizes = [256, 64], strides = [1, 1]} : vector<256x768xbf16> to vector<256x64xbf16>
    %swap3A_78 = arith.constant 9 : index
    %swap3A_79 = arith.constant 0 : index
    %swap3A_80 = arith.constant 0 : index
    %swap3A_81 = vector.load %arg8[%swap3A_78, %swap3A_79, %swap3A_80] : memref<12x256x64xbf16, #tpu.memory_space<vmem>>, vector<1x256x64xbf16>
    %swap3A_82 = vector.shape_cast %swap3A_81 : vector<1x256x64xbf16> to vector<256x64xbf16>
    %swap3A_83 = vector.shape_cast %slice3A_77 : vector<256x64xbf16> to vector<1x256x64xbf16>
    tpu.vector_store %arg8[%swap3A_78, %swap3A_79, %swap3A_80], %swap3A_83 {strides = array<i32>} : memref<12x256x64xbf16, #tpu.memory_space<vmem>>, vector<1x256x64xbf16>,
    %slice3A_84 = vector.extract_strided_slice %convert_element_type3A_15 {offsets = [0, 640], sizes = [256, 64], strides = [1, 1]} : vector<256x768xbf16> to vector<256x64xbf16>
    %swap3A_85 = arith.constant 10 : index
    %swap3A_86 = arith.constant 0 : index
    %swap3A_87 = arith.constant 0 : index
    %swap3A_88 = vector.load %arg8[%swap3A_85, %swap3A_86, %swap3A_87] : memref<12x256x64xbf16, #tpu.memory_space<vmem>>, vector<1x256x64xbf16>
    %swap3A_89 = vector.shape_cast %swap3A_88 : vector<1x256x64xbf16> to vector<256x64xbf16>
    %swap3A_90 = vector.shape_cast %slice3A_84 : vector<256x64xbf16> to vector<1x256x64xbf16>
    tpu.vector_store %arg8[%swap3A_85, %swap3A_86, %swap3A_87], %swap3A_90 {strides = array<i32>} : memref<12x256x64xbf16, #tpu.memory_space<vmem>>, vector<1x256x64xbf16>,
    %slice3A_91 = vector.extract_strided_slice %convert_element_type3A_15 {offsets = [0, 704], sizes = [256, 64], strides = [1, 1]} : vector<256x768xbf16> to vector<256x64xbf16>
    %swap3A_92 = arith.constant 11 : index
    %swap3A_93 = arith.constant 0 : index
    %swap3A_94 = arith.constant 0 : index
    %swap3A_95 = vector.load %arg8[%swap3A_92, %swap3A_93, %swap3A_94] : memref<12x256x64xbf16, #tpu.memory_space<vmem>>, vector<1x256x64xbf16>
    %swap3A_96 = vector.shape_cast %swap3A_95 : vector<1x256x64xbf16> to vector<256x64xbf16>
    %swap3A_97 = vector.shape_cast %slice3A_91 : vector<256x64xbf16> to vector<1x256x64xbf16>
    tpu.vector_store %arg8[%swap3A_92, %swap3A_93, %swap3A_94], %swap3A_97 {strides = array<i32>} : memref<12x256x64xbf16, #tpu.memory_space<vmem>>, vector<1x256x64xbf16>,
    %get3A_98 = arith.constant 0 : index
    %get3A_99 = arith.constant 0 : index
    %get3A_100 = arith.constant 0 : index
    %get3A_101 = vector.load %arg3[%get3A_98, %get3A_99, %get3A_100] : memref<1x768x768xf32, #tpu.memory_space<vmem>>, vector<1x768x768xf32>
    %get3A_102 = vector.shape_cast %get3A_101 : vector<1x768x768xf32> to vector<768x768xf32>
    %convert_element_type3A_103 = arith.truncf %get3A_1 : vector<256x768xf32> to vector<256x768xbf16>
    %convert_element_type3A_104 = arith.truncf %get3A_102 : vector<768x768xf32> to vector<768x768xbf16>
    %dot_general3A_105 = arith.constant dense<0.000000e+00> : vector<256x768xf32>
    %dot_general3A_106 = tpu.matmul %convert_element_type3A_103, %convert_element_type3A_104, %dot_general3A_105 {dimension_numbers = #tpu.dot_dimension_numbers<[1], [1], [0], [0], [0, 0, 1, 0], [], []>, transpose_lhs_hint = false} : vector<256x768xbf16>, vector<768x768xbf16>, vector<256x768xf32> -> vector<256x768xf32>
    %get3A_107 = arith.constant 0 : index
    %get3A_108 = arith.constant 0 : index
    %get3A_109 = arith.constant 0 : index
    %get3A_110 = vector.load %arg6[%get3A_107, %get3A_108, %get3A_109] : memref<1x1x768xf32, #tpu.memory_space<vmem>>, vector<1x1x768xf32>
    %get3A_111 = vector.shape_cast %get3A_110 : vector<1x1x768xf32> to vector<1x768xf32>
    %add3A_112 = vector.broadcast %get3A_111 : vector<1x768xf32> to vector<256x768xf32>
    %add3A_113 = arith.addf %dot_general3A_106, %add3A_112 : vector<256x768xf32>
    %convert_element_type3A_114 = arith.truncf %add3A_113 : vector<256x768xf32> to vector<256x768xbf16>
    %slice3A_115 = vector.extract_strided_slice %convert_element_type3A_114 {offsets = [0, 0], sizes = [256, 64], strides = [1, 1]} : vector<256x768xbf16> to vector<256x64xbf16>
    %swap3A_116 = arith.constant 0 : index
    %swap3A_117 = arith.constant 0 : index
    %swap3A_118 = arith.constant 0 : index
    %swap3A_119 = vector.load %arg9[%swap3A_116, %swap3A_117, %swap3A_118] : memref<12x256x64xbf16, #tpu.memory_space<vmem>>, vector<1x256x64xbf16>
    %swap3A_120 = vector.shape_cast %swap3A_119 : vector<1x256x64xbf16> to vector<256x64xbf16>
    %swap3A_121 = vector.shape_cast %slice3A_115 : vector<256x64xbf16> to vector<1x256x64xbf16>
    tpu.vector_store %arg9[%swap3A_116, %swap3A_117, %swap3A_118], %swap3A_121 {strides = array<i32>} : memref<12x256x64xbf16, #tpu.memory_space<vmem>>, vector<1x256x64xbf16>,
    %slice3A_122 = vector.extract_strided_slice %convert_element_type3A_114 {offsets = [0, 64], sizes = [256, 64], strides = [1, 1]} : vector<256x768xbf16> to vector<256x64xbf16>
    %swap3A_123 = arith.constant 1 : index
    %swap3A_124 = arith.constant 0 : index
    %swap3A_125 = arith.constant 0 : index
    %swap3A_126 = vector.load %arg9[%swap3A_123, %swap3A_124, %swap3A_125] : memref<12x256x64xbf16, #tpu.memory_space<vmem>>, vector<1x256x64xbf16>
    %swap3A_127 = vector.shape_cast %swap3A_126 : vector<1x256x64xbf16> to vector<256x64xbf16>
    %swap3A_128 = vector.shape_cast %slice3A_122 : vector<256x64xbf16> to vector<1x256x64xbf16>
    tpu.vector_store %arg9[%swap3A_123, %swap3A_124, %swap3A_125], %swap3A_128 {strides = array<i32>} : memref<12x256x64xbf16, #tpu.memory_space<vmem>>, vector<1x256x64xbf16>,
    %slice3A_129 = vector.extract_strided_slice %convert_element_type3A_114 {offsets = [0, 128], sizes = [256, 64], strides = [1, 1]} : vector<256x768xbf16> to vector<256x64xbf16>
    %swap3A_130 = arith.constant 2 : index
    %swap3A_131 = arith.constant 0 : index
    %swap3A_132 = arith.constant 0 : index
    %swap3A_133 = vector.load %arg9[%swap3A_130, %swap3A_131, %swap3A_132] : memref<12x256x64xbf16, #tpu.memory_space<vmem>>, vector<1x256x64xbf16>
    %swap3A_134 = vector.shape_cast %swap3A_133 : vector<1x256x64xbf16> to vector<256x64xbf16>
    %swap3A_135 = vector.shape_cast %slice3A_129 : vector<256x64xbf16> to vector<1x256x64xbf16>
    tpu.vector_store %arg9[%swap3A_130, %swap3A_131, %swap3A_132], %swap3A_135 {strides = array<i32>} : memref<12x256x64xbf16, #tpu.memory_space<vmem>>, vector<1x256x64xbf16>,
    %slice3A_136 = vector.extract_strided_slice %convert_element_type3A_114 {offsets = [0, 192], sizes = [256, 64], strides = [1, 1]} : vector<256x768xbf16> to vector<256x64xbf16>
    %swap3A_137 = arith.constant 3 : index
    %swap3A_138 = arith.constant 0 : index
    %swap3A_139 = arith.constant 0 : index
    %swap3A_140 = vector.load %arg9[%swap3A_137, %swap3A_138, %swap3A_139] : memref<12x256x64xbf16, #tpu.memory_space<vmem>>, vector<1x256x64xbf16>
    %swap3A_141 = vector.shape_cast %swap3A_140 : vector<1x256x64xbf16> to vector<256x64xbf16>
    %swap3A_142 = vector.shape_cast %slice3A_136 : vector<256x64xbf16> to vector<1x256x64xbf16>
    tpu.vector_store %arg9[%swap3A_137, %swap3A_138, %swap3A_139], %swap3A_142 {strides = array<i32>} : memref<12x256x64xbf16, #tpu.memory_space<vmem>>, vector<1x256x64xbf16>,
    %slice3A_143 = vector.extract_strided_slice %convert_element_type3A_114 {offsets = [0, 256], sizes = [256, 64], strides = [1, 1]} : vector<256x768xbf16> to vector<256x64xbf16>
    %swap3A_144 = arith.constant 4 : index
    %swap3A_145 = arith.constant 0 : index
    %swap3A_146 = arith.constant 0 : index
    %swap3A_147 = vector.load %arg9[%swap3A_144, %swap3A_145, %swap3A_146] : memref<12x256x64xbf16, #tpu.memory_space<vmem>>, vector<1x256x64xbf16>
    %swap3A_148 = vector.shape_cast %swap3A_147 : vector<1x256x64xbf16> to vector<256x64xbf16>
    %swap3A_149 = vector.shape_cast %slice3A_143 : vector<256x64xbf16> to vector<1x256x64xbf16>
    tpu.vector_store %arg9[%swap3A_144, %swap3A_145, %swap3A_146], %swap3A_149 {strides = array<i32>} : memref<12x256x64xbf16, #tpu.memory_space<vmem>>, vector<1x256x64xbf16>,
    %slice3A_150 = vector.extract_strided_slice %convert_element_type3A_114 {offsets = [0, 320], sizes = [256, 64], strides = [1, 1]} : vector<256x768xbf16> to vector<256x64xbf16>
    %swap3A_151 = arith.constant 5 : index
    %swap3A_152 = arith.constant 0 : index
    %swap3A_153 = arith.constant 0 : index
    %swap3A_154 = vector.load %arg9[%swap3A_151, %swap3A_152, %swap3A_153] : memref<12x256x64xbf16, #tpu.memory_space<vmem>>, vector<1x256x64xbf16>
    %swap3A_155 = vector.shape_cast %swap3A_154 : vector<1x256x64xbf16> to vector<256x64xbf16>
    %swap3A_156 = vector.shape_cast %slice3A_150 : vector<256x64xbf16> to vector<1x256x64xbf16>
    tpu.vector_store %arg9[%swap3A_151, %swap3A_152, %swap3A_153], %swap3A_156 {strides = array<i32>} : memref<12x256x64xbf16, #tpu.memory_space<vmem>>, vector<1x256x64xbf16>,
    %slice3A_157 = vector.extract_strided_slice %convert_element_type3A_114 {offsets = [0, 384], sizes = [256, 64], strides = [1, 1]} : vector<256x768xbf16> to vector<256x64xbf16>
    %swap3A_158 = arith.constant 6 : index
    %swap3A_159 = arith.constant 0 : index
    %swap3A_160 = arith.constant 0 : index
    %swap3A_161 = vector.load %arg9[%swap3A_158, %swap3A_159, %swap3A_160] : memref<12x256x64xbf16, #tpu.memory_space<vmem>>, vector<1x256x64xbf16>
    %swap3A_162 = vector.shape_cast %swap3A_161 : vector<1x256x64xbf16> to vector<256x64xbf16>
    %swap3A_163 = vector.shape_cast %slice3A_157 : vector<256x64xbf16> to vector<1x256x64xbf16>
    tpu.vector_store %arg9[%swap3A_158, %swap3A_159, %swap3A_160], %swap3A_163 {strides = array<i32>} : memref<12x256x64xbf16, #tpu.memory_space<vmem>>, vector<1x256x64xbf16>,
    %slice3A_164 = vector.extract_strided_slice %convert_element_type3A_114 {offsets = [0, 448], sizes = [256, 64], strides = [1, 1]} : vector<256x768xbf16> to vector<256x64xbf16>
    %swap3A_165 = arith.constant 7 : index
    %swap3A_166 = arith.constant 0 : index
    %swap3A_167 = arith.constant 0 : index
    %swap3A_168 = vector.load %arg9[%swap3A_165, %swap3A_166, %swap3A_167] : memref<12x256x64xbf16, #tpu.memory_space<vmem>>, vector<1x256x64xbf16>
    %swap3A_169 = vector.shape_cast %swap3A_168 : vector<1x256x64xbf16> to vector<256x64xbf16>
    %swap3A_170 = vector.shape_cast %slice3A_164 : vector<256x64xbf16> to vector<1x256x64xbf16>
    tpu.vector_store %arg9[%swap3A_165, %swap3A_166, %swap3A_167], %swap3A_170 {strides = array<i32>} : memref<12x256x64xbf16, #tpu.memory_space<vmem>>, vector<1x256x64xbf16>,
    %slice3A_171 = vector.extract_strided_slice %convert_element_type3A_114 {offsets = [0, 512], sizes = [256, 64], strides = [1, 1]} : vector<256x768xbf16> to vector<256x64xbf16>
    %swap3A_172 = arith.constant 8 : index
    %swap3A_173 = arith.constant 0 : index
    %swap3A_174 = arith.constant 0 : index
    %swap3A_175 = vector.load %arg9[%swap3A_172, %swap3A_173, %swap3A_174] : memref<12x256x64xbf16, #tpu.memory_space<vmem>>, vector<1x256x64xbf16>
    %swap3A_176 = vector.shape_cast %swap3A_175 : vector<1x256x64xbf16> to vector<256x64xbf16>
    %swap3A_177 = vector.shape_cast %slice3A_171 : vector<256x64xbf16> to vector<1x256x64xbf16>
    tpu.vector_store %arg9[%swap3A_172, %swap3A_173, %swap3A_174], %swap3A_177 {strides = array<i32>} : memref<12x256x64xbf16, #tpu.memory_space<vmem>>, vector<1x256x64xbf16>,
    %slice3A_178 = vector.extract_strided_slice %convert_element_type3A_114 {offsets = [0, 576], sizes = [256, 64], strides = [1, 1]} : vector<256x768xbf16> to vector<256x64xbf16>
    %swap3A_179 = arith.constant 9 : index
    %swap3A_180 = arith.constant 0 : index
    %swap3A_181 = arith.constant 0 : index
    %swap3A_182 = vector.load %arg9[%swap3A_179, %swap3A_180, %swap3A_181] : memref<12x256x64xbf16, #tpu.memory_space<vmem>>, vector<1x256x64xbf16>
    %swap3A_183 = vector.shape_cast %swap3A_182 : vector<1x256x64xbf16> to vector<256x64xbf16>
    %swap3A_184 = vector.shape_cast %slice3A_178 : vector<256x64xbf16> to vector<1x256x64xbf16>
    tpu.vector_store %arg9[%swap3A_179, %swap3A_180, %swap3A_181], %swap3A_184 {strides = array<i32>} : memref<12x256x64xbf16, #tpu.memory_space<vmem>>, vector<1x256x64xbf16>,
    %slice3A_185 = vector.extract_strided_slice %convert_element_type3A_114 {offsets = [0, 640], sizes = [256, 64], strides = [1, 1]} : vector<256x768xbf16> to vector<256x64xbf16>
    %swap3A_186 = arith.constant 10 : index
    %swap3A_187 = arith.constant 0 : index
    %swap3A_188 = arith.constant 0 : index
    %swap3A_189 = vector.load %arg9[%swap3A_186, %swap3A_187, %swap3A_188] : memref<12x256x64xbf16, #tpu.memory_space<vmem>>, vector<1x256x64xbf16>
    %swap3A_190 = vector.shape_cast %swap3A_189 : vector<1x256x64xbf16> to vector<256x64xbf16>
    %swap3A_191 = vector.shape_cast %slice3A_185 : vector<256x64xbf16> to vector<1x256x64xbf16>
    tpu.vector_store %arg9[%swap3A_186, %swap3A_187, %swap3A_188], %swap3A_191 {strides = array<i32>} : memref<12x256x64xbf16, #tpu.memory_space<vmem>>, vector<1x256x64xbf16>,
    %slice3A_192 = vector.extract_strided_slice %convert_element_type3A_114 {offsets = [0, 704], sizes = [256, 64], strides = [1, 1]} : vector<256x768xbf16> to vector<256x64xbf16>
    %swap3A_193 = arith.constant 11 : index
    %swap3A_194 = arith.constant 0 : index
    %swap3A_195 = arith.constant 0 : index
    %swap3A_196 = vector.load %arg9[%swap3A_193, %swap3A_194, %swap3A_195] : memref<12x256x64xbf16, #tpu.memory_space<vmem>>, vector<1x256x64xbf16>
    %swap3A_197 = vector.shape_cast %swap3A_196 : vector<1x256x64xbf16> to vector<256x64xbf16>
    %swap3A_198 = vector.shape_cast %slice3A_192 : vector<256x64xbf16> to vector<1x256x64xbf16>
    tpu.vector_store %arg9[%swap3A_193, %swap3A_194, %swap3A_195], %swap3A_198 {strides = array<i32>} : memref<12x256x64xbf16, #tpu.memory_space<vmem>>, vector<1x256x64xbf16>,
    %get3A_199 = arith.constant 0 : index
    %get3A_200 = arith.constant 0 : index
    %get3A_201 = arith.constant 0 : index
    %get3A_202 = vector.load %arg4[%get3A_199, %get3A_200, %get3A_201] : memref<1x768x768xf32, #tpu.memory_space<vmem>>, vector<1x768x768xf32>
    %get3A_203 = vector.shape_cast %get3A_202 : vector<1x768x768xf32> to vector<768x768xf32>
    %convert_element_type3A_204 = arith.truncf %get3A_1 : vector<256x768xf32> to vector<256x768xbf16>
    %convert_element_type3A_205 = arith.truncf %get3A_203 : vector<768x768xf32> to vector<768x768xbf16>
    %dot_general3A_206 = arith.constant dense<0.000000e+00> : vector<256x768xf32>
    %dot_general3A_207 = tpu.matmul %convert_element_type3A_204, %convert_element_type3A_205, %dot_general3A_206 {dimension_numbers = #tpu.dot_dimension_numbers<[1], [1], [0], [0], [0, 0, 1, 0], [], []>, transpose_lhs_hint = false} : vector<256x768xbf16>, vector<768x768xbf16>, vector<256x768xf32> -> vector<256x768xf32>
    %get3A_208 = arith.constant 0 : index
    %get3A_209 = arith.constant 0 : index
    %get3A_210 = arith.constant 0 : index
    %get3A_211 = vector.load %arg7[%get3A_208, %get3A_209, %get3A_210] : memref<1x1x768xf32, #tpu.memory_space<vmem>>, vector<1x1x768xf32>
    %get3A_212 = vector.shape_cast %get3A_211 : vector<1x1x768xf32> to vector<1x768xf32>
    %add3A_213 = vector.broadcast %get3A_212 : vector<1x768xf32> to vector<256x768xf32>
    %add3A_214 = arith.addf %dot_general3A_207, %add3A_213 : vector<256x768xf32>
    %convert_element_type3A_215 = arith.truncf %add3A_214 : vector<256x768xf32> to vector<256x768xbf16>
    %slice3A_216 = vector.extract_strided_slice %convert_element_type3A_215 {offsets = [0, 0], sizes = [256, 64], strides = [1, 1]} : vector<256x768xbf16> to vector<256x64xbf16>
    %swap3A_217 = arith.constant 0 : index
    %swap3A_218 = arith.constant 0 : index
    %swap3A_219 = arith.constant 0 : index
    %swap3A_220 = vector.load %arg10[%swap3A_217, %swap3A_218, %swap3A_219] : memref<12x256x64xbf16, #tpu.memory_space<vmem>>, vector<1x256x64xbf16>
    %swap3A_221 = vector.shape_cast %swap3A_220 : vector<1x256x64xbf16> to vector<256x64xbf16>
    %swap3A_222 = vector.shape_cast %slice3A_216 : vector<256x64xbf16> to vector<1x256x64xbf16>
    tpu.vector_store %arg10[%swap3A_217, %swap3A_218, %swap3A_219], %swap3A_222 {strides = array<i32>} : memref<12x256x64xbf16, #tpu.memory_space<vmem>>, vector<1x256x64xbf16>,
    %slice3A_223 = vector.extract_strided_slice %convert_element_type3A_215 {offsets = [0, 64], sizes = [256, 64], strides = [1, 1]} : vector<256x768xbf16> to vector<256x64xbf16>
    %swap3A_224 = arith.constant 1 : index
    %swap3A_225 = arith.constant 0 : index
    %swap3A_226 = arith.constant 0 : index
    %swap3A_227 = vector.load %arg10[%swap3A_224, %swap3A_225, %swap3A_226] : memref<12x256x64xbf16, #tpu.memory_space<vmem>>, vector<1x256x64xbf16>
    %swap3A_228 = vector.shape_cast %swap3A_227 : vector<1x256x64xbf16> to vector<256x64xbf16>
    %swap3A_229 = vector.shape_cast %slice3A_223 : vector<256x64xbf16> to vector<1x256x64xbf16>
    tpu.vector_store %arg10[%swap3A_224, %swap3A_225, %swap3A_226], %swap3A_229 {strides = array<i32>} : memref<12x256x64xbf16, #tpu.memory_space<vmem>>, vector<1x256x64xbf16>,
    %slice3A_230 = vector.extract_strided_slice %convert_element_type3A_215 {offsets = [0, 128], sizes = [256, 64], strides = [1, 1]} : vector<256x768xbf16> to vector<256x64xbf16>
    %swap3A_231 = arith.constant 2 : index
    %swap3A_232 = arith.constant 0 : index
    %swap3A_233 = arith.constant 0 : index
    %swap3A_234 = vector.load %arg10[%swap3A_231, %swap3A_232, %swap3A_233] : memref<12x256x64xbf16, #tpu.memory_space<vmem>>, vector<1x256x64xbf16>
    %swap3A_235 = vector.shape_cast %swap3A_234 : vector<1x256x64xbf16> to vector<256x64xbf16>
    %swap3A_236 = vector.shape_cast %slice3A_230 : vector<256x64xbf16> to vector<1x256x64xbf16>
    tpu.vector_store %arg10[%swap3A_231, %swap3A_232, %swap3A_233], %swap3A_236 {strides = array<i32>} : memref<12x256x64xbf16, #tpu.memory_space<vmem>>, vector<1x256x64xbf16>,
    %slice3A_237 = vector.extract_strided_slice %convert_element_type3A_215 {offsets = [0, 192], sizes = [256, 64], strides = [1, 1]} : vector<256x768xbf16> to vector<256x64xbf16>
    %swap3A_238 = arith.constant 3 : index
    %swap3A_239 = arith.constant 0 : index
    %swap3A_240 = arith.constant 0 : index
    %swap3A_241 = vector.load %arg10[%swap3A_238, %swap3A_239, %swap3A_240] : memref<12x256x64xbf16, #tpu.memory_space<vmem>>, vector<1x256x64xbf16>
    %swap3A_242 = vector.shape_cast %swap3A_241 : vector<1x256x64xbf16> to vector<256x64xbf16>
    %swap3A_243 = vector.shape_cast %slice3A_237 : vector<256x64xbf16> to vector<1x256x64xbf16>
    tpu.vector_store %arg10[%swap3A_238, %swap3A_239, %swap3A_240], %swap3A_243 {strides = array<i32>} : memref<12x256x64xbf16, #tpu.memory_space<vmem>>, vector<1x256x64xbf16>,
    %slice3A_244 = vector.extract_strided_slice %convert_element_type3A_215 {offsets = [0, 256], sizes = [256, 64], strides = [1, 1]} : vector<256x768xbf16> to vector<256x64xbf16>
    %swap3A_245 = arith.constant 4 : index
    %swap3A_246 = arith.constant 0 : index
    %swap3A_247 = arith.constant 0 : index
    %swap3A_248 = vector.load %arg10[%swap3A_245, %swap3A_246, %swap3A_247] : memref<12x256x64xbf16, #tpu.memory_space<vmem>>, vector<1x256x64xbf16>
    %swap3A_249 = vector.shape_cast %swap3A_248 : vector<1x256x64xbf16> to vector<256x64xbf16>
    %swap3A_250 = vector.shape_cast %slice3A_244 : vector<256x64xbf16> to vector<1x256x64xbf16>
    tpu.vector_store %arg10[%swap3A_245, %swap3A_246, %swap3A_247], %swap3A_250 {strides = array<i32>} : memref<12x256x64xbf16, #tpu.memory_space<vmem>>, vector<1x256x64xbf16>,
    %slice3A_251 = vector.extract_strided_slice %convert_element_type3A_215 {offsets = [0, 320], sizes = [256, 64], strides = [1, 1]} : vector<256x768xbf16> to vector<256x64xbf16>
    %swap3A_252 = arith.constant 5 : index
    %swap3A_253 = arith.constant 0 : index
    %swap3A_254 = arith.constant 0 : index
    %swap3A_255 = vector.load %arg10[%swap3A_252, %swap3A_253, %swap3A_254] : memref<12x256x64xbf16, #tpu.memory_space<vmem>>, vector<1x256x64xbf16>
    %swap3A_256 = vector.shape_cast %swap3A_255 : vector<1x256x64xbf16> to vector<256x64xbf16>
    %swap3A_257 = vector.shape_cast %slice3A_251 : vector<256x64xbf16> to vector<1x256x64xbf16>
    tpu.vector_store %arg10[%swap3A_252, %swap3A_253, %swap3A_254], %swap3A_257 {strides = array<i32>} : memref<12x256x64xbf16, #tpu.memory_space<vmem>>, vector<1x256x64xbf16>,
    %slice3A_258 = vector.extract_strided_slice %convert_element_type3A_215 {offsets = [0, 384], sizes = [256, 64], strides = [1, 1]} : vector<256x768xbf16> to vector<256x64xbf16>
    %swap3A_259 = arith.constant 6 : index
    %swap3A_260 = arith.constant 0 : index
    %swap3A_261 = arith.constant 0 : index
    %swap3A_262 = vector.load %arg10[%swap3A_259, %swap3A_260, %swap3A_261] : memref<12x256x64xbf16, #tpu.memory_space<vmem>>, vector<1x256x64xbf16>
    %swap3A_263 = vector.shape_cast %swap3A_262 : vector<1x256x64xbf16> to vector<256x64xbf16>
    %swap3A_264 = vector.shape_cast %slice3A_258 : vector<256x64xbf16> to vector<1x256x64xbf16>
    tpu.vector_store %arg10[%swap3A_259, %swap3A_260, %swap3A_261], %swap3A_264 {strides = array<i32>} : memref<12x256x64xbf16, #tpu.memory_space<vmem>>, vector<1x256x64xbf16>,
    %slice3A_265 = vector.extract_strided_slice %convert_element_type3A_215 {offsets = [0, 448], sizes = [256, 64], strides = [1, 1]} : vector<256x768xbf16> to vector<256x64xbf16>
    %swap3A_266 = arith.constant 7 : index
    %swap3A_267 = arith.constant 0 : index
    %swap3A_268 = arith.constant 0 : index
    %swap3A_269 = vector.load %arg10[%swap3A_266, %swap3A_267, %swap3A_268] : memref<12x256x64xbf16, #tpu.memory_space<vmem>>, vector<1x256x64xbf16>
    %swap3A_270 = vector.shape_cast %swap3A_269 : vector<1x256x64xbf16> to vector<256x64xbf16>
    %swap3A_271 = vector.shape_cast %slice3A_265 : vector<256x64xbf16> to vector<1x256x64xbf16>
    tpu.vector_store %arg10[%swap3A_266, %swap3A_267, %swap3A_268], %swap3A_271 {strides = array<i32>} : memref<12x256x64xbf16, #tpu.memory_space<vmem>>, vector<1x256x64xbf16>,
    %slice3A_272 = vector.extract_strided_slice %convert_element_type3A_215 {offsets = [0, 512], sizes = [256, 64], strides = [1, 1]} : vector<256x768xbf16> to vector<256x64xbf16>
    %swap3A_273 = arith.constant 8 : index
    %swap3A_274 = arith.constant 0 : index
    %swap3A_275 = arith.constant 0 : index
    %swap3A_276 = vector.load %arg10[%swap3A_273, %swap3A_274, %swap3A_275] : memref<12x256x64xbf16, #tpu.memory_space<vmem>>, vector<1x256x64xbf16>
    %swap3A_277 = vector.shape_cast %swap3A_276 : vector<1x256x64xbf16> to vector<256x64xbf16>
    %swap3A_278 = vector.shape_cast %slice3A_272 : vector<256x64xbf16> to vector<1x256x64xbf16>
    tpu.vector_store %arg10[%swap3A_273, %swap3A_274, %swap3A_275], %swap3A_278 {strides = array<i32>} : memref<12x256x64xbf16, #tpu.memory_space<vmem>>, vector<1x256x64xbf16>,
    %slice3A_279 = vector.extract_strided_slice %convert_element_type3A_215 {offsets = [0, 576], sizes = [256, 64], strides = [1, 1]} : vector<256x768xbf16> to vector<256x64xbf16>
    %swap3A_280 = arith.constant 9 : index
    %swap3A_281 = arith.constant 0 : index
    %swap3A_282 = arith.constant 0 : index
    %swap3A_283 = vector.load %arg10[%swap3A_280, %swap3A_281, %swap3A_282] : memref<12x256x64xbf16, #tpu.memory_space<vmem>>, vector<1x256x64xbf16>
    %swap3A_284 = vector.shape_cast %swap3A_283 : vector<1x256x64xbf16> to vector<256x64xbf16>
    %swap3A_285 = vector.shape_cast %slice3A_279 : vector<256x64xbf16> to vector<1x256x64xbf16>
    tpu.vector_store %arg10[%swap3A_280, %swap3A_281, %swap3A_282], %swap3A_285 {strides = array<i32>} : memref<12x256x64xbf16, #tpu.memory_space<vmem>>, vector<1x256x64xbf16>,
    %slice3A_286 = vector.extract_strided_slice %convert_element_type3A_215 {offsets = [0, 640], sizes = [256, 64], strides = [1, 1]} : vector<256x768xbf16> to vector<256x64xbf16>
    %swap3A_287 = arith.constant 10 : index
    %swap3A_288 = arith.constant 0 : index
    %swap3A_289 = arith.constant 0 : index
    %swap3A_290 = vector.load %arg10[%swap3A_287, %swap3A_288, %swap3A_289] : memref<12x256x64xbf16, #tpu.memory_space<vmem>>, vector<1x256x64xbf16>
    %swap3A_291 = vector.shape_cast %swap3A_290 : vector<1x256x64xbf16> to vector<256x64xbf16>
    %swap3A_292 = vector.shape_cast %slice3A_286 : vector<256x64xbf16> to vector<1x256x64xbf16>
    tpu.vector_store %arg10[%swap3A_287, %swap3A_288, %swap3A_289], %swap3A_292 {strides = array<i32>} : memref<12x256x64xbf16, #tpu.memory_space<vmem>>, vector<1x256x64xbf16>,
    %slice3A_293 = vector.extract_strided_slice %convert_element_type3A_215 {offsets = [0, 704], sizes = [256, 64], strides = [1, 1]} : vector<256x768xbf16> to vector<256x64xbf16>
    %swap3A_294 = arith.constant 11 : index
    %swap3A_295 = arith.constant 0 : index
    %swap3A_296 = arith.constant 0 : index
    %swap3A_297 = vector.load %arg10[%swap3A_294, %swap3A_295, %swap3A_296] : memref<12x256x64xbf16, #tpu.memory_space<vmem>>, vector<1x256x64xbf16>
    %swap3A_298 = vector.shape_cast %swap3A_297 : vector<1x256x64xbf16> to vector<256x64xbf16>
    %swap3A_299 = vector.shape_cast %slice3A_293 : vector<256x64xbf16> to vector<1x256x64xbf16>
    tpu.vector_store %arg10[%swap3A_294, %swap3A_295, %swap3A_296], %swap3A_299 {strides = array<i32>} : memref<12x256x64xbf16, #tpu.memory_space<vmem>>, vector<1x256x64xbf16>,
    return
  }
  func.func @transform_0(%arg0: i32) -> (i32, i32) {
    %c0_i32 = arith.constant 0 : i32
    %c0_i32_0 = arith.constant 0 : i32
    return %arg0, %c0_i32 : i32, i32
  }
  func.func @transform_1(%arg0: i32) -> (i32, i32, i32) {
    %c1_i32 = arith.constant 1 : i32
    %c0_i32 = arith.constant 0 : i32
    %c0_i32_0 = arith.constant 0 : i32
    %c0_i32_1 = arith.constant 0 : i32
    return %c1_i32, %c0_i32, %c0_i32_0 : i32, i32, i32
  }
  func.func @transform_2(%arg0: i32) -> (i32, i32, i32) {
    %c1_i32 = arith.constant 1 : i32
    %c0_i32 = arith.constant 0 : i32
    %c0_i32_0 = arith.constant 0 : i32
    %c0_i32_1 = arith.constant 0 : i32
    return %c1_i32, %c0_i32, %c0_i32_0 : i32, i32, i32
  }
  func.func @transform_3(%arg0: i32) -> (i32, i32, i32) {
    %c1_i32 = arith.constant 1 : i32
    %c0_i32 = arith.constant 0 : i32
    %c0_i32_0 = arith.constant 0 : i32
    %c0_i32_1 = arith.constant 0 : i32
    return %c1_i32, %c0_i32, %c0_i32_0 : i32, i32, i32
  }
  func.func @transform_4(%arg0: i32) -> (i32, i32, i32) {
    %c1_i32 = arith.constant 1 : i32
    %c0_i32 = arith.constant 0 : i32
    %c0_i32_0 = arith.constant 0 : i32
    %c0_i32_1 = arith.constant 0 : i32
    return %c1_i32, %c0_i32, %c0_i32_0 : i32, i32, i32
  }
  func.func @transform_5(%arg0: i32) -> (i32, i32, i32) {
    %c1_i32 = arith.constant 1 : i32
    %c0_i32 = arith.constant 0 : i32
    %c0_i32_0 = arith.constant 0 : i32
    %c0_i32_1 = arith.constant 0 : i32
    return %c1_i32, %c0_i32, %c0_i32_0 : i32, i32, i32
  }
  func.func @transform_6(%arg0: i32) -> (i32, i32, i32) {
    %c1_i32 = arith.constant 1 : i32
    %c0_i32 = arith.constant 0 : i32
    %c0_i32_0 = arith.constant 0 : i32
    %c0_i32_1 = arith.constant 0 : i32
    return %c1_i32, %c0_i32, %c0_i32_0 : i32, i32, i32
  }
  func.func @transform_7(%arg0: i32) -> (i32, i32, i32) {
    %c0_i32 = arith.constant 0 : i32
    %c0_i32_0 = arith.constant 0 : i32
    %c0_i32_1 = arith.constant 0 : i32
    return %c0_i32, %arg0, %c0_i32_0 : i32, i32, i32
  }
  func.func @transform_8(%arg0: i32) -> (i32, i32, i32) {
    %c0_i32 = arith.constant 0 : i32
    %c0_i32_0 = arith.constant 0 : i32
    %c0_i32_1 = arith.constant 0 : i32
    return %c0_i32, %arg0, %c0_i32_0 : i32, i32, i32
  }
  func.func @transform_9(%arg0: i32) -> (i32, i32, i32) {
    %c0_i32 = arith.constant 0 : i32
    %c0_i32_0 = arith.constant 0 : i32
    %c0_i32_1 = arith.constant 0 : i32
    return %c0_i32, %arg0, %c0_i32_0 : i32, i32, i32
  }
}

module attributes {stable_mosaic.version = 14 : i64} {
  func.func @_proj_ln_body(%arg0: i32, %arg1: memref<12x256x64xf32, #tpu.memory_space<vmem>>, %arg2: memref<256x768xf32, #tpu.memory_space<vmem>>, %arg3: memref<1x768x768xf32, #tpu.memory_space<vmem>>, %arg4: memref<1x1x768xf32, #tpu.memory_space<vmem>>, %arg5: memref<1x1x768xf32, #tpu.memory_space<vmem>>, %arg6: memref<1x1x768xf32, #tpu.memory_space<vmem>>, %arg7: memref<256x768xf32, #tpu.memory_space<vmem>>) attributes {dimension_semantics = [#tpu.dimension_semantics<arbitrary>], iteration_bounds = array<i64: 8>, scalar_prefetch = 0 : i64, scratch_operands = 0 : i64, tpu.core_type = #tpu.core_type<tc>, window_params = [{transform_indices = @transform_0, window_bounds = array<i64: 12, 256, 64>}, {transform_indices = @transform_1, window_bounds = array<i64: 256, 768>}, {transform_indices = @transform_2, window_bounds = array<i64: 1, 768, 768>}, {transform_indices = @transform_3, window_bounds = array<i64: 1, 1, 768>}, {transform_indices = @transform_4, window_bounds = array<i64: 1, 1, 768>}, {transform_indices = @transform_5, window_bounds = array<i64: 1, 1, 768>}, {transform_indices = @transform_6, window_bounds = array<i64: 256, 768>}]} {
    %get3A = arith.constant 0 : index
    %get3A_0 = arith.constant 0 : index
    %get3A_1 = arith.constant 0 : index
    %get3A_2 = vector.load %arg1[%get3A, %get3A_0, %get3A_1] : memref<12x256x64xf32, #tpu.memory_space<vmem>>, vector<1x256x64xf32>
    %get3A_3 = vector.shape_cast %get3A_2 : vector<1x256x64xf32> to vector<256x64xf32>
    %get3A_4 = arith.constant 1 : index
    %get3A_5 = arith.constant 0 : index
    %get3A_6 = arith.constant 0 : index
    %get3A_7 = vector.load %arg1[%get3A_4, %get3A_5, %get3A_6] : memref<12x256x64xf32, #tpu.memory_space<vmem>>, vector<1x256x64xf32>
    %get3A_8 = vector.shape_cast %get3A_7 : vector<1x256x64xf32> to vector<256x64xf32>
    %get3A_9 = arith.constant 2 : index
    %get3A_10 = arith.constant 0 : index
    %get3A_11 = arith.constant 0 : index
    %get3A_12 = vector.load %arg1[%get3A_9, %get3A_10, %get3A_11] : memref<12x256x64xf32, #tpu.memory_space<vmem>>, vector<1x256x64xf32>
    %get3A_13 = vector.shape_cast %get3A_12 : vector<1x256x64xf32> to vector<256x64xf32>
    %get3A_14 = arith.constant 3 : index
    %get3A_15 = arith.constant 0 : index
    %get3A_16 = arith.constant 0 : index
    %get3A_17 = vector.load %arg1[%get3A_14, %get3A_15, %get3A_16] : memref<12x256x64xf32, #tpu.memory_space<vmem>>, vector<1x256x64xf32>
    %get3A_18 = vector.shape_cast %get3A_17 : vector<1x256x64xf32> to vector<256x64xf32>
    %get3A_19 = arith.constant 4 : index
    %get3A_20 = arith.constant 0 : index
    %get3A_21 = arith.constant 0 : index
    %get3A_22 = vector.load %arg1[%get3A_19, %get3A_20, %get3A_21] : memref<12x256x64xf32, #tpu.memory_space<vmem>>, vector<1x256x64xf32>
    %get3A_23 = vector.shape_cast %get3A_22 : vector<1x256x64xf32> to vector<256x64xf32>
    %get3A_24 = arith.constant 5 : index
    %get3A_25 = arith.constant 0 : index
    %get3A_26 = arith.constant 0 : index
    %get3A_27 = vector.load %arg1[%get3A_24, %get3A_25, %get3A_26] : memref<12x256x64xf32, #tpu.memory_space<vmem>>, vector<1x256x64xf32>
    %get3A_28 = vector.shape_cast %get3A_27 : vector<1x256x64xf32> to vector<256x64xf32>
    %get3A_29 = arith.constant 6 : index
    %get3A_30 = arith.constant 0 : index
    %get3A_31 = arith.constant 0 : index
    %get3A_32 = vector.load %arg1[%get3A_29, %get3A_30, %get3A_31] : memref<12x256x64xf32, #tpu.memory_space<vmem>>, vector<1x256x64xf32>
    %get3A_33 = vector.shape_cast %get3A_32 : vector<1x256x64xf32> to vector<256x64xf32>
    %get3A_34 = arith.constant 7 : index
    %get3A_35 = arith.constant 0 : index
    %get3A_36 = arith.constant 0 : index
    %get3A_37 = vector.load %arg1[%get3A_34, %get3A_35, %get3A_36] : memref<12x256x64xf32, #tpu.memory_space<vmem>>, vector<1x256x64xf32>
    %get3A_38 = vector.shape_cast %get3A_37 : vector<1x256x64xf32> to vector<256x64xf32>
    %get3A_39 = arith.constant 8 : index
    %get3A_40 = arith.constant 0 : index
    %get3A_41 = arith.constant 0 : index
    %get3A_42 = vector.load %arg1[%get3A_39, %get3A_40, %get3A_41] : memref<12x256x64xf32, #tpu.memory_space<vmem>>, vector<1x256x64xf32>
    %get3A_43 = vector.shape_cast %get3A_42 : vector<1x256x64xf32> to vector<256x64xf32>
    %get3A_44 = arith.constant 9 : index
    %get3A_45 = arith.constant 0 : index
    %get3A_46 = arith.constant 0 : index
    %get3A_47 = vector.load %arg1[%get3A_44, %get3A_45, %get3A_46] : memref<12x256x64xf32, #tpu.memory_space<vmem>>, vector<1x256x64xf32>
    %get3A_48 = vector.shape_cast %get3A_47 : vector<1x256x64xf32> to vector<256x64xf32>
    %get3A_49 = arith.constant 10 : index
    %get3A_50 = arith.constant 0 : index
    %get3A_51 = arith.constant 0 : index
    %get3A_52 = vector.load %arg1[%get3A_49, %get3A_50, %get3A_51] : memref<12x256x64xf32, #tpu.memory_space<vmem>>, vector<1x256x64xf32>
    %get3A_53 = vector.shape_cast %get3A_52 : vector<1x256x64xf32> to vector<256x64xf32>
    %get3A_54 = arith.constant 11 : index
    %get3A_55 = arith.constant 0 : index
    %get3A_56 = arith.constant 0 : index
    %get3A_57 = vector.load %arg1[%get3A_54, %get3A_55, %get3A_56] : memref<12x256x64xf32, #tpu.memory_space<vmem>>, vector<1x256x64xf32>
    %get3A_58 = vector.shape_cast %get3A_57 : vector<1x256x64xf32> to vector<256x64xf32>
    %concatenate3A = tpu.concatenate %get3A_3, %get3A_8, %get3A_13, %get3A_18, %get3A_23, %get3A_28, %get3A_33, %get3A_38, %get3A_43, %get3A_48, %get3A_53, %get3A_58 in 1 : vector<256x64xf32>, vector<256x64xf32>, vector<256x64xf32>, vector<256x64xf32>, vector<256x64xf32>, vector<256x64xf32>, vector<256x64xf32>, vector<256x64xf32>, vector<256x64xf32>, vector<256x64xf32>, vector<256x64xf32>, vector<256x64xf32> -> vector<256x768xf32>
    %get3A_59 = arith.constant 0 : index
    %get3A_60 = arith.constant 0 : index
    %get3A_61 = vector.load %arg2[%get3A_59, %get3A_60] : memref<256x768xf32, #tpu.memory_space<vmem>>, vector<256x768xf32>
    %get3A_62 = arith.constant 0 : index
    %get3A_63 = arith.constant 0 : index
    %get3A_64 = arith.constant 0 : index
    %get3A_65 = vector.load %arg3[%get3A_62, %get3A_63, %get3A_64] : memref<1x768x768xf32, #tpu.memory_space<vmem>>, vector<1x768x768xf32>
    %get3A_66 = vector.shape_cast %get3A_65 : vector<1x768x768xf32> to vector<768x768xf32>
    %convert_element_type3A = arith.truncf %concatenate3A : vector<256x768xf32> to vector<256x768xbf16>
    %convert_element_type3A_67 = arith.truncf %get3A_66 : vector<768x768xf32> to vector<768x768xbf16>
    %dot_general3A = arith.constant dense<0.000000e+00> : vector<256x768xf32>
    %dot_general3A_68 = tpu.matmul %convert_element_type3A, %convert_element_type3A_67, %dot_general3A {dimension_numbers = #tpu.dot_dimension_numbers<[1], [1], [0], [0], [0, 0, 1, 0], [], []>, transpose_lhs_hint = false} : vector<256x768xbf16>, vector<768x768xbf16>, vector<256x768xf32> -> vector<256x768xf32>
    %add3A = arith.addf %get3A_61, %dot_general3A_68 : vector<256x768xf32>
    %get3A_69 = arith.constant 0 : index
    %get3A_70 = arith.constant 0 : index
    %get3A_71 = arith.constant 0 : index
    %get3A_72 = vector.load %arg4[%get3A_69, %get3A_70, %get3A_71] : memref<1x1x768xf32, #tpu.memory_space<vmem>>, vector<1x1x768xf32>
    %get3A_73 = vector.shape_cast %get3A_72 : vector<1x1x768xf32> to vector<1x768xf32>
    %add3A_74 = vector.broadcast %get3A_73 : vector<1x768xf32> to vector<256x768xf32>
    %add3A_75 = arith.addf %add3A, %add3A_74 : vector<256x768xf32>
    %get3A_76 = arith.constant 0 : index
    %get3A_77 = arith.constant 0 : index
    %get3A_78 = arith.constant 0 : index
    %get3A_79 = vector.load %arg5[%get3A_76, %get3A_77, %get3A_78] : memref<1x1x768xf32, #tpu.memory_space<vmem>>, vector<1x1x768xf32>
    %get3A_80 = vector.shape_cast %get3A_79 : vector<1x1x768xf32> to vector<1x768xf32>
    %get3A_81 = arith.constant 0 : index
    %get3A_82 = arith.constant 0 : index
    %get3A_83 = arith.constant 0 : index
    %get3A_84 = vector.load %arg6[%get3A_81, %get3A_82, %get3A_83] : memref<1x1x768xf32, #tpu.memory_space<vmem>>, vector<1x1x768xf32>
    %get3A_85 = vector.shape_cast %get3A_84 : vector<1x1x768xf32> to vector<1x768xf32>
    %reduce_sum3A = arith.constant dense<0.000000e+00> : vector<256xf32>
    %reduce_sum3A_86 = vector.multi_reduction <add>, %add3A_75, %reduce_sum3A [1] : vector<256x768xf32> to vector<256xf32>
    %broadcast_in_dim3A = vector.shape_cast %reduce_sum3A_86 : vector<256xf32> to vector<256x1xf32>
    %div3A = arith.constant 7.680000e+02 : f32
    %div3A_87 = vector.broadcast %div3A : f32 to vector<256x1xf32>
    %div3A_88 = arith.divf %broadcast_in_dim3A, %div3A_87 : vector<256x1xf32>
    %sub3A = vector.broadcast %div3A_88 : vector<256x1xf32> to vector<256x768xf32>
    %sub3A_89 = arith.subf %add3A_75, %sub3A : vector<256x768xf32>
    %mul3A = arith.mulf %sub3A_89, %sub3A_89 : vector<256x768xf32>
    %reduce_sum3A_90 = arith.constant dense<0.000000e+00> : vector<256xf32>
    %reduce_sum3A_91 = vector.multi_reduction <add>, %mul3A, %reduce_sum3A_90 [1] : vector<256x768xf32> to vector<256xf32>
    %broadcast_in_dim3A_92 = vector.shape_cast %reduce_sum3A_91 : vector<256xf32> to vector<256x1xf32>
    %div3A_93 = arith.constant 7.680000e+02 : f32
    %div3A_94 = vector.broadcast %div3A_93 : f32 to vector<256x1xf32>
    %div3A_95 = arith.divf %broadcast_in_dim3A_92, %div3A_94 : vector<256x1xf32>
    %add3A_96 = arith.constant 9.99999974E-6 : f32
    %add3A_97 = vector.broadcast %add3A_96 : f32 to vector<256x1xf32>
    %add3A_98 = arith.addf %div3A_95, %add3A_97 : vector<256x1xf32>
    %rsqrt3A = math.rsqrt %add3A_98 : vector<256x1xf32>
    %mul3A_99 = vector.broadcast %rsqrt3A : vector<256x1xf32> to vector<256x768xf32>
    %mul3A_100 = arith.mulf %sub3A_89, %mul3A_99 : vector<256x768xf32>
    %mul3A_101 = vector.broadcast %get3A_80 : vector<1x768xf32> to vector<256x768xf32>
    %mul3A_102 = arith.mulf %mul3A_100, %mul3A_101 : vector<256x768xf32>
    %add3A_103 = vector.broadcast %get3A_85 : vector<1x768xf32> to vector<256x768xf32>
    %add3A_104 = arith.addf %mul3A_102, %add3A_103 : vector<256x768xf32>
    %swap3A = arith.constant 0 : index
    %swap3A_105 = arith.constant 0 : index
    %swap3A_106 = vector.load %arg7[%swap3A, %swap3A_105] : memref<256x768xf32, #tpu.memory_space<vmem>>, vector<256x768xf32>
    tpu.vector_store %arg7[%swap3A, %swap3A_105], %add3A_104 {strides = array<i32>} : memref<256x768xf32, #tpu.memory_space<vmem>>, vector<256x768xf32>,
    return
  }
  func.func @transform_0(%arg0: i32) -> (i32, i32, i32) {
    %c0_i32 = arith.constant 0 : i32
    %c0_i32_0 = arith.constant 0 : i32
    %c0_i32_1 = arith.constant 0 : i32
    return %c0_i32, %arg0, %c0_i32_0 : i32, i32, i32
  }
  func.func @transform_1(%arg0: i32) -> (i32, i32) {
    %c0_i32 = arith.constant 0 : i32
    %c0_i32_0 = arith.constant 0 : i32
    return %arg0, %c0_i32 : i32, i32
  }
  func.func @transform_2(%arg0: i32) -> (i32, i32, i32) {
    %c1_i32 = arith.constant 1 : i32
    %c0_i32 = arith.constant 0 : i32
    %c0_i32_0 = arith.constant 0 : i32
    %c0_i32_1 = arith.constant 0 : i32
    return %c1_i32, %c0_i32, %c0_i32_0 : i32, i32, i32
  }
  func.func @transform_3(%arg0: i32) -> (i32, i32, i32) {
    %c1_i32 = arith.constant 1 : i32
    %c0_i32 = arith.constant 0 : i32
    %c0_i32_0 = arith.constant 0 : i32
    %c0_i32_1 = arith.constant 0 : i32
    return %c1_i32, %c0_i32, %c0_i32_0 : i32, i32, i32
  }
  func.func @transform_4(%arg0: i32) -> (i32, i32, i32) {
    %c1_i32 = arith.constant 1 : i32
    %c0_i32 = arith.constant 0 : i32
    %c0_i32_0 = arith.constant 0 : i32
    %c0_i32_1 = arith.constant 0 : i32
    return %c1_i32, %c0_i32, %c0_i32_0 : i32, i32, i32
  }
  func.func @transform_5(%arg0: i32) -> (i32, i32, i32) {
    %c1_i32 = arith.constant 1 : i32
    %c0_i32 = arith.constant 0 : i32
    %c0_i32_0 = arith.constant 0 : i32
    %c0_i32_1 = arith.constant 0 : i32
    return %c1_i32, %c0_i32, %c0_i32_0 : i32, i32, i32
  }
  func.func @transform_6(%arg0: i32) -> (i32, i32) {
    %c0_i32 = arith.constant 0 : i32
    %c0_i32_0 = arith.constant 0 : i32
    return %arg0, %c0_i32 : i32, i32
  }
}

module attributes {stable_mosaic.version = 14 : i64} {
  func.func @_ffn_body(%arg0: i32, %arg1: memref<256x768xf32, #tpu.memory_space<vmem>>, %arg2: memref<1x3072x768xf32, #tpu.memory_space<vmem>>, %arg3: memref<1x1x3072xf32, #tpu.memory_space<vmem>>, %arg4: memref<1x768x3072xf32, #tpu.memory_space<vmem>>, %arg5: memref<1x1x768xf32, #tpu.memory_space<vmem>>, %arg6: memref<1x1x768xf32, #tpu.memory_space<vmem>>, %arg7: memref<1x1x768xf32, #tpu.memory_space<vmem>>, %arg8: memref<256x768xf32, #tpu.memory_space<vmem>>) attributes {dimension_semantics = [#tpu.dimension_semantics<arbitrary>], iteration_bounds = array<i64: 8>, scalar_prefetch = 0 : i64, scratch_operands = 0 : i64, tpu.core_type = #tpu.core_type<tc>, window_params = [{transform_indices = @transform_0, window_bounds = array<i64: 256, 768>}, {transform_indices = @transform_1, window_bounds = array<i64: 1, 3072, 768>}, {transform_indices = @transform_2, window_bounds = array<i64: 1, 1, 3072>}, {transform_indices = @transform_3, window_bounds = array<i64: 1, 768, 3072>}, {transform_indices = @transform_4, window_bounds = array<i64: 1, 1, 768>}, {transform_indices = @transform_5, window_bounds = array<i64: 1, 1, 768>}, {transform_indices = @transform_6, window_bounds = array<i64: 1, 1, 768>}, {transform_indices = @transform_7, window_bounds = array<i64: 256, 768>}]} {
    %get3A = arith.constant 0 : index
    %get3A_0 = arith.constant 0 : index
    %get3A_1 = vector.load %arg1[%get3A, %get3A_0] : memref<256x768xf32, #tpu.memory_space<vmem>>, vector<256x768xf32>
    %get3A_2 = arith.constant 0 : index
    %get3A_3 = arith.constant 0 : index
    %get3A_4 = arith.constant 0 : index
    %get3A_5 = vector.load %arg2[%get3A_2, %get3A_3, %get3A_4] : memref<1x3072x768xf32, #tpu.memory_space<vmem>>, vector<1x3072x768xf32>
    %get3A_6 = vector.shape_cast %get3A_5 : vector<1x3072x768xf32> to vector<3072x768xf32>
    %convert_element_type3A = arith.truncf %get3A_1 : vector<256x768xf32> to vector<256x768xbf16>
    %convert_element_type3A_7 = arith.truncf %get3A_6 : vector<3072x768xf32> to vector<3072x768xbf16>
    %dot_general3A = arith.constant dense<0.000000e+00> : vector<256x3072xf32>
    %dot_general3A_8 = tpu.matmul %convert_element_type3A, %convert_element_type3A_7, %dot_general3A {dimension_numbers = #tpu.dot_dimension_numbers<[1], [1], [0], [0], [0, 0, 1, 0], [], []>, transpose_lhs_hint = false} : vector<256x768xbf16>, vector<3072x768xbf16>, vector<256x3072xf32> -> vector<256x3072xf32>
    %get3A_9 = arith.constant 0 : index
    %get3A_10 = arith.constant 0 : index
    %get3A_11 = arith.constant 0 : index
    %get3A_12 = vector.load %arg3[%get3A_9, %get3A_10, %get3A_11] : memref<1x1x3072xf32, #tpu.memory_space<vmem>>, vector<1x1x3072xf32>
    %get3A_13 = vector.shape_cast %get3A_12 : vector<1x1x3072xf32> to vector<1x3072xf32>
    %add3A = vector.broadcast %get3A_13 : vector<1x3072xf32> to vector<256x3072xf32>
    %add3A_14 = arith.addf %dot_general3A_8, %add3A : vector<256x3072xf32>
    %mul3A = arith.constant 5.000000e-01 : f32
    %mul3A_15 = vector.broadcast %mul3A : f32 to vector<256x3072xf32>
    %mul3A_16 = arith.mulf %mul3A_15, %add3A_14 : vector<256x3072xf32>
    %mul3A_17 = arith.constant 0.707106769 : f32
    %mul3A_18 = vector.broadcast %mul3A_17 : f32 to vector<256x3072xf32>
    %mul3A_19 = arith.mulf %add3A_14, %mul3A_18 : vector<256x3072xf32>
    %erf3A = math.erf %mul3A_19 : vector<256x3072xf32>
    %add3A_20 = arith.constant 1.000000e+00 : f32
    %add3A_21 = vector.broadcast %add3A_20 : f32 to vector<256x3072xf32>
    %add3A_22 = arith.addf %add3A_21, %erf3A : vector<256x3072xf32>
    %mul3A_23 = arith.mulf %mul3A_16, %add3A_22 : vector<256x3072xf32>
    %get3A_24 = arith.constant 0 : index
    %get3A_25 = arith.constant 0 : index
    %get3A_26 = arith.constant 0 : index
    %get3A_27 = vector.load %arg4[%get3A_24, %get3A_25, %get3A_26] : memref<1x768x3072xf32, #tpu.memory_space<vmem>>, vector<1x768x3072xf32>
    %get3A_28 = vector.shape_cast %get3A_27 : vector<1x768x3072xf32> to vector<768x3072xf32>
    %convert_element_type3A_29 = arith.truncf %mul3A_23 : vector<256x3072xf32> to vector<256x3072xbf16>
    %convert_element_type3A_30 = arith.truncf %get3A_28 : vector<768x3072xf32> to vector<768x3072xbf16>
    %dot_general3A_31 = arith.constant dense<0.000000e+00> : vector<256x768xf32>
    %dot_general3A_32 = tpu.matmul %convert_element_type3A_29, %convert_element_type3A_30, %dot_general3A_31 {dimension_numbers = #tpu.dot_dimension_numbers<[1], [1], [0], [0], [0, 0, 1, 0], [], []>, transpose_lhs_hint = false} : vector<256x3072xbf16>, vector<768x3072xbf16>, vector<256x768xf32> -> vector<256x768xf32>
    %get3A_33 = arith.constant 0 : index
    %get3A_34 = arith.constant 0 : index
    %get3A_35 = arith.constant 0 : index
    %get3A_36 = vector.load %arg5[%get3A_33, %get3A_34, %get3A_35] : memref<1x1x768xf32, #tpu.memory_space<vmem>>, vector<1x1x768xf32>
    %get3A_37 = vector.shape_cast %get3A_36 : vector<1x1x768xf32> to vector<1x768xf32>
    %add3A_38 = vector.broadcast %get3A_37 : vector<1x768xf32> to vector<256x768xf32>
    %add3A_39 = arith.addf %dot_general3A_32, %add3A_38 : vector<256x768xf32>
    %get3A_40 = arith.constant 0 : index
    %get3A_41 = arith.constant 0 : index
    %get3A_42 = vector.load %arg1[%get3A_40, %get3A_41] : memref<256x768xf32, #tpu.memory_space<vmem>>, vector<256x768xf32>
    %add3A_43 = arith.addf %get3A_42, %add3A_39 : vector<256x768xf32>
    %get3A_44 = arith.constant 0 : index
    %get3A_45 = arith.constant 0 : index
    %get3A_46 = arith.constant 0 : index
    %get3A_47 = vector.load %arg6[%get3A_44, %get3A_45, %get3A_46] : memref<1x1x768xf32, #tpu.memory_space<vmem>>, vector<1x1x768xf32>
    %get3A_48 = vector.shape_cast %get3A_47 : vector<1x1x768xf32> to vector<1x768xf32>
    %get3A_49 = arith.constant 0 : index
    %get3A_50 = arith.constant 0 : index
    %get3A_51 = arith.constant 0 : index
    %get3A_52 = vector.load %arg7[%get3A_49, %get3A_50, %get3A_51] : memref<1x1x768xf32, #tpu.memory_space<vmem>>, vector<1x1x768xf32>
    %get3A_53 = vector.shape_cast %get3A_52 : vector<1x1x768xf32> to vector<1x768xf32>
    %reduce_sum3A = arith.constant dense<0.000000e+00> : vector<256xf32>
    %reduce_sum3A_54 = vector.multi_reduction <add>, %add3A_43, %reduce_sum3A [1] : vector<256x768xf32> to vector<256xf32>
    %broadcast_in_dim3A = vector.shape_cast %reduce_sum3A_54 : vector<256xf32> to vector<256x1xf32>
    %div3A = arith.constant 7.680000e+02 : f32
    %div3A_55 = vector.broadcast %div3A : f32 to vector<256x1xf32>
    %div3A_56 = arith.divf %broadcast_in_dim3A, %div3A_55 : vector<256x1xf32>
    %sub3A = vector.broadcast %div3A_56 : vector<256x1xf32> to vector<256x768xf32>
    %sub3A_57 = arith.subf %add3A_43, %sub3A : vector<256x768xf32>
    %mul3A_58 = arith.mulf %sub3A_57, %sub3A_57 : vector<256x768xf32>
    %reduce_sum3A_59 = arith.constant dense<0.000000e+00> : vector<256xf32>
    %reduce_sum3A_60 = vector.multi_reduction <add>, %mul3A_58, %reduce_sum3A_59 [1] : vector<256x768xf32> to vector<256xf32>
    %broadcast_in_dim3A_61 = vector.shape_cast %reduce_sum3A_60 : vector<256xf32> to vector<256x1xf32>
    %div3A_62 = arith.constant 7.680000e+02 : f32
    %div3A_63 = vector.broadcast %div3A_62 : f32 to vector<256x1xf32>
    %div3A_64 = arith.divf %broadcast_in_dim3A_61, %div3A_63 : vector<256x1xf32>
    %add3A_65 = arith.constant 9.99999974E-6 : f32
    %add3A_66 = vector.broadcast %add3A_65 : f32 to vector<256x1xf32>
    %add3A_67 = arith.addf %div3A_64, %add3A_66 : vector<256x1xf32>
    %rsqrt3A = math.rsqrt %add3A_67 : vector<256x1xf32>
    %mul3A_68 = vector.broadcast %rsqrt3A : vector<256x1xf32> to vector<256x768xf32>
    %mul3A_69 = arith.mulf %sub3A_57, %mul3A_68 : vector<256x768xf32>
    %mul3A_70 = vector.broadcast %get3A_48 : vector<1x768xf32> to vector<256x768xf32>
    %mul3A_71 = arith.mulf %mul3A_69, %mul3A_70 : vector<256x768xf32>
    %add3A_72 = vector.broadcast %get3A_53 : vector<1x768xf32> to vector<256x768xf32>
    %add3A_73 = arith.addf %mul3A_71, %add3A_72 : vector<256x768xf32>
    %swap3A = arith.constant 0 : index
    %swap3A_74 = arith.constant 0 : index
    %swap3A_75 = vector.load %arg8[%swap3A, %swap3A_74] : memref<256x768xf32, #tpu.memory_space<vmem>>, vector<256x768xf32>
    tpu.vector_store %arg8[%swap3A, %swap3A_74], %add3A_73 {strides = array<i32>} : memref<256x768xf32, #tpu.memory_space<vmem>>, vector<256x768xf32>,
    return
  }
  func.func @transform_0(%arg0: i32) -> (i32, i32) {
    %c0_i32 = arith.constant 0 : i32
    %c0_i32_0 = arith.constant 0 : i32
    return %arg0, %c0_i32 : i32, i32
  }
  func.func @transform_1(%arg0: i32) -> (i32, i32, i32) {
    %c1_i32 = arith.constant 1 : i32
    %c0_i32 = arith.constant 0 : i32
    %c0_i32_0 = arith.constant 0 : i32
    %c0_i32_1 = arith.constant 0 : i32
    return %c1_i32, %c0_i32, %c0_i32_0 : i32, i32, i32
  }
  func.func @transform_2(%arg0: i32) -> (i32, i32, i32) {
    %c1_i32 = arith.constant 1 : i32
    %c0_i32 = arith.constant 0 : i32
    %c0_i32_0 = arith.constant 0 : i32
    %c0_i32_1 = arith.constant 0 : i32
    return %c1_i32, %c0_i32, %c0_i32_0 : i32, i32, i32
  }
  func.func @transform_3(%arg0: i32) -> (i32, i32, i32) {
    %c1_i32 = arith.constant 1 : i32
    %c0_i32 = arith.constant 0 : i32
    %c0_i32_0 = arith.constant 0 : i32
    %c0_i32_1 = arith.constant 0 : i32
    return %c1_i32, %c0_i32, %c0_i32_0 : i32, i32, i32
  }
  func.func @transform_4(%arg0: i32) -> (i32, i32, i32) {
    %c1_i32 = arith.constant 1 : i32
    %c0_i32 = arith.constant 0 : i32
    %c0_i32_0 = arith.constant 0 : i32
    %c0_i32_1 = arith.constant 0 : i32
    return %c1_i32, %c0_i32, %c0_i32_0 : i32, i32, i32
  }
  func.func @transform_5(%arg0: i32) -> (i32, i32, i32) {
    %c1_i32 = arith.constant 1 : i32
    %c0_i32 = arith.constant 0 : i32
    %c0_i32_0 = arith.constant 0 : i32
    %c0_i32_1 = arith.constant 0 : i32
    return %c1_i32, %c0_i32, %c0_i32_0 : i32, i32, i32
  }
  func.func @transform_6(%arg0: i32) -> (i32, i32, i32) {
    %c1_i32 = arith.constant 1 : i32
    %c0_i32 = arith.constant 0 : i32
    %c0_i32_0 = arith.constant 0 : i32
    %c0_i32_1 = arith.constant 0 : i32
    return %c1_i32, %c0_i32, %c0_i32_0 : i32, i32, i32
  }
  func.func @transform_7(%arg0: i32) -> (i32, i32) {
    %c0_i32 = arith.constant 0 : i32
    %c0_i32_0 = arith.constant 0 : i32
    return %arg0, %c0_i32 : i32, i32
  }
}

module attributes {stable_mosaic.version = 14 : i64} {
  func.func @_clf_body(%arg0: i32, %arg1: memref<256x768xf32, #tpu.memory_space<vmem>>, %arg2: memref<1x768xf32, #tpu.memory_space<vmem>>, %arg3: memref<1x768xf32, #tpu.memory_space<vmem>>, %arg4: memref<10x256x768xf32, #tpu.memory_space<vmem>>, %arg5: memref<1x10xf32, #tpu.memory_space<vmem>>, %arg6: memref<1xi32, #tpu.memory_space<smem>>, %arg7: memref<1x10xf32, #tpu.memory_space<vmem>>, %arg8: memref<1x1xf32, #tpu.memory_space<vmem>>, %arg9: memref<1x10xf32, #tpu.memory_space<vmem>>) attributes {dimension_semantics = [#tpu.dimension_semantics<arbitrary>], iteration_bounds = array<i64: 8>, scalar_prefetch = 0 : i64, scratch_operands = 1 : i64, tpu.core_type = #tpu.core_type<tc>, window_params = [{transform_indices = @transform_0, window_bounds = array<i64: 256, 768>}, {pipeline_mode = #tpu.pipeline_mode<synchronous>, transform_indices = @transform_1, window_bounds = array<i64: 1, 768>}, {pipeline_mode = #tpu.pipeline_mode<synchronous>, transform_indices = @transform_2, window_bounds = array<i64: 1, 768>}, {transform_indices = @transform_3, window_bounds = array<i64: 10, 256, 768>}, {pipeline_mode = #tpu.pipeline_mode<synchronous>, transform_indices = @transform_4, window_bounds = array<i64: 1, 10>}, {transform_indices = @transform_5, window_bounds = array<i64: 1>}, {pipeline_mode = #tpu.pipeline_mode<synchronous>, transform_indices = @transform_6, window_bounds = array<i64: 1, 10>}, {pipeline_mode = #tpu.pipeline_mode<synchronous>, transform_indices = @transform_7, window_bounds = array<i64: 1, 1>}]} {
    %eq3A = arith.constant 0 : i32
    %eq3A_0 = arith.cmpi eq, %arg0, %eq3A : i32
    %convert_element_type3A = arith.extui %eq3A_0 : i1 to i32
    %cond3A = arith.constant 0 : i32
    %cond3A_1 = arith.cmpi ne, %convert_element_type3A, %cond3A : i32
    scf.if %cond3A_1 {
      %broadcast_in_dim3A_201 = arith.constant 0.000000e+00 : f32
      %broadcast_in_dim3A_202 = vector.broadcast %broadcast_in_dim3A_201 : f32 to vector<1x10xf32>
      %swap3A_203 = arith.constant 0 : index
      %swap3A_204 = arith.constant 0 : index
      %swap3A_205 = vector.load %arg9[%swap3A_203, %swap3A_204] : memref<1x10xf32, #tpu.memory_space<vmem>>, vector<1x10xf32>
      tpu.vector_store %arg9[%swap3A_203, %swap3A_204], %broadcast_in_dim3A_202 {strides = array<i32>} : memref<1x10xf32, #tpu.memory_space<vmem>>, vector<1x10xf32>,
    } else {
    }
    %get3A = arith.constant 0 : index
    %get3A_2 = arith.constant 0 : index
    %get3A_3 = vector.load %arg1[%get3A, %get3A_2] : memref<256x768xf32, #tpu.memory_space<vmem>>, vector<256x768xf32>
    %get3A_4 = arith.constant 0 : index
    %get3A_5 = arith.constant 0 : index
    %get3A_6 = vector.load %arg2[%get3A_4, %get3A_5] : memref<1x768xf32, #tpu.memory_space<vmem>>, vector<1x768xf32>
    %get3A_7 = arith.constant 0 : index
    %get3A_8 = arith.constant 0 : index
    %get3A_9 = vector.load %arg3[%get3A_7, %get3A_8] : memref<1x768xf32, #tpu.memory_space<vmem>>, vector<1x768xf32>
    %reduce_sum3A = arith.constant dense<0.000000e+00> : vector<256xf32>
    %reduce_sum3A_10 = vector.multi_reduction <add>, %get3A_3, %reduce_sum3A [1] : vector<256x768xf32> to vector<256xf32>
    %broadcast_in_dim3A = vector.shape_cast %reduce_sum3A_10 : vector<256xf32> to vector<256x1xf32>
    %div3A = arith.constant 7.680000e+02 : f32
    %div3A_11 = vector.broadcast %div3A : f32 to vector<256x1xf32>
    %div3A_12 = arith.divf %broadcast_in_dim3A, %div3A_11 : vector<256x1xf32>
    %sub3A = vector.broadcast %div3A_12 : vector<256x1xf32> to vector<256x768xf32>
    %sub3A_13 = arith.subf %get3A_3, %sub3A : vector<256x768xf32>
    %mul3A = arith.mulf %sub3A_13, %sub3A_13 : vector<256x768xf32>
    %reduce_sum3A_14 = arith.constant dense<0.000000e+00> : vector<256xf32>
    %reduce_sum3A_15 = vector.multi_reduction <add>, %mul3A, %reduce_sum3A_14 [1] : vector<256x768xf32> to vector<256xf32>
    %broadcast_in_dim3A_16 = vector.shape_cast %reduce_sum3A_15 : vector<256xf32> to vector<256x1xf32>
    %div3A_17 = arith.constant 7.680000e+02 : f32
    %div3A_18 = vector.broadcast %div3A_17 : f32 to vector<256x1xf32>
    %div3A_19 = arith.divf %broadcast_in_dim3A_16, %div3A_18 : vector<256x1xf32>
    %add3A = arith.constant 9.99999974E-6 : f32
    %add3A_20 = vector.broadcast %add3A : f32 to vector<256x1xf32>
    %add3A_21 = arith.addf %div3A_19, %add3A_20 : vector<256x1xf32>
    %rsqrt3A = math.rsqrt %add3A_21 : vector<256x1xf32>
    %mul3A_22 = vector.broadcast %rsqrt3A : vector<256x1xf32> to vector<256x768xf32>
    %mul3A_23 = arith.mulf %sub3A_13, %mul3A_22 : vector<256x768xf32>
    %mul3A_24 = vector.broadcast %get3A_6 : vector<1x768xf32> to vector<256x768xf32>
    %mul3A_25 = arith.mulf %mul3A_23, %mul3A_24 : vector<256x768xf32>
    %add3A_26 = vector.broadcast %get3A_9 : vector<1x768xf32> to vector<256x768xf32>
    %add3A_27 = arith.addf %mul3A_25, %add3A_26 : vector<256x768xf32>
    %mul3A_28 = arith.constant 5.000000e-01 : f32
    %mul3A_29 = vector.broadcast %mul3A_28 : f32 to vector<256x768xf32>
    %mul3A_30 = arith.mulf %mul3A_29, %add3A_27 : vector<256x768xf32>
    %mul3A_31 = arith.constant 0.707106769 : f32
    %mul3A_32 = vector.broadcast %mul3A_31 : f32 to vector<256x768xf32>
    %mul3A_33 = arith.mulf %add3A_27, %mul3A_32 : vector<256x768xf32>
    %erf3A = math.erf %mul3A_33 : vector<256x768xf32>
    %add3A_34 = arith.constant 1.000000e+00 : f32
    %add3A_35 = vector.broadcast %add3A_34 : f32 to vector<256x768xf32>
    %add3A_36 = arith.addf %add3A_35, %erf3A : vector<256x768xf32>
    %mul3A_37 = arith.mulf %mul3A_30, %add3A_36 : vector<256x768xf32>
    %get3A_38 = arith.constant 0 : index
    %get3A_39 = arith.constant 0 : index
    %get3A_40 = arith.constant 0 : index
    %get3A_41 = vector.load %arg4[%get3A_38, %get3A_39, %get3A_40] : memref<10x256x768xf32, #tpu.memory_space<vmem>>, vector<1x256x768xf32>
    %get3A_42 = vector.shape_cast %get3A_41 : vector<1x256x768xf32> to vector<256x768xf32>
    %mul3A_43 = arith.mulf %mul3A_37, %get3A_42 : vector<256x768xf32>
    %reduce_sum3A_44 = vector.shape_cast %mul3A_43 : vector<256x768xf32> to vector<1x256x768xf32>
    %reduce_sum3A_45 = arith.constant dense<0.000000e+00> : vector<1xf32>
    %reduce_sum3A_46 = vector.multi_reduction <add>, %reduce_sum3A_44, %reduce_sum3A_45 [1, 2] : vector<1x256x768xf32> to vector<1xf32>
    %reduce_sum3A_47 = vector.shape_cast %reduce_sum3A_46 : vector<1xf32> to vector<1x1x1xf32>
    %reduce_sum3A_48 = vector.extract %reduce_sum3A_47[0, 0, 0] : f32 from vector<1x1x1xf32>
    %get3A_49 = arith.constant 1 : index
    %get3A_50 = arith.constant 0 : index
    %get3A_51 = arith.constant 0 : index
    %get3A_52 = vector.load %arg4[%get3A_49, %get3A_50, %get3A_51] : memref<10x256x768xf32, #tpu.memory_space<vmem>>, vector<1x256x768xf32>
    %get3A_53 = vector.shape_cast %get3A_52 : vector<1x256x768xf32> to vector<256x768xf32>
    %mul3A_54 = arith.mulf %mul3A_37, %get3A_53 : vector<256x768xf32>
    %reduce_sum3A_55 = vector.shape_cast %mul3A_54 : vector<256x768xf32> to vector<1x256x768xf32>
    %reduce_sum3A_56 = arith.constant dense<0.000000e+00> : vector<1xf32>
    %reduce_sum3A_57 = vector.multi_reduction <add>, %reduce_sum3A_55, %reduce_sum3A_56 [1, 2] : vector<1x256x768xf32> to vector<1xf32>
    %reduce_sum3A_58 = vector.shape_cast %reduce_sum3A_57 : vector<1xf32> to vector<1x1x1xf32>
    %reduce_sum3A_59 = vector.extract %reduce_sum3A_58[0, 0, 0] : f32 from vector<1x1x1xf32>
    %get3A_60 = arith.constant 2 : index
    %get3A_61 = arith.constant 0 : index
    %get3A_62 = arith.constant 0 : index
    %get3A_63 = vector.load %arg4[%get3A_60, %get3A_61, %get3A_62] : memref<10x256x768xf32, #tpu.memory_space<vmem>>, vector<1x256x768xf32>
    %get3A_64 = vector.shape_cast %get3A_63 : vector<1x256x768xf32> to vector<256x768xf32>
    %mul3A_65 = arith.mulf %mul3A_37, %get3A_64 : vector<256x768xf32>
    %reduce_sum3A_66 = vector.shape_cast %mul3A_65 : vector<256x768xf32> to vector<1x256x768xf32>
    %reduce_sum3A_67 = arith.constant dense<0.000000e+00> : vector<1xf32>
    %reduce_sum3A_68 = vector.multi_reduction <add>, %reduce_sum3A_66, %reduce_sum3A_67 [1, 2] : vector<1x256x768xf32> to vector<1xf32>
    %reduce_sum3A_69 = vector.shape_cast %reduce_sum3A_68 : vector<1xf32> to vector<1x1x1xf32>
    %reduce_sum3A_70 = vector.extract %reduce_sum3A_69[0, 0, 0] : f32 from vector<1x1x1xf32>
    %get3A_71 = arith.constant 3 : index
    %get3A_72 = arith.constant 0 : index
    %get3A_73 = arith.constant 0 : index
    %get3A_74 = vector.load %arg4[%get3A_71, %get3A_72, %get3A_73] : memref<10x256x768xf32, #tpu.memory_space<vmem>>, vector<1x256x768xf32>
    %get3A_75 = vector.shape_cast %get3A_74 : vector<1x256x768xf32> to vector<256x768xf32>
    %mul3A_76 = arith.mulf %mul3A_37, %get3A_75 : vector<256x768xf32>
    %reduce_sum3A_77 = vector.shape_cast %mul3A_76 : vector<256x768xf32> to vector<1x256x768xf32>
    %reduce_sum3A_78 = arith.constant dense<0.000000e+00> : vector<1xf32>
    %reduce_sum3A_79 = vector.multi_reduction <add>, %reduce_sum3A_77, %reduce_sum3A_78 [1, 2] : vector<1x256x768xf32> to vector<1xf32>
    %reduce_sum3A_80 = vector.shape_cast %reduce_sum3A_79 : vector<1xf32> to vector<1x1x1xf32>
    %reduce_sum3A_81 = vector.extract %reduce_sum3A_80[0, 0, 0] : f32 from vector<1x1x1xf32>
    %get3A_82 = arith.constant 4 : index
    %get3A_83 = arith.constant 0 : index
    %get3A_84 = arith.constant 0 : index
    %get3A_85 = vector.load %arg4[%get3A_82, %get3A_83, %get3A_84] : memref<10x256x768xf32, #tpu.memory_space<vmem>>, vector<1x256x768xf32>
    %get3A_86 = vector.shape_cast %get3A_85 : vector<1x256x768xf32> to vector<256x768xf32>
    %mul3A_87 = arith.mulf %mul3A_37, %get3A_86 : vector<256x768xf32>
    %reduce_sum3A_88 = vector.shape_cast %mul3A_87 : vector<256x768xf32> to vector<1x256x768xf32>
    %reduce_sum3A_89 = arith.constant dense<0.000000e+00> : vector<1xf32>
    %reduce_sum3A_90 = vector.multi_reduction <add>, %reduce_sum3A_88, %reduce_sum3A_89 [1, 2] : vector<1x256x768xf32> to vector<1xf32>
    %reduce_sum3A_91 = vector.shape_cast %reduce_sum3A_90 : vector<1xf32> to vector<1x1x1xf32>
    %reduce_sum3A_92 = vector.extract %reduce_sum3A_91[0, 0, 0] : f32 from vector<1x1x1xf32>
    %get3A_93 = arith.constant 5 : index
    %get3A_94 = arith.constant 0 : index
    %get3A_95 = arith.constant 0 : index
    %get3A_96 = vector.load %arg4[%get3A_93, %get3A_94, %get3A_95] : memref<10x256x768xf32, #tpu.memory_space<vmem>>, vector<1x256x768xf32>
    %get3A_97 = vector.shape_cast %get3A_96 : vector<1x256x768xf32> to vector<256x768xf32>
    %mul3A_98 = arith.mulf %mul3A_37, %get3A_97 : vector<256x768xf32>
    %reduce_sum3A_99 = vector.shape_cast %mul3A_98 : vector<256x768xf32> to vector<1x256x768xf32>
    %reduce_sum3A_100 = arith.constant dense<0.000000e+00> : vector<1xf32>
    %reduce_sum3A_101 = vector.multi_reduction <add>, %reduce_sum3A_99, %reduce_sum3A_100 [1, 2] : vector<1x256x768xf32> to vector<1xf32>
    %reduce_sum3A_102 = vector.shape_cast %reduce_sum3A_101 : vector<1xf32> to vector<1x1x1xf32>
    %reduce_sum3A_103 = vector.extract %reduce_sum3A_102[0, 0, 0] : f32 from vector<1x1x1xf32>
    %get3A_104 = arith.constant 6 : index
    %get3A_105 = arith.constant 0 : index
    %get3A_106 = arith.constant 0 : index
    %get3A_107 = vector.load %arg4[%get3A_104, %get3A_105, %get3A_106] : memref<10x256x768xf32, #tpu.memory_space<vmem>>, vector<1x256x768xf32>
    %get3A_108 = vector.shape_cast %get3A_107 : vector<1x256x768xf32> to vector<256x768xf32>
    %mul3A_109 = arith.mulf %mul3A_37, %get3A_108 : vector<256x768xf32>
    %reduce_sum3A_110 = vector.shape_cast %mul3A_109 : vector<256x768xf32> to vector<1x256x768xf32>
    %reduce_sum3A_111 = arith.constant dense<0.000000e+00> : vector<1xf32>
    %reduce_sum3A_112 = vector.multi_reduction <add>, %reduce_sum3A_110, %reduce_sum3A_111 [1, 2] : vector<1x256x768xf32> to vector<1xf32>
    %reduce_sum3A_113 = vector.shape_cast %reduce_sum3A_112 : vector<1xf32> to vector<1x1x1xf32>
    %reduce_sum3A_114 = vector.extract %reduce_sum3A_113[0, 0, 0] : f32 from vector<1x1x1xf32>
    %get3A_115 = arith.constant 7 : index
    %get3A_116 = arith.constant 0 : index
    %get3A_117 = arith.constant 0 : index
    %get3A_118 = vector.load %arg4[%get3A_115, %get3A_116, %get3A_117] : memref<10x256x768xf32, #tpu.memory_space<vmem>>, vector<1x256x768xf32>
    %get3A_119 = vector.shape_cast %get3A_118 : vector<1x256x768xf32> to vector<256x768xf32>
    %mul3A_120 = arith.mulf %mul3A_37, %get3A_119 : vector<256x768xf32>
    %reduce_sum3A_121 = vector.shape_cast %mul3A_120 : vector<256x768xf32> to vector<1x256x768xf32>
    %reduce_sum3A_122 = arith.constant dense<0.000000e+00> : vector<1xf32>
    %reduce_sum3A_123 = vector.multi_reduction <add>, %reduce_sum3A_121, %reduce_sum3A_122 [1, 2] : vector<1x256x768xf32> to vector<1xf32>
    %reduce_sum3A_124 = vector.shape_cast %reduce_sum3A_123 : vector<1xf32> to vector<1x1x1xf32>
    %reduce_sum3A_125 = vector.extract %reduce_sum3A_124[0, 0, 0] : f32 from vector<1x1x1xf32>
    %get3A_126 = arith.constant 8 : index
    %get3A_127 = arith.constant 0 : index
    %get3A_128 = arith.constant 0 : index
    %get3A_129 = vector.load %arg4[%get3A_126, %get3A_127, %get3A_128] : memref<10x256x768xf32, #tpu.memory_space<vmem>>, vector<1x256x768xf32>
    %get3A_130 = vector.shape_cast %get3A_129 : vector<1x256x768xf32> to vector<256x768xf32>
    %mul3A_131 = arith.mulf %mul3A_37, %get3A_130 : vector<256x768xf32>
    %reduce_sum3A_132 = vector.shape_cast %mul3A_131 : vector<256x768xf32> to vector<1x256x768xf32>
    %reduce_sum3A_133 = arith.constant dense<0.000000e+00> : vector<1xf32>
    %reduce_sum3A_134 = vector.multi_reduction <add>, %reduce_sum3A_132, %reduce_sum3A_133 [1, 2] : vector<1x256x768xf32> to vector<1xf32>
    %reduce_sum3A_135 = vector.shape_cast %reduce_sum3A_134 : vector<1xf32> to vector<1x1x1xf32>
    %reduce_sum3A_136 = vector.extract %reduce_sum3A_135[0, 0, 0] : f32 from vector<1x1x1xf32>
    %get3A_137 = arith.constant 9 : index
    %get3A_138 = arith.constant 0 : index
    %get3A_139 = arith.constant 0 : index
    %get3A_140 = vector.load %arg4[%get3A_137, %get3A_138, %get3A_139] : memref<10x256x768xf32, #tpu.memory_space<vmem>>, vector<1x256x768xf32>
    %get3A_141 = vector.shape_cast %get3A_140 : vector<1x256x768xf32> to vector<256x768xf32>
    %mul3A_142 = arith.mulf %mul3A_37, %get3A_141 : vector<256x768xf32>
    %reduce_sum3A_143 = vector.shape_cast %mul3A_142 : vector<256x768xf32> to vector<1x256x768xf32>
    %reduce_sum3A_144 = arith.constant dense<0.000000e+00> : vector<1xf32>
    %reduce_sum3A_145 = vector.multi_reduction <add>, %reduce_sum3A_143, %reduce_sum3A_144 [1, 2] : vector<1x256x768xf32> to vector<1xf32>
    %reduce_sum3A_146 = vector.shape_cast %reduce_sum3A_145 : vector<1xf32> to vector<1x1x1xf32>
    %reduce_sum3A_147 = vector.extract %reduce_sum3A_146[0, 0, 0] : f32 from vector<1x1x1xf32>
    %get3A_148 = arith.constant 0 : index
    %get3A_149 = arith.constant 0 : index
    %get3A_150 = vector.load %arg9[%get3A_148, %get3A_149] : memref<1x10xf32, #tpu.memory_space<vmem>>, vector<1x10xf32>
    %stack3A = vector.broadcast %reduce_sum3A_48 : f32 to vector<1xf32>
    %stack3A_151 = vector.broadcast %reduce_sum3A_59 : f32 to vector<1xf32>
    %stack3A_152 = vector.broadcast %reduce_sum3A_70 : f32 to vector<1xf32>
    %stack3A_153 = vector.broadcast %reduce_sum3A_81 : f32 to vector<1xf32>
    %stack3A_154 = vector.broadcast %reduce_sum3A_92 : f32 to vector<1xf32>
    %stack3A_155 = vector.broadcast %reduce_sum3A_103 : f32 to vector<1xf32>
    %stack3A_156 = vector.broadcast %reduce_sum3A_114 : f32 to vector<1xf32>
    %stack3A_157 = vector.broadcast %reduce_sum3A_125 : f32 to vector<1xf32>
    %stack3A_158 = vector.broadcast %reduce_sum3A_136 : f32 to vector<1xf32>
    %stack3A_159 = vector.broadcast %reduce_sum3A_147 : f32 to vector<1xf32>
    %stack3A_160 = tpu.concatenate %stack3A, %stack3A_151, %stack3A_152, %stack3A_153, %stack3A_154, %stack3A_155, %stack3A_156, %stack3A_157, %stack3A_158, %stack3A_159 in 0 : vector<1xf32>, vector<1xf32>, vector<1xf32>, vector<1xf32>, vector<1xf32>, vector<1xf32>, vector<1xf32>, vector<1xf32>, vector<1xf32>, vector<1xf32> -> vector<10xf32>
    %reshape3A = vector.shape_cast %stack3A_160 : vector<10xf32> to vector<1x10xf32>
    %add3A_161 = arith.addf %get3A_150, %reshape3A : vector<1x10xf32>
    %swap3A = arith.constant 0 : index
    %swap3A_162 = arith.constant 0 : index
    %swap3A_163 = vector.load %arg9[%swap3A, %swap3A_162] : memref<1x10xf32, #tpu.memory_space<vmem>>, vector<1x10xf32>
    tpu.vector_store %arg9[%swap3A, %swap3A_162], %add3A_161 {strides = array<i32>} : memref<1x10xf32, #tpu.memory_space<vmem>>, vector<1x10xf32>,
    %get3A_164 = arith.constant 0 : index
    %get3A_165 = arith.constant 0 : index
    %get3A_166 = vector.load %arg9[%get3A_164, %get3A_165] : memref<1x10xf32, #tpu.memory_space<vmem>>, vector<1x10xf32>
    %get3A_167 = arith.constant 0 : index
    %get3A_168 = arith.constant 0 : index
    %get3A_169 = vector.load %arg5[%get3A_167, %get3A_168] : memref<1x10xf32, #tpu.memory_space<vmem>>, vector<1x10xf32>
    %add3A_170 = arith.addf %get3A_166, %get3A_169 : vector<1x10xf32>
    %swap3A_171 = arith.constant 0 : index
    %swap3A_172 = arith.constant 0 : index
    %swap3A_173 = vector.load %arg7[%swap3A_171, %swap3A_172] : memref<1x10xf32, #tpu.memory_space<vmem>>, vector<1x10xf32>
    tpu.vector_store %arg7[%swap3A_171, %swap3A_172], %add3A_170 {strides = array<i32>} : memref<1x10xf32, #tpu.memory_space<vmem>>, vector<1x10xf32>,
    %reduce_max3A = vector.shape_cast %add3A_170 : vector<1x10xf32> to vector<1x1x10xf32>
    %reduce_max3A_174 = arith.constant dense<0xFF800000> : vector<1xf32>
    %reduce_max3A_175 = vector.multi_reduction <maximumf>, %reduce_max3A, %reduce_max3A_174 [1, 2] : vector<1x1x10xf32> to vector<1xf32>
    %reduce_max3A_176 = vector.shape_cast %reduce_max3A_175 : vector<1xf32> to vector<1x1x1xf32>
    %reduce_max3A_177 = vector.extract %reduce_max3A_176[0, 0, 0] : f32 from vector<1x1x1xf32>
    %sub3A_178 = vector.broadcast %reduce_max3A_177 : f32 to vector<1x10xf32>
    %sub3A_179 = arith.subf %add3A_170, %sub3A_178 : vector<1x10xf32>
    %exp3A = math.exp %sub3A_179 : vector<1x10xf32>
    %reduce_sum3A_180 = vector.shape_cast %exp3A : vector<1x10xf32> to vector<1x1x10xf32>
    %reduce_sum3A_181 = arith.constant dense<0.000000e+00> : vector<1xf32>
    %reduce_sum3A_182 = vector.multi_reduction <add>, %reduce_sum3A_180, %reduce_sum3A_181 [1, 2] : vector<1x1x10xf32> to vector<1xf32>
    %reduce_sum3A_183 = vector.shape_cast %reduce_sum3A_182 : vector<1xf32> to vector<1x1x1xf32>
    %reduce_sum3A_184 = vector.extract %reduce_sum3A_183[0, 0, 0] : f32 from vector<1x1x1xf32>
    %log3A = math.log %reduce_sum3A_184 : f32
    %add3A_185 = arith.addf %reduce_max3A_177, %log3A : f32
    %iota3A = tpu.iota {dimensions = array<i32: 1>} : vector<1x10xi32>
    %get3A_186 = arith.constant 0 : index
    %get3A_187 = memref.load %arg6[%get3A_186] : memref<1xi32, #tpu.memory_space<smem>>
    %eq3A_188 = vector.broadcast %get3A_187 : i32 to vector<1x10xi32>
    %eq3A_189 = arith.cmpi eq, %iota3A, %eq3A_188 : vector<1x10xi32>
    %jit3A = arith.constant 0.000000e+00 : f32
    %broadcast_in_dim3A_190 = vector.broadcast %jit3A : f32 to vector<1x10xf32>
    %select_n3A = arith.select %eq3A_189, %add3A_170, %broadcast_in_dim3A_190 : vector<1x10xi1>, vector<1x10xf32>
    %reduce_sum3A_191 = vector.shape_cast %select_n3A : vector<1x10xf32> to vector<1x1x10xf32>
    %reduce_sum3A_192 = arith.constant dense<0.000000e+00> : vector<1xf32>
    %reduce_sum3A_193 = vector.multi_reduction <add>, %reduce_sum3A_191, %reduce_sum3A_192 [1, 2] : vector<1x1x10xf32> to vector<1xf32>
    %reduce_sum3A_194 = vector.shape_cast %reduce_sum3A_193 : vector<1xf32> to vector<1x1x1xf32>
    %reduce_sum3A_195 = vector.extract %reduce_sum3A_194[0, 0, 0] : f32 from vector<1x1x1xf32>
    %sub3A_196 = arith.subf %add3A_185, %reduce_sum3A_195 : f32
    %broadcast_in_dim3A_197 = vector.broadcast %sub3A_196 : f32 to vector<1x1xf32>
    %swap3A_198 = arith.constant 0 : index
    %swap3A_199 = arith.constant 0 : index
    %swap3A_200 = vector.load %arg8[%swap3A_198, %swap3A_199] : memref<1x1xf32, #tpu.memory_space<vmem>>, vector<1x1xf32>
    tpu.vector_store %arg8[%swap3A_198, %swap3A_199], %broadcast_in_dim3A_197 {strides = array<i32>} : memref<1x1xf32, #tpu.memory_space<vmem>>, vector<1x1xf32>,
    return
  }
  func.func @transform_0(%arg0: i32) -> (i32, i32) {
    %c0_i32 = arith.constant 0 : i32
    %c0_i32_0 = arith.constant 0 : i32
    return %arg0, %c0_i32 : i32, i32
  }
  func.func @transform_1(%arg0: i32) -> (i32, i32) {
    %c0_i32 = arith.constant 0 : i32
    %c0_i32_0 = arith.constant 0 : i32
    %c0_i32_1 = arith.constant 0 : i32
    return %c0_i32, %c0_i32_0 : i32, i32
  }
  func.func @transform_2(%arg0: i32) -> (i32, i32) {
    %c0_i32 = arith.constant 0 : i32
    %c0_i32_0 = arith.constant 0 : i32
    %c0_i32_1 = arith.constant 0 : i32
    return %c0_i32, %c0_i32_0 : i32, i32
  }
  func.func @transform_3(%arg0: i32) -> (i32, i32, i32) {
    %c0_i32 = arith.constant 0 : i32
    %c0_i32_0 = arith.constant 0 : i32
    %c0_i32_1 = arith.constant 0 : i32
    return %c0_i32, %arg0, %c0_i32_0 : i32, i32, i32
  }
  func.func @transform_4(%arg0: i32) -> (i32, i32) {
    %c0_i32 = arith.constant 0 : i32
    %c0_i32_0 = arith.constant 0 : i32
    %c0_i32_1 = arith.constant 0 : i32
    return %c0_i32, %c0_i32_0 : i32, i32
  }
  func.func @transform_5(%arg0: i32) -> i32 {
    %c0_i32 = arith.constant 0 : i32
    %c0_i32_0 = arith.constant 0 : i32
    return %c0_i32 : i32
  }
  func.func @transform_6(%arg0: i32) -> (i32, i32) {
    %c0_i32 = arith.constant 0 : i32
    %c0_i32_0 = arith.constant 0 : i32
    %c0_i32_1 = arith.constant 0 : i32
    return %c0_i32, %c0_i32_0 : i32, i32
  }
  func.func @transform_7(%arg0: i32) -> (i32, i32) {
    %c0_i32 = arith.constant 0 : i32
    %c0_i32_0 = arith.constant 0 : i32
    %c0_i32_1 = arith.constant 0 : i32
    return %c0_i32, %c0_i32_0 : i32, i32
  }
}

</mosaic_0001>

<sc_bundles>
// kernel: sparse-core-data-format-call.cloned.1.call-start
scs
called_computation_lowered:
.L_overlay_start_0:
0x0: {  	s2 =	sld [smem:$0x3FD9]  }
0x1: {  	s3 =	sld [smem:$0x3FFE];
	_ =	sdelay $0x1  }
0x2: {  	s1 =	srdreg.scid  }
0x3: {  	s0 =	sand.u32 $0x1, s1  }
0x4: {  	s18 =	sshll.u32 s0, $0xA;
	s2 =	sadd.s32 s3, s2  }
0x5: {  	s2 =	sadd.s32 s2, s18  }
0x6: {  	[smem:$0x3FB1] =	sst s2  }
0x7: {  	_ = 	snop  }
0x8: {  	s2 =	sld [smem:$0x3FB4];
	(tm) =	ssettm $0x1  }
0x9: {  	s19 =	sld [smem:$0x3FFB];
	_ =	sdelay $0x3  }
0xa: {  	_ =	strace s19  }
0xb: {  	s3 =	sld [smem:$0x3FFC];
	_ =	sdelay $0x3  }
0xc: {  	_ =	strace s3  }
0xd: {  	s3 =	sld [smem:$0x3FFD];
	_ =	sdelay $0x3  }
0xe: {  	_ =	strace s3  }
0xf: {  	_ =	strace $0x8FFFFFFF  }
0x10: {  	s20 =	sld [smem:$0x3FDB];
	_ =	sdelay $0x1  }
0x11: {  	s4 =	simm.s32 $_scs_section_size  }
0x12: {  	s5 =	simm.s32 $_size__tile_overlayer_lowered;
	s6 =	simm.s32 $_tile_overlayer_lowered  }
0x13: {  	s23 =	simm.s32 $0x1BFF;
	s22 =	sshll.u32 s6, $0x1;
	s3 =	sadd.s32 s4, s20  }
0x14: {  	s7 =	simm.s32 $0x0;
	s21 =	sshll.u32 s5, $0x1;
	s5 =	sadd.s32 s22, s3  }
0x15: {  	[timem:s7], [sflag:s23] =	dma.local [hbm:s5], s21  }
0x16: {  	_ =	swait.ge [sflag:s23], s21  }
0x17: {  	s4 =	ssub.s32 $0x0, s21;
	[sflag:s23] =	ssyncset.done $0x0  }
0x18: {  	[sflag:s23] =	ssyncadd.s32 s4;
	_ =	sdelay $0x1  }
0x19: {  	s24 =	simm.s32 $0x1B8B  }
0x1a: {  	_ =	swait.ge [sflag:s24], $0x1  }
0x1b: {  	[sflag:s24] =	ssyncset.done $0x0  }
0x1c: {  	s26 =	simm.s32 $0x1B8E;
	s25 =	sld [smem:$0x3FFE];
	[sflag:s24] =	ssyncadd.s32 $0xFFFFFFFF  }
0x1d: {  	s27 =	simm.s32 $execute0_lowered;
	[smem:$0x3FD2] =	sst s26  }
0x1e: {  	s5 =	sshll.u32 s27, $0x1;
	_ =	strace $0x80000046;
	[dreg:$0x1] =	wrdreg $0xFFFFFFFF  }
0x1f: {  	s28 =	simm.s32 $_size_execute0_lowered;
	s3 =	sadd.s32 s3, s5;
	[dreg:$0x0] =	wrdreg $0x0  }
0x20: {  	s5 =	sshll.u32 s28, $0x1;
	[dreg:$0x2] =	wrdreg s3  }
0x21: {  	[dreg:$0x3] =	wrdreg s5  }
0x22: {  	[dreg:$0x4] =	wrdreg $0xC0  }
0x23: {  	_ =	task [dreg:s7], $0x5FFFF  }
0x24: {  	[dreg:$0x1] =	wrdreg $0xFFFFFFFF  }
0x25: {  	[dreg:$0x0] =	wrdreg $0x60  }
0x26: {  	[dreg:$0x2] =	wrdreg s2  }
0x27: {  	[dreg:$0x3] =	wrdreg s25  }
0x28: {  	[dreg:$0x4] =	wrdreg $0x9  }
0x29: {  	_ =	task.clear_ibuf [dreg:s7], $0x5FFFF;
	_ =	strace $0x90000046  }
0x2a: {  	s29 =	simm.s32 $0x9;
	_ =	strace $0x80000048  }
0x2b: {  	_ =	swait.ge [sflag:s29], $0x1  }
0x2c: {  	[sflag:s29] =	ssyncadd.s32 $0xFFFFFFFF  }
0x2d: {  	_ =	strace $0x90000048  }
0x2e: {  	_ =	sfence  }
0x2f: {  	s30 =	sld [smem:$0x0];
	_ =	sdelay $0x2  }
0x30: {  	s31 =	sshll.u32 s1, $0xD;
	s1 =	sshrl.u32 s1, $0x2  }
0x31: {  	s3 =	sand.u32 $0x4000, s31;
	s1 =	sadd.s32 s1, s30  }
0x32: {  	s0 =	sor.u32 s3, s0;
	s1 =	sshll.u32 s1, $0x11  }
0x33: {  	s0 =	sor.u32 s1, s0  }
0x34: {  	s0 =	sadd.s32 $0x8F2B, s0  }
0x35: {  	[sflag:s0] =	ssyncadd.remote.s32 $0x1  }
0x36: {  	_ =	sfence.sel $0xFFFF  }
0x37: {  	[dreg:$0x0] =	wrdreg $0xFFFFFFFF;
	(pc) =	sbr.abs _section_cstart, $3  }
0x38: {  	[dreg:$0x1] =	wrdreg $0xFFFFFFFF  }
0x39: {  	_ =	task.clear_ibuf [dreg:s7], $0x2FFFF;
	_ =	strace $0x9FFFFFFF  }
0x3a: {  	(tm) =	ssettm $0x7FFFFFFF  }
0x3b: {  	_ =	shalt  }
tec
execute0_lowered:
.L_overlay_start_1:
0x0: {  	(tag) =	ssettag $0x1  }
0x1: {  	s2 =	stileid.u32;
	s0 =	srdreg.scid  }
0x2: {  	s1 =	sshll.u32 s2, $0x2;
	s0 =	sshll.u32 s0, $0x6  }
0x3: {  	s6 =	simm.s32 $0x1;
	s0 =	sor.u32 s1, s0  }
0x4: {  	s7 =	rddreg [dreg:$0x1];
	s31 =	simm.s32 $0x2;
	s1 =	sand.u32 $0x78, s0  }
0x5: {  	s17 =	simm.s32 $0x0;
	s2 =	sand.u32 $0x1, s2;
	s0 =	ssub.s32 $0x800, s1  }
0x6: {  	s9 =	simm.s32 $0x180000;
	s3 =	ssub.s32 $0x2, s2;
	s4 =	sand.u32 $0x78, s0  }
0x7: {  	s10 =	simm.s32 $0x0;
	s5 =	sshrl.u32 s3, $0x1;
	p0 =	sne.s32 s4, $0x0  }
0x8: {  	s3 =	sand.u32 $0x1, s3;
	s0 =	sshrl.u32 s0, $0x7;
	s6 =	simm.s32 @!p0 $0x0  }
0x9: {  	s16 =	simm.s32 $0x0;
	s3 =	sadd.s32 s3, s5;
	s0 =	sadd.s32 s6, s0  }
0xa: {  	s19 =	simm.s32 $0x0;
	s18 =	simm.s32 $0x0;
	s0 =	smul.u32 s0, s3  }
.Ltmp0:
0xb: {  	s11 =	simm.s32 $0x0;
	s12 =	simm.s32 $0x0;
	(pc) =	sbr.rel .LBB1_1-.Ltmp0, $4  }
0xc: {  	s15 =	simm.s32 $0x0;
	s25 =	simm.s32 $0x0;
	s5 =	simm.s32 $0x1  }
0xd: {  	s4 =	rddreg [dreg:$0x0];
	_ =	strace $0x80000047;
	s6 =	smul.u32 $0x3, s0  }
0xe: {  	s7 =	sadd.s32 $0x7A00, s7;
	s14 =	smov.u32 s2;
	[sflag:s5] =	ssyncpa.u1 $0x0  }
0xf: {  	s13 =	smov.u32 s1;
	[sflag:s31] =	ssyncpa.u1 $0x0;
	s8 =	sadd.s32 $0x1, s6  }
.LBB1_7:
0x10: {  	s0 =	sadd.s32 $0x100, s11  }
0x11: {  	s3 =	sadd.s32 $0x8, s12;
	s20 =	smov.u32 s12;
	p1 =	sgt.s32 s0, $0x2FF  }
0x12: {  	s20 =	smov.u32 @p1 s3  }
0x13: {  	s21 =	smov.u32 s13;
	s3 =	sadd.s32 $0x80, s13;
	p2 =	sgt.s32 s20, $0x7  }
0x14: {  	s21 =	smov.u32 @p2 s3  }
0x15: {  	s22 =	smov.u32 s14;
	s3 =	sadd.s32 $0x2, s14;
	p3 =	sgt.s32 s21, $0x7FF  }
0x16: {  	p0 =	slt.u32 s15, $0x2;
	s22 =	smov.u32 @p3 s3  }
0x17: {  	s17 =	smov.u32 s11;
	s0 =	simm.s32 @p1 $0x0;
	p1 =	sgt.s32 s22, $0x1  }
0x18: {  	s16 =	smov.u32 s12;
	s22 =	smov.u32 @p1 s2;
	p1 =	sne.s32 s15, s8  }
.Ltmp1:
0x19: {  	s19 =	smov.u32 s13;
	s18 =	smov.u32 s14;
	(pc) =	sbr.rel @!p1 .LBB1_8-.Ltmp1, $4  }
0x1a: {  	s10 =	sadd.s32 $0x4000, s10;
	s11 =	smov.u32 s0;
	s3 =	simm.s32 @!p0 $0x2  }
0x1b: {  	s20 =	simm.s32 @p2 $0x0;
	s21 =	smov.u32 @p3 s1;
	_ =	swait.ge @!p0 [sflag:s3], $0x4000  }
0x1c: {  	s12 =	smov.u32 s20;
	s13 =	smov.u32 s21;
	[sflag:s3] =	ssyncset.done @!p0 $0x0  }
0x1d: {  	s15 =	sadd.s32 $0x1, s15;
	[sflag:s3] =	ssyncadd.s32 @!p0 $0xFFFFC000;
	s14 =	smov.u32 s22  }
.LBB1_1:
0x1e: {  	p0 =	sge.u32 s15, s6  }
0x1f: {  	s0 =	sshrl.u32 @!p0 s12, $0x3  }
0x20: {  	s3 =	sshll.u32 @!p0 s11, $0x3;
	s0 =	smul.u32 @!p0 $0x1800, s0  }
0x21: {  	s20 =	sshll.u32 @!p0 s12, $0x7;
	s3 =	sand.u32 @!p0 $0xFFFFFC00, s3  }
0x22: {  	s0 =	sadd.s32 @!p0 s0, s3;
	s3 =	sand.u32 @!p0 $0x380, s20  }
0x23: {  	s20 =	sand.u32 @!p0 $0x7F, s11;
	s0 =	sor.u32 @!p0 s3, s0  }
0x24: {  	s3 =	sor.u32 @!p0 s20, s0  }
0x25: {  	s20 =	smulhi.u32 @!p0 $0xAAAAAAAB, s3  }
0x26: {  	s0 =	smulhi.u32 @!p0 $0xAAAAAAAB, s0  }
0x27: {  	s31 =	sadd.s32 $0xFFFFFFFF, s15;
	s22 =	smul.u32 @!p0 $0x180000, s14;
	s20 =	sshrl.u32 @!p0 s20, $0x9  }
0x28: {  	s21 =	sxor.u32 @!p0 $0xFFFFFFFF, s15;
	s0 =	sshrl.u32 @!p0 s0, $0x9;
	s20 =	smul.u32 @!p0 $0x300, s20  }
0x29: {  	s23 =	smul.u32 @!p0 $0x300, s13;
	s21 =	sshll.u32 @!p0 s21, $0xE;
	s0 =	sand.u32 @!p0 $0x7, s0  }
0x2a: {  	s0 =	smul.u32 @!p0 $0x60, s0;
	s3 =	ssub.s32 @!p0 s3, s20;
	s20 =	sadd.s32 @!p0 s4, s22  }
0x2b: {  	s21 =	sand.u32 @!p0 $0x4000, s21;
	s20 =	sadd.s32 @!p0 s23, s20;
	s22 =	sand.u32 @!p0 $0x7, s3  }
0x2c: {  	s3 =	sshrl.u32 @!p0 s3, $0x3;
	s0 =	sadd.s32 @!p0 s0, s20;
	s20 =	sshll.u32 @!p0 s22, $0x12  }
0x2d: {  	s0 =	sadd.s32 @!p0 s3, s0;
	s3 =	sor.u32 @!p0 $0x800, s20;
	s20 =	simm.s32 @!p0 $0x1800  }
0x2e: {  	[tilespmem:s21], [sflag:$0x1] =	stream.strided.gather @!p0 [hbm4b:s0+s3], $0x4000, s20, s3, $0x38;
	[tilespmem:$0x10000] =	vst v63  }
0x2f: {  	p0 =	sge.u32 s31, s6  }
.Ltmp2:
0x30: {  	_ = 	snop;
	(pc) =	sbr.rel @p0 .LBB1_7-.Ltmp2, $1  }
0x31: {  	_ =	sdelay $0x3  }
0x32: {  	s0 =	sshll.u32 s10, $0x2;
	_ =	swait.ge [sflag:s5], $0x4000;
	s3 =	sshll.u32 s15, $0xE  }
0x33: {  	p0 =	por $0x0, $0x0;
	s26 =	simm.s32 $0x0;
	s27 =	simm.s32 $0x0  }
0x34: {  	s0 =	sand.u32 $0x10000, s0;
	[sflag:s5] =	ssyncset.done $0x0;
	s23 =	sand.u32 $0x4000, s3  }
0x35: {  	s0 =	sshrl.u32 s0, $0x2;
	[sflag:s5] =	ssyncadd.s32 $0xFFFFC000;
	s20 =	sor.u32 $0x8000, s23  }
0x36: {  	s21 =	sor.u32 $0x40, s0;
	s22 =	sor.u32 $0x8410, s0;
	s24 =	sadd.s32 $0x8400, s0  }
.LBB1_3:
0x37: {  	v1 =	vld [tilespmem:s21+$0xFFFFFFD0]  }
0x38: {  	v2 =	vld [tilespmem:s21+$0x430]  }
0x39: {  	s0 =	sshll.u32 s27, $0xB;
	v4 =	vld [tilespmem:s21+$0xFFFFFFE0]  }
0x3a: {  	v7 =	vld [tilespmem:s21+$0xFFFFFFF0];
	v0 =	vmov s0  }
0x3b: {  	v8 =	vld [tilespmem:s21+$0x0]  }
0x3c: {  	v9 =	vld [tilespmem:s21+$0x10];
	s0 =	sand.u32 $0x300, s25  }
0x3d: {  	s3 =	sand.u32 $0x80, s25;
	v10 =	vld [tilespmem:s21+$0x20];
	s0 =	sadd.s32 s0, s23  }
0x3e: {  	v11 =	vld [tilespmem:s21+$0x30];
	s0 =	sadd.s32 s3, s0;
	s3 =	simm.s32 $0x1;
	[tilespmem:s22+$0x60] =	vst v2  }
0x3f: {  	s3 =	simm.s32 @!p0 $0x0;
	[tilespmem:s22+$0xFFFFFC00] =	vst v1;
	v3 =	vld.idx.msk [tilespmem:v0+s0+$0x400 ss:$0x1], $0xffff;
	s0 =	sshll.u32 s26, $0x2  }
0x40: {  	v6 =	vld [tilespmem:s21+$0x3D0];
	s3 =	sshll.u32 s3, $0x9;
	[tilespmem:s22+$0xFFFFFC10] =	vst v4;
	s0 =	sand.u32 $0xFFFFFC00, s0  }
0x41: {  	v5 =	vld [tilespmem:s21+$0x3E0];
	[tilespmem:s22+$0xFFFFFC20] =	vst v7;
	s0 =	sor.u32 s3, s0  }
0x42: {  	[tilespmem:s22+$0xFFFFFC30] =	vst v8;
	v4 =	vld [tilespmem:s21+$0x400];
	s0 =	sshrl.u32 s0, $0x2  }
0x43: {  	[tilespmem:s22+$0xFFFFFC40] =	vst v9;
	v1 =	vld [tilespmem:s21+$0x410];
	s28 =	sadd.s32 s0, s24  }
0x44: {  	[tilespmem:s28+$0x0] =	vst v3;
	v3 =	vld [tilespmem:s21+$0x3F0]  }
0x45: {  	s31 =	simm.s32 $0x100;
	[tilespmem:s22+$0xFFFFFC50] =	vst v10;
	v2 =	vld [tilespmem:s21+$0x420];
	s3 =	simm.s32 $0x80  }
0x46: {  	s29 =	sadd.s32 $0x80, s21;
	s30 =	smov.u32 s22;
	v7 =	vld [tilespmem:s21+$0xFFFFFFC0];
	[tilespmem:s22+$0xFFFFFC60] =	vst v11;
	s0 =	sand.u32 $0x300, s3  }
.LBB1_4:
0x47: {  	p1 =	sne.s32 s31, $0x380;
	v8 =	vld [tilespmem:s29+$0xFFFFFFD0];
	s3 =	sand.u32 $0x80, s3;
	s0 =	sadd.s32 s0, s23;
	[tilespmem:s30+$0x0] =	vst v6  }
0x48: {  	s0 =	sadd.s32 s3, s0;
	v6 =	vld [tilespmem:s29+$0x430];
	[tilespmem:s30+$0x10] =	vst v5;
	s3 =	smov.u32 s31  }
0x49: {  	v5 =	vld.idx.msk [tilespmem:v0+s0+$0x400 ss:$0x1], $0xffff;
	[tilespmem:s30+$0x20] =	vst v3  }
0x4a: {  	v3 =	vld [tilespmem:s29+$0xFFFFFFE0];
	[tilespmem:s30+$0x30] =	vst v4  }
0x4b: {  	v4 =	vld [tilespmem:s29+$0xFFFFFFF0];
	[tilespmem:s30+$0xFFFFFBF0] =	vst v7  }
0x4c: {  	v7 =	vld [tilespmem:s29+$0x0];
	[tilespmem:s30+$0x40] =	vst v1  }
0x4d: {  	v1 =	vld [tilespmem:s29+$0x10];
	[tilespmem:s30+$0x50] =	vst v2;
	s30 =	sadd.s32 $0x800, s30  }
0x4e: {  	s28 =	sadd.s32 $0x800, s28;
	v2 =	vld [tilespmem:s29+$0x20];
	[tilespmem:s30+$0x60] =	vst v6  }
0x4f: {  	v9 =	vld [tilespmem:s29+$0x30];
	[tilespmem:s28+$0x0] =	vst v5  }
0x50: {  	[tilespmem:s30+$0xFFFFFC00] =	vst v8;
	v6 =	vld [tilespmem:s29+$0x3D0]  }
0x51: {  	[tilespmem:s30+$0xFFFFFC10] =	vst v3;
	v5 =	vld [tilespmem:s29+$0x3E0]  }
.Ltmp3:
0x52: {  	[tilespmem:s30+$0xFFFFFC20] =	vst v4;
	v3 =	vld [tilespmem:s29+$0x3F0];
	(pc) =	sbr.rel @p1 .LBB1_4-.Ltmp3, $4  }
0x53: {  	[tilespmem:s30+$0xFFFFFC30] =	vst v7;
	v4 =	vld [tilespmem:s29+$0x400]  }
0x54: {  	[tilespmem:s30+$0xFFFFFC40] =	vst v1;
	v1 =	vld [tilespmem:s29+$0x410]  }
0x55: {  	[tilespmem:s30+$0xFFFFFC50] =	vst v2;
	v2 =	vld [tilespmem:s29+$0x420]  }
0x56: {  	s31 =	sadd.s32 $0x80, s31;
	s0 =	sand.u32 $0x300, s3;
	v7 =	vld [tilespmem:s29+$0xFFFFFFC0];
	[tilespmem:s30+$0xFFFFFC60] =	vst v9;
	s29 =	sadd.s32 $0x80, s29  }
0x57: {  	[tilespmem:s30+$0x0] =	vst v6  }
0x58: {  	[tilespmem:s30+$0x10] =	vst v5  }
0x59: {  	v49 =	vld [tilespmem:s29+$0x430];
	[tilespmem:s30+$0x20] =	vst v3  }
0x5a: {  	v50 =	vld [tilespmem:s29+$0xFFFFFFD0];
	[tilespmem:s30+$0x30] =	vst v4  }
0x5b: {  	v51 =	vld [tilespmem:s29+$0xFFFFFFE0];
	[tilespmem:s30+$0x40] =	vst v1  }
0x5c: {  	v52 =	vld [tilespmem:s29+$0xFFFFFFF0];
	[tilespmem:s30+$0x50] =	vst v2  }
0x5d: {  	v53 =	vld [tilespmem:s29+$0x0];
	[tilespmem:s30+$0xFFFFFBF0] =	vst v7;
	s30 =	sadd.s32 $0x800, s30  }
0x5e: {  	v54 =	vld [tilespmem:s29+$0x10];
	[tilespmem:s30+$0x60] =	vst v49  }
0x5f: {  	v55 =	vld [tilespmem:s29+$0x20];
	[tilespmem:s30+$0xFFFFFC00] =	vst v50  }
0x60: {  	v56 =	vld [tilespmem:s29+$0x30];
	[tilespmem:s30+$0xFFFFFC10] =	vst v51  }
0x61: {  	v57 =	vld [tilespmem:s29+$0x3D0];
	[tilespmem:s30+$0xFFFFFC20] =	vst v52  }
0x62: {  	v58 =	vld [tilespmem:s29+$0x3E0];
	[tilespmem:s30+$0xFFFFFC30] =	vst v53  }
0x63: {  	v59 =	vld [tilespmem:s29+$0x3F0];
	[tilespmem:s30+$0xFFFFFC40] =	vst v54  }
0x64: {  	v60 =	vld [tilespmem:s29+$0x400];
	[tilespmem:s30+$0xFFFFFC50] =	vst v55  }
0x65: {  	v61 =	vld [tilespmem:s29+$0xFFFFFFC0];
	[tilespmem:s30+$0xFFFFFC60] =	vst v56  }
0x66: {  	s3 =	sand.u32 $0x80, s3;
	s0 =	sadd.s32 s0, s23;
	v62 =	vld [tilespmem:s29+$0x410];
	[tilespmem:s30+$0x0] =	vst v57  }
0x67: {  	v63 =	vld [tilespmem:s29+$0x420];
	s27 =	sadd.s32 $0x1, s27;
	s0 =	sadd.s32 s3, s0;
	[tilespmem:s30+$0x10] =	vst v58  }
0x68: {  	p1 =	sne.s32 s27, $0x8;
	v0 =	vld.idx.msk [tilespmem:v0+s0+$0x400 ss:$0x1], $0xffff;
	[tilespmem:s30+$0x20] =	vst v59  }
.Ltmp4:
0x69: {  	[tilespmem:s30+$0x30] =	vst v60;
	(pc) =	sbr.rel @p1 .LBB1_3-.Ltmp4, $4  }
0x6a: {  	[tilespmem:s30+$0xFFFFFBF0] =	vst v61  }
0x6b: {  	[tilespmem:s30+$0x40] =	vst v62  }
0x6c: {  	s31 =	sadd.s32 $0x800, s28;
	s21 =	sadd.s32 $0x800, s21;
	[tilespmem:s30+$0x50] =	vst v63  }
0x6d: {  	s26 =	sadd.s32 $0x80, s26;
	p0 =	por !p0, !p0;
	s22 =	sadd.s32 $0x80, s22;
	[tilespmem:s31+$0x0] =	vst v0  }
0x6e: {  	s0 =	sshrl.u32 s19, $0x3  }
0x6f: {  	s3 =	sshll.u32 s17, $0x3;
	s0 =	smul.u32 $0x1800, s0  }
0x70: {  	s24 =	sshll.u32 s19, $0x7;
	s3 =	sand.u32 $0xFFFFFC00, s3  }
0x71: {  	s26 =	sand.u32 $0x380, s24;
	s0 =	sadd.s32 s0, s3  }
0x72: {  	s27 =	sand.u32 $0x7F, s17;
	s0 =	sor.u32 s26, s0  }
0x73: {  	s3 =	sor.u32 s27, s0;
	s0 =	smulhi.u32 $0xAAAAAAAB, s0  }
0x74: {  	s17 =	smulhi.u32 $0xAAAAAAAB, s3  }
0x75: {  	s18 =	smul.u32 $0x180000, s18  }
0x76: {  	s16 =	smul.u32 $0x30000, s16;
	s0 =	sshrl.u32 s0, $0x9;
	s17 =	sshrl.u32 s17, $0x9  }
0x77: {  	s0 =	sand.u32 $0x7FF, s0;
	s17 =	smul.u32 $0x300, s17  }
0x78: {  	s0 =	smul.u32 $0x60, s0  }
.Ltmp5:
0x79: {  	s28 =	sadd.s32 s7, s18;
	s3 =	ssub.s32 s3, s17;
	(pc) =	sbr.rel .LBB1_7-.Ltmp5, $4  }
0x7a: {  	s16 =	sadd.s32 s16, s28;
	s29 =	sand.u32 $0x7, s3  }
0x7b: {  	s0 =	sadd.s32 s0, s16;
	s3 =	sshrl.u32 s3, $0x3;
	s30 =	sshll.u32 s29, $0x12  }
0x7c: {  	s0 =	sadd.s32 s3, s0;
	s31 =	sor.u32 $0x800, s30  }
0x7d: {  	[hbm4b:s0+s31] =	stream.strided.scatter [tilespmem:s20], [sflag:$0x2], $0x4000, s9, s31, $0x38;
	[tilespmem:$0x10000] =	vst v63  }
.LBB1_8:
0x7e: {  	_ =	sfence.sel $0x180000  }
0x7f: {  	s0 =	simm.s32 $0x1;
	[bflag:$0x0] =	sbarrier.arrive $0xFFFF  }
0x80: {  	s30 =	simm.s32 $0x2;
	[sflag:s0] =	ssyncpa.u1 $0x1  }
0x81: {  	[sflag:s30] =	ssyncpa.u1 $0x1  }
0x82: {  	_ =	strace $0x90000047  }
0x83: {  	s31 =	stileid.u32;
	[bflag:$0x2] =	sbarrier.arrive $0xFFFF  }
0x84: {  	p0 =	sne.s32 s31, $0x0;
	s0 =	rddreg [dreg:$0x2]  }
0x85: {  	s0 =	sadd.s32 @!p0 $0x100000, s0  }
0x86: {  	[sflag:s0] =	ssyncadd.tile.s32 @!p0 $0x1;
	_ =	shalt  }
.Lfunc_end1:
_tile_overlayer_lowered:
.L_overlay_start_2:
0x87: {  	(tag) =	ssettag $0x2  }
0x88: {  	s0 =	rddreg [dreg:$0x0];
	s2 =	stileid.u32  }
0x89: {  	s1 =	rddreg [dreg:$0x1];
	p0 =	sne.s32 s2, $0x0  }
0x8a: {  	s3 =	rddreg [dreg:$0x2];
	[bflag:$0x3] =	sbarrier.arrive $0xFFFF;
	s2 =	simm.s32 @!p0 $0x1C01  }
0x8b: {  	[timem:s3], [sflag:s2] =	dma.local @!p0 [hbm:s0], s1  }
0x8c: {  	s0 =	simm.s32 @!p0 $0x1  }
0x8d: {  	_ =	swait.ge @!p0 [sflag:s0], s1  }
0x8e: {  	s1 =	ssub.s32 @!p0 $0x0, s1;
	[sflag:s0] =	ssyncset.done @!p0 $0x0  }
0x8f: {  	[sflag:s0] =	ssyncadd.s32 @!p0 s1  }
0x90: {  	[bflag:$0x3] =	sbarrier.arrive $0xFFFF  }
0x91: {  	_ =	shalt  }

</sc_bundles>
